<compile_context>
chip_gen: v7x
topology: tpu7x:2x2x1
jax: 0.10.2.dev20260603
libtpu: 0.0.44.dev20260713+nightly
codegen_flags: <defaults>
</compile_context>

<pallas_src>
import functools

import numpy as np
import jax
import jax.numpy as jnp
from jax import lax
from jax.experimental import pallas as pl
from jax.experimental.pallas import tpu as pltpu
from jax.experimental.pallas import tpu_sc as plsc

_K0 = 0
_K1 = 12345
_KS2 = (_K0 ^ _K1 ^ 0x1BD11BDA) & 0xFFFFFFFF
_ROT = (13, 15, 26, 6, 17, 29, 16, 24)
_SCHED = (
    (_ROT[0:4], _K1, (_KS2 + 1) & 0xFFFFFFFF),
    (_ROT[4:8], _KS2, (_K0 + 2) & 0xFFFFFFFF),
    (_ROT[0:4], _K0, (_K1 + 3) & 0xFFFFFFFF),
    (_ROT[4:8], _K1, (_KS2 + 4) & 0xFFFFFFFF),
    (_ROT[0:4], _KS2, (_K0 + 5) & 0xFFFFFFFF),
)
_TINY = float(np.finfo(np.float32).tiny)


def _i32(v):
    return jnp.int32(np.uint32(v).astype(np.int32))


def _lrs(x, r):
    return lax.shift_right_logical(x, jnp.full(x.shape, r, jnp.int32))


def _threefry_bits(p):
    x0 = jnp.zeros_like(p)
    x1 = p + _i32(_K1)
    for rots, ka, kb in _SCHED:
        for r in rots:
            x0 = x0 + x1
            x1 = (x1 << r) | _lrs(x1, 32 - r)
            x1 = x1 ^ x0
        x0 = x0 + _i32(ka)
        x1 = x1 + _i32(kb)
    return x0 ^ x1


def _neglog_u(bits):
    fb = _lrs(bits, 9) | _i32(0x3F800000)
    f = lax.bitcast_convert_type(fb, jnp.float32) - jnp.float32(1.0)
    u = jnp.maximum(f, jnp.float32(_TINY))
    return -jnp.log(u)


def _sampler_body(N, LW, NI, R, CS, pw_ref, alpha_ref, idx_ref, w_ref, c_scr,
                  c_big):
    b = pl.program_id(0)
    t = pl.program_id(1)

    pw = pw_ref[0]
    m = jnp.max(pw)
    lse = m + jnp.log(jnp.sum(jnp.exp(pw - m)))
    pwn = pw - lse
    a = alpha_ref[0]
    lu = jnp.float32(-np.log(float(N)))
    t1 = pwn + jnp.log(a)
    t2 = lu + jnp.log(jnp.float32(1.0) - a)
    mm = jnp.maximum(t1, t2)
    q0 = mm + jnp.log(jnp.exp(t1 - mm) + jnp.exp(t2 - mm))
    m2 = jnp.max(q0)
    lse2 = m2 + jnp.log(jnp.sum(jnp.exp(q0 - m2)))
    qm = q0 - lse2
    mix = a < jnp.float32(1.0)
    q = jnp.where(mix, qm, pwn)
    wsrc = jnp.where(mix, pwn - qm, jnp.full_like(pwn, lu))
    c_scr[...] = jnp.exp(-q)
    w_ref[0] = wsrc
    for jj in range(NI):
        c_big[:, jj * LW:(jj + 1) * LW] = jnp.broadcast_to(
            c_scr[pl.ds(jj, 1), :], (R, LW))

    NST = CS // R
    NJ = N // LW
    lane = lax.broadcasted_iota(jnp.int32, (R, LW), 1)
    lane128 = lax.broadcasted_iota(jnp.int32, (8, 128), 1)
    riota = lax.broadcasted_iota(jnp.int32, (R, LW), 0)
    bNN = b * _i32((N * N) & 0xFFFFFFFF)
    big = jnp.full((R, LW), jnp.int32(2**31 - 1))
    pre_ib = bNN + (t * CS + (riota % 8) * 128 + (riota // 8) * NST) * N

    def outer(st, res):
        ib = pre_ib + st * N

        def inner(j, carry):
            best_s, best_j = carry
            ptile = ib + j * LW + lane
            E = _neglog_u(_threefry_bits(ptile))
            ctile = c_big[:, pl.ds(j * LW, LW)]
            s = E * ctile
            upd = s < best_s
            return (jnp.where(upd, s, best_s), jnp.where(upd, j, best_j))

        best_s, best_j = lax.fori_loop(
            0, NJ, inner,
            (jnp.full((R, LW), jnp.inf, jnp.float32),
             jnp.zeros((R, LW), jnp.int32)),
            unroll=4)
        best_k = best_j * LW + lane
        mrow = jnp.min(best_s, axis=1, keepdims=True)
        cand = jnp.where(best_s == mrow, best_k, big)
        idxr = jnp.min(cand, axis=1, keepdims=True)
        for g in range(R // 8):
            res = jnp.where(lane128 == st + g * NST,
                            idxr[g * 8:(g + 1) * 8], res)
        return res

    res = lax.fori_loop(0, NST, outer, jnp.zeros((8, 128), jnp.int32),
                        unroll=2)
    idx_ref[0, 0] = res + b * _i32(N)


def _make_sampler(B, N, T, LW, R):
    NI = N // LW
    CS = N // T
    body = functools.partial(_sampler_body, N, LW, NI, R, CS)
    return pl.pallas_call(
        body,
        grid=(B, T),
        in_specs=[
            pl.BlockSpec((1, NI, LW), lambda b, t: (b, 0, 0)),
            pl.BlockSpec(memory_space=pltpu.SMEM),
        ],
        out_specs=[
            pl.BlockSpec((1, 1, 8, 128), lambda b, t: (b, t, 0, 0)),
            pl.BlockSpec((1, NI, LW), lambda b, t: (b, 0, 0)),
        ],
        out_shape=[
            jax.ShapeDtypeStruct((B, T, 8, 128), jnp.int32),
            jax.ShapeDtypeStruct((B, NI, LW), jnp.float32),
        ],
        scratch_shapes=[
            pltpu.VMEM((NI, LW), jnp.float32),
            pltpu.VMEM((R, N), jnp.float32),
        ],
        compiler_params=pltpu.CompilerParams(
            dimension_semantics=("parallel", "arbitrary")),
    )


def _make_sc_gather(G, CH, D):
    info = plsc.get_sparse_core_info()
    NC, NS = info.num_cores, info.num_subcores
    NW = NC * NS

    @functools.partial(
        pl.kernel,
        mesh=plsc.VectorSubcoreMesh(core_axis_name="c", subcore_axis_name="s"),
        out_type=jax.ShapeDtypeStruct((NW, CH, 128, D), jnp.float32),
        scratch_types=[
            pltpu.VMEM((CH, 128), jnp.int32),
            pltpu.VMEM((128, D), jnp.float32),
            pltpu.VMEM((128, D), jnp.float32),
            pltpu.SemaphoreType.DMA,
            pltpu.SemaphoreType.DMA,
        ],
        compiler_params=pltpu.CompilerParams(use_tc_tiling_on_sc=False),
    )
    def gk(table_hbm, idx_hbm, out_hbm, idx_v, buf0, buf1, sem0, sem1):
        w = lax.axis_index("s") * NC + lax.axis_index("c")
        pltpu.sync_copy(idx_hbm.at[w], idx_v)

        def body(jj, carry):
            j0 = jj * 2
            c0 = pltpu.async_copy(table_hbm.at[idx_v.at[j0]], buf0, sem0)
            c1 = pltpu.async_copy(table_hbm.at[idx_v.at[j0 + 1]], buf1, sem1)
            c0.wait()
            pltpu.sync_copy(buf0, out_hbm.at[w, j0])
            c1.wait()
            pltpu.sync_copy(buf1, out_hbm.at[w, j0 + 1])
            return carry

        lax.fori_loop(0, CH // 2, body, 0)

    return gk


def kernel(particle_states, particle_weights, alpha):
    B, N = particle_weights.shape
    T = 8 if (N % (8 * 128) == 0 and N // 8 >= 128) else 1
    LW = 256 if N % 256 == 0 else N
    R = 32
    pw3 = particle_weights.reshape(B, N // LW, LW)
    a1 = jnp.asarray(alpha, jnp.float32).reshape(1)
    idx4, w3 = _make_sampler(B, N, T, LW, R)(pw3, a1)
    G = B * N
    D = 8
    flat_states = particle_states.reshape(G, 3)
    table = jnp.concatenate(
        [flat_states, w3.reshape(G, 1), jnp.zeros((G, D - 4), jnp.float32)],
        axis=1)
    NW = 32
    CH = G // NW // 128
    idx3 = idx4.reshape(NW, CH, 128)
    out4 = _make_sc_gather(G, CH, D)(table, idx3)
    flat_out = out4.reshape(G, D)
    new_states = flat_out[:, :3].reshape(B, N, 3)
    new_w = flat_out[:, 3].reshape(B, N)
    return (new_states, new_w)

# --- scband reference (transcript-rebuilt; emitter-appended) ---
"""Pipeline reference for scband-pfcell-48258252538571 (READ-ONLY COPY).

The authoritative reference and input builder live on the scoring server;
editing this copy changes nothing except your own understanding.
"""

import jax, jax.numpy as jnp
import numpy as np

BATCH = 64
NUM_PARTICLES = 8192

def setup_inputs(seed: int = 0) -> dict:
    key = jax.random.key(seed)
    k1, k2 = jax.random.split(key)
    return {
        "particle_states": jax.random.normal(k1, (BATCH, NUM_PARTICLES, 3), dtype=jnp.float32),
        "particle_weights": jax.random.normal(k2, (BATCH, NUM_PARTICLES), dtype=jnp.float32),
        "alpha": 1,
    }

def reference(particle_states, particle_weights, alpha):
    batch_size, num_particles = particle_states.shape[:2]
    # normalize log weights
    pw = particle_weights - jax.nn.logsumexp(particle_weights, axis=-1, keepdims=True)
    uniform_weights = jnp.full((batch_size, num_particles), np.log(1.0 / float(num_particles)), dtype=pw.dtype)
    alphaf = jnp.asarray(alpha, dtype=pw.dtype)

    def _mix_branch(operands):
        pw_, uw_ = operands
        q_ = jnp.stack([pw_ + jnp.log(alphaf), uw_ + jnp.log(1.0 - alphaf)], axis=-1)
        q_ = jax.nn.logsumexp(q_, axis=-1)
        q_ = q_ - jax.nn.logsumexp(q_, axis=-1, keepdims=True)
        return q_, pw_ - q_

    def _uniform_branch(operands):
        pw_, uw_ = operands
        return pw_, uw_

    q, pw = jax.lax.cond(alphaf < 1.0, _mix_branch, _uniform_branch, (pw, uniform_weights))
    # soft-resampling: draw num_particles categorical samples per batch from q
    skey = jax.random.key(12345)
    indices = jax.random.categorical(skey, q[:, None, :], axis=-1, shape=(batch_size, num_particles))
    helper = jnp.arange(0, batch_size * num_particles, num_particles, dtype=indices.dtype)
    flat_idx = (indices + helper[:, None]).reshape(batch_size * num_particles)
    flat_states = particle_states.reshape(batch_size * num_particles, 3)
    new_particle_states = jnp.take(flat_states, flat_idx, axis=0).reshape(batch_size, num_particles, 3)
    flat_w = pw.reshape(batch_size * num_particles)
    new_particle_weights = jnp.take(flat_w, flat_idx, axis=0).reshape(batch_size, num_particles)
    return (new_particle_states, new_particle_weights)

if __name__ == "__main__":
    import jax
    _d = setup_inputs()
    print(jax.jit(kernel)(*tuple(_d.values())))

</pallas_src>

<mosaic_0001>
#map = affine_map<(d0, d1) -> (0, 0)>
#map1 = affine_map<(d0, d1) -> (0, 0, 0)>
#map2 = affine_map<(d0, d1) -> (0, 0, 0, 0)>
module attributes {stable_mosaic.version = 14 : i64} {
  func.func @gk(%arg0: i32, %arg1: i32, %arg2: memref<524288x8xf32, #tpu.memory_space<hbm>>, %arg3: memref<32x128x128xi32, #tpu.memory_space<hbm>>, %arg4: memref<32x128x128x8xf32, #tpu.memory_space<hbm>>, %arg5: memref<128x128xi32, #tpu.memory_space<vmem>>, %arg6: memref<128x8xf32, #tpu.memory_space<vmem>>, %arg7: memref<128x8xf32, #tpu.memory_space<vmem>>, %arg8: memref<!tpu.dma_semaphore, #tpu.memory_space<semaphore_mem>>, %arg9: memref<!tpu.dma_semaphore, #tpu.memory_space<semaphore_mem>>) attributes {dimension_semantics = [#tpu.dimension_semantics<core_parallel>, #tpu.dimension_semantics<subcore_parallel>], iteration_bounds = array<i64: 2, 16>, scalar_prefetch = 0 : i64, scratch_operands = 5 : i64, tpu.core_type = #tpu.core_type<sc_vector_subcore>, window_params = [{transform_indices = #map}, {transform_indices = #map1}, {transform_indices = #map2}]} {
    %mul3A = arith.constant 2 : i32
    %mul3A_0 = arith.muli %arg1, %mul3A : i32
    %add3A = arith.addi %mul3A_0, %arg0 : i32
    "tpu.region"() ({
      %run_scoped3A = tpu.sem_alloc : memref<!tpu.dma_semaphore, #tpu.memory_space<semaphore_mem>>
      %dma_start3A = arith.constant 0 : i32
      %dma_start3A_6 = arith.constant 0 : i32
      %dma_start3A_7 = tpu.memref_slice %arg3[%add3A, %dma_start3A, %dma_start3A_6] : memref<32x128x128xi32, #tpu.memory_space<hbm>> -> memref<1x128x128xi32, #tpu.memory_space<hbm>>
      %dma_start3A_8 = tpu.memref_squeeze %dma_start3A_7 : memref<1x128x128xi32, #tpu.memory_space<hbm>> -> memref<128x128xi32, #tpu.memory_space<hbm>>
      %dma_start3A_9 = arith.constant 0 : i32
      %dma_start3A_10 = arith.constant 0 : i32
      %dma_start3A_11 = tpu.memref_slice %arg3[%add3A, %dma_start3A_9, %dma_start3A_10] : memref<32x128x128xi32, #tpu.memory_space<hbm>> -> memref<1x128x128xi32, #tpu.memory_space<hbm>>
      %dma_start3A_12 = tpu.memref_squeeze %dma_start3A_11 : memref<1x128x128xi32, #tpu.memory_space<hbm>> -> memref<128x128xi32, #tpu.memory_space<hbm>>
      tpu.enqueue_dma source(%dma_start3A_12 : memref<128x128xi32, #tpu.memory_space<hbm>>) target(%arg5 : memref<128x128xi32, #tpu.memory_space<vmem>>) target_semaphore(%run_scoped3A : memref<!tpu.dma_semaphore, #tpu.memory_space<semaphore_mem>>)
      %dma_wait3A = arith.constant 0 : i32
      %dma_wait3A_13 = arith.constant 0 : i32
      %dma_wait3A_14 = tpu.memref_slice %arg3[%add3A, %dma_wait3A, %dma_wait3A_13] : memref<32x128x128xi32, #tpu.memory_space<hbm>> -> memref<1x128x128xi32, #tpu.memory_space<hbm>>
      %dma_wait3A_15 = tpu.memref_squeeze %dma_wait3A_14 : memref<1x128x128xi32, #tpu.memory_space<hbm>> -> memref<128x128xi32, #tpu.memory_space<hbm>>
      %dma_wait3A_16 = arith.constant 0 : i32
      %dma_wait3A_17 = arith.constant 0 : i32
      %dma_wait3A_18 = tpu.memref_slice %arg3[%add3A, %dma_wait3A_16, %dma_wait3A_17] : memref<32x128x128xi32, #tpu.memory_space<hbm>> -> memref<1x128x128xi32, #tpu.memory_space<hbm>>
      %dma_wait3A_19 = tpu.memref_squeeze %dma_wait3A_18 : memref<1x128x128xi32, #tpu.memory_space<hbm>> -> memref<128x128xi32, #tpu.memory_space<hbm>>
      tpu.wait_dma2 semaphore(%run_scoped3A : memref<!tpu.dma_semaphore, #tpu.memory_space<semaphore_mem>>) src(%dma_wait3A_19 : memref<128x128xi32, #tpu.memory_space<hbm>>) dst(%arg5 : memref<128x128xi32, #tpu.memory_space<vmem>>)
      tpu.yield
    }) : () -> ()
    %scan3A = arith.constant 0 : i32
    %scan3A_1 = arith.constant 0 : i32
    %scan3A_2 = arith.constant 64 : i32
    %scan3A_3 = arith.addi %scan3A_1, %scan3A_2 : i32
    %scan3A_4 = arith.constant 1 : i32
    scf.for %scan3A_6 = %scan3A_1 to %scan3A_3 step %scan3A_4  : i32 {
      %mul3A_7 = arith.constant 2 : i32
      %mul3A_8 = arith.muli %scan3A_6, %mul3A_7 : i32
      %dma_start3A = arith.constant 0 : i32
      %dma_start3A_9 = tpu.memref_slice %arg5[%mul3A_8, %dma_start3A] : memref<128x128xi32, #tpu.memory_space<vmem>> -> memref<1x128xi32, #tpu.memory_space<vmem>>
      %dma_start3A_10 = tpu.memref_squeeze %dma_start3A_9 : memref<1x128xi32, #tpu.memory_space<vmem>> -> memref<128xi32, #tpu.memory_space<vmem>>
      %dma_start3A_11 = arith.constant 0 : i32
      %dma_start3A_12 = arith.constant 0 : i32
      %dma_start3A_13 = tpu.memref_slice %arg2[%dma_start3A_11, %dma_start3A_12] : memref<524288x8xf32, #tpu.memory_space<hbm>> -> memref<524288x8xf32, #tpu.memory_space<hbm>>
      tpu.enqueue_indirect_dma source(%dma_start3A_13 : memref<524288x8xf32, #tpu.memory_space<hbm>>) target(%arg6 : memref<128x8xf32, #tpu.memory_space<vmem>>) offsets(%dma_start3A_10 : memref<128xi32, #tpu.memory_space<vmem>>) semaphore(%arg8 : memref<!tpu.dma_semaphore, #tpu.memory_space<semaphore_mem>>)
      %add3A_14 = arith.constant 1 : i32
      %add3A_15 = arith.addi %mul3A_8, %add3A_14 : i32
      %dma_start3A_16 = arith.constant 0 : i32
      %dma_start3A_17 = tpu.memref_slice %arg5[%add3A_15, %dma_start3A_16] : memref<128x128xi32, #tpu.memory_space<vmem>> -> memref<1x128xi32, #tpu.memory_space<vmem>>
      %dma_start3A_18 = tpu.memref_squeeze %dma_start3A_17 : memref<1x128xi32, #tpu.memory_space<vmem>> -> memref<128xi32, #tpu.memory_space<vmem>>
      %dma_start3A_19 = arith.constant 0 : i32
      %dma_start3A_20 = arith.constant 0 : i32
      %dma_start3A_21 = tpu.memref_slice %arg2[%dma_start3A_19, %dma_start3A_20] : memref<524288x8xf32, #tpu.memory_space<hbm>> -> memref<524288x8xf32, #tpu.memory_space<hbm>>
      tpu.enqueue_indirect_dma source(%dma_start3A_21 : memref<524288x8xf32, #tpu.memory_space<hbm>>) target(%arg7 : memref<128x8xf32, #tpu.memory_space<vmem>>) offsets(%dma_start3A_18 : memref<128xi32, #tpu.memory_space<vmem>>) semaphore(%arg9 : memref<!tpu.dma_semaphore, #tpu.memory_space<semaphore_mem>>)
      %dma_wait3A = arith.constant 0 : i32
      %dma_wait3A_22 = tpu.memref_slice %arg5[%mul3A_8, %dma_wait3A] : memref<128x128xi32, #tpu.memory_space<vmem>> -> memref<1x128xi32, #tpu.memory_space<vmem>>
      %dma_wait3A_23 = tpu.memref_squeeze %dma_wait3A_22 : memref<1x128xi32, #tpu.memory_space<vmem>> -> memref<128xi32, #tpu.memory_space<vmem>>
      %dma_wait3A_24 = arith.constant 0 : i32
      %dma_wait3A_25 = arith.constant 0 : i32
      %dma_wait3A_26 = tpu.memref_slice %arg2[%dma_wait3A_24, %dma_wait3A_25] : memref<524288x8xf32, #tpu.memory_space<hbm>> -> memref<524288x8xf32, #tpu.memory_space<hbm>>
      tpu.wait_indirect_dma semaphore(%arg8 : memref<!tpu.dma_semaphore, #tpu.memory_space<semaphore_mem>>) src(%dma_wait3A_26 : memref<524288x8xf32, #tpu.memory_space<hbm>>) dst(%arg6 : memref<128x8xf32, #tpu.memory_space<vmem>>)
      "tpu.region"() ({
        %run_scoped3A = tpu.sem_alloc : memref<!tpu.dma_semaphore, #tpu.memory_space<semaphore_mem>>
        %dma_start3A_35 = arith.constant 0 : i32
        %dma_start3A_36 = arith.constant 0 : i32
        %dma_start3A_37 = tpu.memref_slice %arg4[%add3A, %mul3A_8, %dma_start3A_35, %dma_start3A_36] : memref<32x128x128x8xf32, #tpu.memory_space<hbm>> -> memref<1x1x128x8xf32, #tpu.memory_space<hbm>>
        %dma_start3A_38 = tpu.memref_squeeze %dma_start3A_37 : memref<1x1x128x8xf32, #tpu.memory_space<hbm>> -> memref<128x8xf32, #tpu.memory_space<hbm>>
        %dma_start3A_39 = arith.constant 0 : i32
        %dma_start3A_40 = arith.constant 0 : i32
        %dma_start3A_41 = tpu.memref_slice %arg4[%add3A, %mul3A_8, %dma_start3A_39, %dma_start3A_40] : memref<32x128x128x8xf32, #tpu.memory_space<hbm>> -> memref<1x1x128x8xf32, #tpu.memory_space<hbm>>
        %dma_start3A_42 = tpu.memref_squeeze %dma_start3A_41 : memref<1x1x128x8xf32, #tpu.memory_space<hbm>> -> memref<128x8xf32, #tpu.memory_space<hbm>>
        tpu.enqueue_dma source(%arg6 : memref<128x8xf32, #tpu.memory_space<vmem>>) target(%dma_start3A_42 : memref<128x8xf32, #tpu.memory_space<hbm>>) target_semaphore(%run_scoped3A : memref<!tpu.dma_semaphore, #tpu.memory_space<semaphore_mem>>)
        %dma_wait3A_43 = arith.constant 0 : i32
        %dma_wait3A_44 = arith.constant 0 : i32
        %dma_wait3A_45 = tpu.memref_slice %arg4[%add3A, %mul3A_8, %dma_wait3A_43, %dma_wait3A_44] : memref<32x128x128x8xf32, #tpu.memory_space<hbm>> -> memref<1x1x128x8xf32, #tpu.memory_space<hbm>>
        %dma_wait3A_46 = tpu.memref_squeeze %dma_wait3A_45 : memref<1x1x128x8xf32, #tpu.memory_space<hbm>> -> memref<128x8xf32, #tpu.memory_space<hbm>>
        %dma_wait3A_47 = arith.constant 0 : i32
        %dma_wait3A_48 = arith.constant 0 : i32
        %dma_wait3A_49 = tpu.memref_slice %arg4[%add3A, %mul3A_8, %dma_wait3A_47, %dma_wait3A_48] : memref<32x128x128x8xf32, #tpu.memory_space<hbm>> -> memref<1x1x128x8xf32, #tpu.memory_space<hbm>>
        %dma_wait3A_50 = tpu.memref_squeeze %dma_wait3A_49 : memref<1x1x128x8xf32, #tpu.memory_space<hbm>> -> memref<128x8xf32, #tpu.memory_space<hbm>>
        tpu.wait_dma2 semaphore(%run_scoped3A : memref<!tpu.dma_semaphore, #tpu.memory_space<semaphore_mem>>) src(%arg6 : memref<128x8xf32, #tpu.memory_space<vmem>>) dst(%dma_wait3A_50 : memref<128x8xf32, #tpu.memory_space<hbm>>)
        tpu.yield
      }) : () -> ()
      %dma_wait3A_27 = arith.constant 0 : i32
      %dma_wait3A_28 = tpu.memref_slice %arg5[%add3A_15, %dma_wait3A_27] : memref<128x128xi32, #tpu.memory_space<vmem>> -> memref<1x128xi32, #tpu.memory_space<vmem>>
      %dma_wait3A_29 = tpu.memref_squeeze %dma_wait3A_28 : memref<1x128xi32, #tpu.memory_space<vmem>> -> memref<128xi32, #tpu.memory_space<vmem>>
      %dma_wait3A_30 = arith.constant 0 : i32
      %dma_wait3A_31 = arith.constant 0 : i32
      %dma_wait3A_32 = tpu.memref_slice %arg2[%dma_wait3A_30, %dma_wait3A_31] : memref<524288x8xf32, #tpu.memory_space<hbm>> -> memref<524288x8xf32, #tpu.memory_space<hbm>>
      tpu.wait_indirect_dma semaphore(%arg9 : memref<!tpu.dma_semaphore, #tpu.memory_space<semaphore_mem>>) src(%dma_wait3A_32 : memref<524288x8xf32, #tpu.memory_space<hbm>>) dst(%arg7 : memref<128x8xf32, #tpu.memory_space<vmem>>)
      %add3A_33 = arith.constant 1 : i32
      %add3A_34 = arith.addi %mul3A_8, %add3A_33 : i32
      "tpu.region"() ({
        %run_scoped3A = tpu.sem_alloc : memref<!tpu.dma_semaphore, #tpu.memory_space<semaphore_mem>>
        %dma_start3A_35 = arith.constant 0 : i32
        %dma_start3A_36 = arith.constant 0 : i32
        %dma_start3A_37 = tpu.memref_slice %arg4[%add3A, %add3A_34, %dma_start3A_35, %dma_start3A_36] : memref<32x128x128x8xf32, #tpu.memory_space<hbm>> -> memref<1x1x128x8xf32, #tpu.memory_space<hbm>>
        %dma_start3A_38 = tpu.memref_squeeze %dma_start3A_37 : memref<1x1x128x8xf32, #tpu.memory_space<hbm>> -> memref<128x8xf32, #tpu.memory_space<hbm>>
        %dma_start3A_39 = arith.constant 0 : i32
        %dma_start3A_40 = arith.constant 0 : i32
        %dma_start3A_41 = tpu.memref_slice %arg4[%add3A, %add3A_34, %dma_start3A_39, %dma_start3A_40] : memref<32x128x128x8xf32, #tpu.memory_space<hbm>> -> memref<1x1x128x8xf32, #tpu.memory_space<hbm>>
        %dma_start3A_42 = tpu.memref_squeeze %dma_start3A_41 : memref<1x1x128x8xf32, #tpu.memory_space<hbm>> -> memref<128x8xf32, #tpu.memory_space<hbm>>
        tpu.enqueue_dma source(%arg7 : memref<128x8xf32, #tpu.memory_space<vmem>>) target(%dma_start3A_42 : memref<128x8xf32, #tpu.memory_space<hbm>>) target_semaphore(%run_scoped3A : memref<!tpu.dma_semaphore, #tpu.memory_space<semaphore_mem>>)
        %dma_wait3A_43 = arith.constant 0 : i32
        %dma_wait3A_44 = arith.constant 0 : i32
        %dma_wait3A_45 = tpu.memref_slice %arg4[%add3A, %add3A_34, %dma_wait3A_43, %dma_wait3A_44] : memref<32x128x128x8xf32, #tpu.memory_space<hbm>> -> memref<1x1x128x8xf32, #tpu.memory_space<hbm>>
        %dma_wait3A_46 = tpu.memref_squeeze %dma_wait3A_45 : memref<1x1x128x8xf32, #tpu.memory_space<hbm>> -> memref<128x8xf32, #tpu.memory_space<hbm>>
        %dma_wait3A_47 = arith.constant 0 : i32
        %dma_wait3A_48 = arith.constant 0 : i32
        %dma_wait3A_49 = tpu.memref_slice %arg4[%add3A, %add3A_34, %dma_wait3A_47, %dma_wait3A_48] : memref<32x128x128x8xf32, #tpu.memory_space<hbm>> -> memref<1x1x128x8xf32, #tpu.memory_space<hbm>>
        %dma_wait3A_50 = tpu.memref_squeeze %dma_wait3A_49 : memref<1x1x128x8xf32, #tpu.memory_space<hbm>> -> memref<128x8xf32, #tpu.memory_space<hbm>>
        tpu.wait_dma2 semaphore(%run_scoped3A : memref<!tpu.dma_semaphore, #tpu.memory_space<semaphore_mem>>) src(%arg7 : memref<128x8xf32, #tpu.memory_space<vmem>>) dst(%dma_wait3A_50 : memref<128x8xf32, #tpu.memory_space<hbm>>)
        tpu.yield
      }) : () -> ()
    }
    %scan3A_5 = arith.constant 64 : i32
    return
  }
}

module attributes {stable_mosaic.version = 14 : i64} {
  func.func @_sampler_body(%arg0: i32, %arg1: i32, %arg2: memref<1x32x256xf32, #tpu.memory_space<vmem>>, %arg3: memref<1xf32, #tpu.memory_space<smem>>, %arg4: memref<1x1x8x128xi32, #tpu.memory_space<vmem>>, %arg5: memref<1x32x256xf32, #tpu.memory_space<vmem>>, %arg6: memref<32x256xf32, #tpu.memory_space<vmem>>, %arg7: memref<32x8192xf32, #tpu.memory_space<vmem>>) attributes {dimension_semantics = [#tpu.dimension_semantics<parallel>, #tpu.dimension_semantics<arbitrary>], iteration_bounds = array<i64: 64, 8>, scalar_prefetch = 0 : i64, scratch_operands = 2 : i64, tpu.core_type = #tpu.core_type<tc>, window_params = [{transform_indices = @transform_0, window_bounds = array<i64: 1, 32, 256>}, {transform_indices = @transform_1, window_bounds = array<i64: 1>}, {transform_indices = @transform_2, window_bounds = array<i64: 1, 1, 8, 128>}, {transform_indices = @transform_3, window_bounds = array<i64: 1, 32, 256>}]} {
    %get3A = arith.constant 0 : index
    %get3A_0 = arith.constant 0 : index
    %get3A_1 = arith.constant 0 : index
    %get3A_2 = vector.load %arg2[%get3A, %get3A_0, %get3A_1] : memref<1x32x256xf32, #tpu.memory_space<vmem>>, vector<1x32x256xf32>
    %get3A_3 = vector.shape_cast %get3A_2 : vector<1x32x256xf32> to vector<32x256xf32>
    %reduce_max3A = vector.shape_cast %get3A_3 : vector<32x256xf32> to vector<1x32x256xf32>
    %reduce_max3A_4 = arith.constant dense<0xFF800000> : vector<1xf32>
    %reduce_max3A_5 = vector.multi_reduction <maximumf>, %reduce_max3A, %reduce_max3A_4 [1, 2] : vector<1x32x256xf32> to vector<1xf32>
    %reduce_max3A_6 = vector.shape_cast %reduce_max3A_5 : vector<1xf32> to vector<1x1x1xf32>
    %reduce_max3A_7 = vector.extract %reduce_max3A_6[0, 0, 0] : f32 from vector<1x1x1xf32>
    %sub3A = vector.broadcast %reduce_max3A_7 : f32 to vector<32x256xf32>
    %sub3A_8 = arith.subf %get3A_3, %sub3A : vector<32x256xf32>
    %exp3A = math.exp %sub3A_8 : vector<32x256xf32>
    %reduce_sum3A = vector.shape_cast %exp3A : vector<32x256xf32> to vector<1x32x256xf32>
    %reduce_sum3A_9 = arith.constant dense<0.000000e+00> : vector<1xf32>
    %reduce_sum3A_10 = vector.multi_reduction <add>, %reduce_sum3A, %reduce_sum3A_9 [1, 2] : vector<1x32x256xf32> to vector<1xf32>
    %reduce_sum3A_11 = vector.shape_cast %reduce_sum3A_10 : vector<1xf32> to vector<1x1x1xf32>
    %reduce_sum3A_12 = vector.extract %reduce_sum3A_11[0, 0, 0] : f32 from vector<1x1x1xf32>
    %log3A = math.log %reduce_sum3A_12 : f32
    %add3A = arith.addf %reduce_max3A_7, %log3A : f32
    %sub3A_13 = vector.broadcast %add3A : f32 to vector<32x256xf32>
    %sub3A_14 = arith.subf %get3A_3, %sub3A_13 : vector<32x256xf32>
    %get3A_15 = arith.constant 0 : index
    %get3A_16 = memref.load %arg3[%get3A_15] : memref<1xf32, #tpu.memory_space<smem>>
    %log3A_17 = math.log %get3A_16 : f32
    %add3A_18 = vector.broadcast %log3A_17 : f32 to vector<32x256xf32>
    %add3A_19 = arith.addf %sub3A_14, %add3A_18 : vector<32x256xf32>
    %sub3A_20 = arith.constant 1.000000e+00 : f32
    %sub3A_21 = arith.subf %sub3A_20, %get3A_16 : f32
    %log3A_22 = math.log %sub3A_21 : f32
    %add3A_23 = arith.constant -9.01091289 : f32
    %add3A_24 = arith.addf %add3A_23, %log3A_22 : f32
    %max3A = vector.broadcast %add3A_24 : f32 to vector<32x256xf32>
    %max3A_25 = arith.maximumf %add3A_19, %max3A : vector<32x256xf32>
    %sub3A_26 = arith.subf %add3A_19, %max3A_25 : vector<32x256xf32>
    %exp3A_27 = math.exp %sub3A_26 : vector<32x256xf32>
    %sub3A_28 = vector.broadcast %add3A_24 : f32 to vector<32x256xf32>
    %sub3A_29 = arith.subf %sub3A_28, %max3A_25 : vector<32x256xf32>
    %exp3A_30 = math.exp %sub3A_29 : vector<32x256xf32>
    %add3A_31 = arith.addf %exp3A_27, %exp3A_30 : vector<32x256xf32>
    %log3A_32 = math.log %add3A_31 : vector<32x256xf32>
    %add3A_33 = arith.addf %max3A_25, %log3A_32 : vector<32x256xf32>
    %reduce_max3A_34 = vector.shape_cast %add3A_33 : vector<32x256xf32> to vector<1x32x256xf32>
    %reduce_max3A_35 = arith.constant dense<0xFF800000> : vector<1xf32>
    %reduce_max3A_36 = vector.multi_reduction <maximumf>, %reduce_max3A_34, %reduce_max3A_35 [1, 2] : vector<1x32x256xf32> to vector<1xf32>
    %reduce_max3A_37 = vector.shape_cast %reduce_max3A_36 : vector<1xf32> to vector<1x1x1xf32>
    %reduce_max3A_38 = vector.extract %reduce_max3A_37[0, 0, 0] : f32 from vector<1x1x1xf32>
    %sub3A_39 = vector.broadcast %reduce_max3A_38 : f32 to vector<32x256xf32>
    %sub3A_40 = arith.subf %add3A_33, %sub3A_39 : vector<32x256xf32>
    %exp3A_41 = math.exp %sub3A_40 : vector<32x256xf32>
    %reduce_sum3A_42 = vector.shape_cast %exp3A_41 : vector<32x256xf32> to vector<1x32x256xf32>
    %reduce_sum3A_43 = arith.constant dense<0.000000e+00> : vector<1xf32>
    %reduce_sum3A_44 = vector.multi_reduction <add>, %reduce_sum3A_42, %reduce_sum3A_43 [1, 2] : vector<1x32x256xf32> to vector<1xf32>
    %reduce_sum3A_45 = vector.shape_cast %reduce_sum3A_44 : vector<1xf32> to vector<1x1x1xf32>
    %reduce_sum3A_46 = vector.extract %reduce_sum3A_45[0, 0, 0] : f32 from vector<1x1x1xf32>
    %log3A_47 = math.log %reduce_sum3A_46 : f32
    %add3A_48 = arith.addf %reduce_max3A_38, %log3A_47 : f32
    %sub3A_49 = vector.broadcast %add3A_48 : f32 to vector<32x256xf32>
    %sub3A_50 = arith.subf %add3A_33, %sub3A_49 : vector<32x256xf32>
    %lt3A = arith.constant 1.000000e+00 : f32
    %lt3A_51 = arith.cmpf olt, %get3A_16, %lt3A : f32
    %select_n3A = arith.select %lt3A_51, %sub3A_50, %sub3A_14 : vector<32x256xf32>
    %sub3A_52 = arith.subf %sub3A_14, %sub3A_50 : vector<32x256xf32>
    %broadcast_in_dim3A = arith.constant -9.01091289 : f32
    %broadcast_in_dim3A_53 = vector.broadcast %broadcast_in_dim3A : f32 to vector<32x256xf32>
    %select_n3A_54 = arith.select %lt3A_51, %sub3A_52, %broadcast_in_dim3A_53 : vector<32x256xf32>
    %neg3A = arith.constant 0.000000e+00 : f32
    %neg3A_55 = vector.broadcast %neg3A : f32 to vector<32x256xf32>
    %neg3A_56 = arith.subf %neg3A_55, %select_n3A : vector<32x256xf32>
    %exp3A_57 = math.exp %neg3A_56 : vector<32x256xf32>
    %swap3A = arith.constant 0 : index
    %swap3A_58 = arith.constant 0 : index
    %swap3A_59 = vector.load %arg6[%swap3A, %swap3A_58] : memref<32x256xf32, #tpu.memory_space<vmem>>, vector<32x256xf32>
    tpu.vector_store %arg6[%swap3A, %swap3A_58], %exp3A_57 {strides = array<i32>} : memref<32x256xf32, #tpu.memory_space<vmem>>, vector<32x256xf32>,
    %swap3A_60 = arith.constant 0 : index
    %swap3A_61 = arith.constant 0 : index
    %swap3A_62 = arith.constant 0 : index
    %swap3A_63 = vector.load %arg5[%swap3A_60, %swap3A_61, %swap3A_62] : memref<1x32x256xf32, #tpu.memory_space<vmem>>, vector<1x32x256xf32>
    %swap3A_64 = vector.shape_cast %swap3A_63 : vector<1x32x256xf32> to vector<32x256xf32>
    %swap3A_65 = vector.shape_cast %select_n3A_54 : vector<32x256xf32> to vector<1x32x256xf32>
    tpu.vector_store %arg5[%swap3A_60, %swap3A_61, %swap3A_62], %swap3A_65 {strides = array<i32>} : memref<1x32x256xf32, #tpu.memory_space<vmem>>, vector<1x32x256xf32>,
    %get3A_66 = arith.constant 0 : index
    %get3A_67 = arith.constant 0 : index
    %get3A_68 = vector.load %arg6[%get3A_66, %get3A_67] : memref<32x256xf32, #tpu.memory_space<vmem>>, vector<1x256xf32>
    %broadcast_in_dim3A_69 = vector.shape_cast %get3A_68 : vector<1x256xf32> to vector<1x256xf32>
    %broadcast_in_dim3A_70 = vector.broadcast %broadcast_in_dim3A_69 : vector<1x256xf32> to vector<32x256xf32>
    %swap3A_71 = arith.constant 0 : index
    %swap3A_72 = arith.constant 0 : index
    %swap3A_73 = vector.load %arg7[%swap3A_71, %swap3A_72] : memref<32x8192xf32, #tpu.memory_space<vmem>>, vector<32x256xf32>
    tpu.vector_store %arg7[%swap3A_71, %swap3A_72], %broadcast_in_dim3A_70 {strides = array<i32>} : memref<32x8192xf32, #tpu.memory_space<vmem>>, vector<32x256xf32>,
    %get3A_74 = arith.constant 1 : index
    %get3A_75 = arith.constant 0 : index
    %get3A_76 = vector.load %arg6[%get3A_74, %get3A_75] : memref<32x256xf32, #tpu.memory_space<vmem>>, vector<1x256xf32>
    %broadcast_in_dim3A_77 = vector.shape_cast %get3A_76 : vector<1x256xf32> to vector<1x256xf32>
    %broadcast_in_dim3A_78 = vector.broadcast %broadcast_in_dim3A_77 : vector<1x256xf32> to vector<32x256xf32>
    %swap3A_79 = arith.constant 0 : index
    %swap3A_80 = arith.constant 256 : index
    %swap3A_81 = vector.load %arg7[%swap3A_79, %swap3A_80] : memref<32x8192xf32, #tpu.memory_space<vmem>>, vector<32x256xf32>
    tpu.vector_store %arg7[%swap3A_79, %swap3A_80], %broadcast_in_dim3A_78 {strides = array<i32>} : memref<32x8192xf32, #tpu.memory_space<vmem>>, vector<32x256xf32>,
    %get3A_82 = arith.constant 2 : index
    %get3A_83 = arith.constant 0 : index
    %get3A_84 = vector.load %arg6[%get3A_82, %get3A_83] : memref<32x256xf32, #tpu.memory_space<vmem>>, vector<1x256xf32>
    %broadcast_in_dim3A_85 = vector.shape_cast %get3A_84 : vector<1x256xf32> to vector<1x256xf32>
    %broadcast_in_dim3A_86 = vector.broadcast %broadcast_in_dim3A_85 : vector<1x256xf32> to vector<32x256xf32>
    %swap3A_87 = arith.constant 0 : index
    %swap3A_88 = arith.constant 512 : index
    %swap3A_89 = vector.load %arg7[%swap3A_87, %swap3A_88] : memref<32x8192xf32, #tpu.memory_space<vmem>>, vector<32x256xf32>
    tpu.vector_store %arg7[%swap3A_87, %swap3A_88], %broadcast_in_dim3A_86 {strides = array<i32>} : memref<32x8192xf32, #tpu.memory_space<vmem>>, vector<32x256xf32>,
    %get3A_90 = arith.constant 3 : index
    %get3A_91 = arith.constant 0 : index
    %get3A_92 = vector.load %arg6[%get3A_90, %get3A_91] : memref<32x256xf32, #tpu.memory_space<vmem>>, vector<1x256xf32>
    %broadcast_in_dim3A_93 = vector.shape_cast %get3A_92 : vector<1x256xf32> to vector<1x256xf32>
    %broadcast_in_dim3A_94 = vector.broadcast %broadcast_in_dim3A_93 : vector<1x256xf32> to vector<32x256xf32>
    %swap3A_95 = arith.constant 0 : index
    %swap3A_96 = arith.constant 768 : index
    %swap3A_97 = vector.load %arg7[%swap3A_95, %swap3A_96] : memref<32x8192xf32, #tpu.memory_space<vmem>>, vector<32x256xf32>
    tpu.vector_store %arg7[%swap3A_95, %swap3A_96], %broadcast_in_dim3A_94 {strides = array<i32>} : memref<32x8192xf32, #tpu.memory_space<vmem>>, vector<32x256xf32>,
    %get3A_98 = arith.constant 4 : index
    %get3A_99 = arith.constant 0 : index
    %get3A_100 = vector.load %arg6[%get3A_98, %get3A_99] : memref<32x256xf32, #tpu.memory_space<vmem>>, vector<1x256xf32>
    %broadcast_in_dim3A_101 = vector.shape_cast %get3A_100 : vector<1x256xf32> to vector<1x256xf32>
    %broadcast_in_dim3A_102 = vector.broadcast %broadcast_in_dim3A_101 : vector<1x256xf32> to vector<32x256xf32>
    %swap3A_103 = arith.constant 0 : index
    %swap3A_104 = arith.constant 1024 : index
    %swap3A_105 = vector.load %arg7[%swap3A_103, %swap3A_104] : memref<32x8192xf32, #tpu.memory_space<vmem>>, vector<32x256xf32>
    tpu.vector_store %arg7[%swap3A_103, %swap3A_104], %broadcast_in_dim3A_102 {strides = array<i32>} : memref<32x8192xf32, #tpu.memory_space<vmem>>, vector<32x256xf32>,
    %get3A_106 = arith.constant 5 : index
    %get3A_107 = arith.constant 0 : index
    %get3A_108 = vector.load %arg6[%get3A_106, %get3A_107] : memref<32x256xf32, #tpu.memory_space<vmem>>, vector<1x256xf32>
    %broadcast_in_dim3A_109 = vector.shape_cast %get3A_108 : vector<1x256xf32> to vector<1x256xf32>
    %broadcast_in_dim3A_110 = vector.broadcast %broadcast_in_dim3A_109 : vector<1x256xf32> to vector<32x256xf32>
    %swap3A_111 = arith.constant 0 : index
    %swap3A_112 = arith.constant 1280 : index
    %swap3A_113 = vector.load %arg7[%swap3A_111, %swap3A_112] : memref<32x8192xf32, #tpu.memory_space<vmem>>, vector<32x256xf32>
    tpu.vector_store %arg7[%swap3A_111, %swap3A_112], %broadcast_in_dim3A_110 {strides = array<i32>} : memref<32x8192xf32, #tpu.memory_space<vmem>>, vector<32x256xf32>,
    %get3A_114 = arith.constant 6 : index
    %get3A_115 = arith.constant 0 : index
    %get3A_116 = vector.load %arg6[%get3A_114, %get3A_115] : memref<32x256xf32, #tpu.memory_space<vmem>>, vector<1x256xf32>
    %broadcast_in_dim3A_117 = vector.shape_cast %get3A_116 : vector<1x256xf32> to vector<1x256xf32>
    %broadcast_in_dim3A_118 = vector.broadcast %broadcast_in_dim3A_117 : vector<1x256xf32> to vector<32x256xf32>
    %swap3A_119 = arith.constant 0 : index
    %swap3A_120 = arith.constant 1536 : index
    %swap3A_121 = vector.load %arg7[%swap3A_119, %swap3A_120] : memref<32x8192xf32, #tpu.memory_space<vmem>>, vector<32x256xf32>
    tpu.vector_store %arg7[%swap3A_119, %swap3A_120], %broadcast_in_dim3A_118 {strides = array<i32>} : memref<32x8192xf32, #tpu.memory_space<vmem>>, vector<32x256xf32>,
    %get3A_122 = arith.constant 7 : index
    %get3A_123 = arith.constant 0 : index
    %get3A_124 = vector.load %arg6[%get3A_122, %get3A_123] : memref<32x256xf32, #tpu.memory_space<vmem>>, vector<1x256xf32>
    %broadcast_in_dim3A_125 = vector.shape_cast %get3A_124 : vector<1x256xf32> to vector<1x256xf32>
    %broadcast_in_dim3A_126 = vector.broadcast %broadcast_in_dim3A_125 : vector<1x256xf32> to vector<32x256xf32>
    %swap3A_127 = arith.constant 0 : index
    %swap3A_128 = arith.constant 1792 : index
    %swap3A_129 = vector.load %arg7[%swap3A_127, %swap3A_128] : memref<32x8192xf32, #tpu.memory_space<vmem>>, vector<32x256xf32>
    tpu.vector_store %arg7[%swap3A_127, %swap3A_128], %broadcast_in_dim3A_126 {strides = array<i32>} : memref<32x8192xf32, #tpu.memory_space<vmem>>, vector<32x256xf32>,
    %get3A_130 = arith.constant 8 : index
    %get3A_131 = arith.constant 0 : index
    %get3A_132 = vector.load %arg6[%get3A_130, %get3A_131] : memref<32x256xf32, #tpu.memory_space<vmem>>, vector<1x256xf32>
    %broadcast_in_dim3A_133 = vector.shape_cast %get3A_132 : vector<1x256xf32> to vector<1x256xf32>
    %broadcast_in_dim3A_134 = vector.broadcast %broadcast_in_dim3A_133 : vector<1x256xf32> to vector<32x256xf32>
    %swap3A_135 = arith.constant 0 : index
    %swap3A_136 = arith.constant 2048 : index
    %swap3A_137 = vector.load %arg7[%swap3A_135, %swap3A_136] : memref<32x8192xf32, #tpu.memory_space<vmem>>, vector<32x256xf32>
    tpu.vector_store %arg7[%swap3A_135, %swap3A_136], %broadcast_in_dim3A_134 {strides = array<i32>} : memref<32x8192xf32, #tpu.memory_space<vmem>>, vector<32x256xf32>,
    %get3A_138 = arith.constant 9 : index
    %get3A_139 = arith.constant 0 : index
    %get3A_140 = vector.load %arg6[%get3A_138, %get3A_139] : memref<32x256xf32, #tpu.memory_space<vmem>>, vector<1x256xf32>
    %broadcast_in_dim3A_141 = vector.shape_cast %get3A_140 : vector<1x256xf32> to vector<1x256xf32>
    %broadcast_in_dim3A_142 = vector.broadcast %broadcast_in_dim3A_141 : vector<1x256xf32> to vector<32x256xf32>
    %swap3A_143 = arith.constant 0 : index
    %swap3A_144 = arith.constant 2304 : index
    %swap3A_145 = vector.load %arg7[%swap3A_143, %swap3A_144] : memref<32x8192xf32, #tpu.memory_space<vmem>>, vector<32x256xf32>
    tpu.vector_store %arg7[%swap3A_143, %swap3A_144], %broadcast_in_dim3A_142 {strides = array<i32>} : memref<32x8192xf32, #tpu.memory_space<vmem>>, vector<32x256xf32>,
    %get3A_146 = arith.constant 10 : index
    %get3A_147 = arith.constant 0 : index
    %get3A_148 = vector.load %arg6[%get3A_146, %get3A_147] : memref<32x256xf32, #tpu.memory_space<vmem>>, vector<1x256xf32>
    %broadcast_in_dim3A_149 = vector.shape_cast %get3A_148 : vector<1x256xf32> to vector<1x256xf32>
    %broadcast_in_dim3A_150 = vector.broadcast %broadcast_in_dim3A_149 : vector<1x256xf32> to vector<32x256xf32>
    %swap3A_151 = arith.constant 0 : index
    %swap3A_152 = arith.constant 2560 : index
    %swap3A_153 = vector.load %arg7[%swap3A_151, %swap3A_152] : memref<32x8192xf32, #tpu.memory_space<vmem>>, vector<32x256xf32>
    tpu.vector_store %arg7[%swap3A_151, %swap3A_152], %broadcast_in_dim3A_150 {strides = array<i32>} : memref<32x8192xf32, #tpu.memory_space<vmem>>, vector<32x256xf32>,
    %get3A_154 = arith.constant 11 : index
    %get3A_155 = arith.constant 0 : index
    %get3A_156 = vector.load %arg6[%get3A_154, %get3A_155] : memref<32x256xf32, #tpu.memory_space<vmem>>, vector<1x256xf32>
    %broadcast_in_dim3A_157 = vector.shape_cast %get3A_156 : vector<1x256xf32> to vector<1x256xf32>
    %broadcast_in_dim3A_158 = vector.broadcast %broadcast_in_dim3A_157 : vector<1x256xf32> to vector<32x256xf32>
    %swap3A_159 = arith.constant 0 : index
    %swap3A_160 = arith.constant 2816 : index
    %swap3A_161 = vector.load %arg7[%swap3A_159, %swap3A_160] : memref<32x8192xf32, #tpu.memory_space<vmem>>, vector<32x256xf32>
    tpu.vector_store %arg7[%swap3A_159, %swap3A_160], %broadcast_in_dim3A_158 {strides = array<i32>} : memref<32x8192xf32, #tpu.memory_space<vmem>>, vector<32x256xf32>,
    %get3A_162 = arith.constant 12 : index
    %get3A_163 = arith.constant 0 : index
    %get3A_164 = vector.load %arg6[%get3A_162, %get3A_163] : memref<32x256xf32, #tpu.memory_space<vmem>>, vector<1x256xf32>
    %broadcast_in_dim3A_165 = vector.shape_cast %get3A_164 : vector<1x256xf32> to vector<1x256xf32>
    %broadcast_in_dim3A_166 = vector.broadcast %broadcast_in_dim3A_165 : vector<1x256xf32> to vector<32x256xf32>
    %swap3A_167 = arith.constant 0 : index
    %swap3A_168 = arith.constant 3072 : index
    %swap3A_169 = vector.load %arg7[%swap3A_167, %swap3A_168] : memref<32x8192xf32, #tpu.memory_space<vmem>>, vector<32x256xf32>
    tpu.vector_store %arg7[%swap3A_167, %swap3A_168], %broadcast_in_dim3A_166 {strides = array<i32>} : memref<32x8192xf32, #tpu.memory_space<vmem>>, vector<32x256xf32>,
    %get3A_170 = arith.constant 13 : index
    %get3A_171 = arith.constant 0 : index
    %get3A_172 = vector.load %arg6[%get3A_170, %get3A_171] : memref<32x256xf32, #tpu.memory_space<vmem>>, vector<1x256xf32>
    %broadcast_in_dim3A_173 = vector.shape_cast %get3A_172 : vector<1x256xf32> to vector<1x256xf32>
    %broadcast_in_dim3A_174 = vector.broadcast %broadcast_in_dim3A_173 : vector<1x256xf32> to vector<32x256xf32>
    %swap3A_175 = arith.constant 0 : index
    %swap3A_176 = arith.constant 3328 : index
    %swap3A_177 = vector.load %arg7[%swap3A_175, %swap3A_176] : memref<32x8192xf32, #tpu.memory_space<vmem>>, vector<32x256xf32>
    tpu.vector_store %arg7[%swap3A_175, %swap3A_176], %broadcast_in_dim3A_174 {strides = array<i32>} : memref<32x8192xf32, #tpu.memory_space<vmem>>, vector<32x256xf32>,
    %get3A_178 = arith.constant 14 : index
    %get3A_179 = arith.constant 0 : index
    %get3A_180 = vector.load %arg6[%get3A_178, %get3A_179] : memref<32x256xf32, #tpu.memory_space<vmem>>, vector<1x256xf32>
    %broadcast_in_dim3A_181 = vector.shape_cast %get3A_180 : vector<1x256xf32> to vector<1x256xf32>
    %broadcast_in_dim3A_182 = vector.broadcast %broadcast_in_dim3A_181 : vector<1x256xf32> to vector<32x256xf32>
    %swap3A_183 = arith.constant 0 : index
    %swap3A_184 = arith.constant 3584 : index
    %swap3A_185 = vector.load %arg7[%swap3A_183, %swap3A_184] : memref<32x8192xf32, #tpu.memory_space<vmem>>, vector<32x256xf32>
    tpu.vector_store %arg7[%swap3A_183, %swap3A_184], %broadcast_in_dim3A_182 {strides = array<i32>} : memref<32x8192xf32, #tpu.memory_space<vmem>>, vector<32x256xf32>,
    %get3A_186 = arith.constant 15 : index
    %get3A_187 = arith.constant 0 : index
    %get3A_188 = vector.load %arg6[%get3A_186, %get3A_187] : memref<32x256xf32, #tpu.memory_space<vmem>>, vector<1x256xf32>
    %broadcast_in_dim3A_189 = vector.shape_cast %get3A_188 : vector<1x256xf32> to vector<1x256xf32>
    %broadcast_in_dim3A_190 = vector.broadcast %broadcast_in_dim3A_189 : vector<1x256xf32> to vector<32x256xf32>
    %swap3A_191 = arith.constant 0 : index
    %swap3A_192 = arith.constant 3840 : index
    %swap3A_193 = vector.load %arg7[%swap3A_191, %swap3A_192] : memref<32x8192xf32, #tpu.memory_space<vmem>>, vector<32x256xf32>
    tpu.vector_store %arg7[%swap3A_191, %swap3A_192], %broadcast_in_dim3A_190 {strides = array<i32>} : memref<32x8192xf32, #tpu.memory_space<vmem>>, vector<32x256xf32>,
    %get3A_194 = arith.constant 16 : index
    %get3A_195 = arith.constant 0 : index
    %get3A_196 = vector.load %arg6[%get3A_194, %get3A_195] : memref<32x256xf32, #tpu.memory_space<vmem>>, vector<1x256xf32>
    %broadcast_in_dim3A_197 = vector.shape_cast %get3A_196 : vector<1x256xf32> to vector<1x256xf32>
    %broadcast_in_dim3A_198 = vector.broadcast %broadcast_in_dim3A_197 : vector<1x256xf32> to vector<32x256xf32>
    %swap3A_199 = arith.constant 0 : index
    %swap3A_200 = arith.constant 4096 : index
    %swap3A_201 = vector.load %arg7[%swap3A_199, %swap3A_200] : memref<32x8192xf32, #tpu.memory_space<vmem>>, vector<32x256xf32>
    tpu.vector_store %arg7[%swap3A_199, %swap3A_200], %broadcast_in_dim3A_198 {strides = array<i32>} : memref<32x8192xf32, #tpu.memory_space<vmem>>, vector<32x256xf32>,
    %get3A_202 = arith.constant 17 : index
    %get3A_203 = arith.constant 0 : index
    %get3A_204 = vector.load %arg6[%get3A_202, %get3A_203] : memref<32x256xf32, #tpu.memory_space<vmem>>, vector<1x256xf32>
    %broadcast_in_dim3A_205 = vector.shape_cast %get3A_204 : vector<1x256xf32> to vector<1x256xf32>
    %broadcast_in_dim3A_206 = vector.broadcast %broadcast_in_dim3A_205 : vector<1x256xf32> to vector<32x256xf32>
    %swap3A_207 = arith.constant 0 : index
    %swap3A_208 = arith.constant 4352 : index
    %swap3A_209 = vector.load %arg7[%swap3A_207, %swap3A_208] : memref<32x8192xf32, #tpu.memory_space<vmem>>, vector<32x256xf32>
    tpu.vector_store %arg7[%swap3A_207, %swap3A_208], %broadcast_in_dim3A_206 {strides = array<i32>} : memref<32x8192xf32, #tpu.memory_space<vmem>>, vector<32x256xf32>,
    %get3A_210 = arith.constant 18 : index
    %get3A_211 = arith.constant 0 : index
    %get3A_212 = vector.load %arg6[%get3A_210, %get3A_211] : memref<32x256xf32, #tpu.memory_space<vmem>>, vector<1x256xf32>
    %broadcast_in_dim3A_213 = vector.shape_cast %get3A_212 : vector<1x256xf32> to vector<1x256xf32>
    %broadcast_in_dim3A_214 = vector.broadcast %broadcast_in_dim3A_213 : vector<1x256xf32> to vector<32x256xf32>
    %swap3A_215 = arith.constant 0 : index
    %swap3A_216 = arith.constant 4608 : index
    %swap3A_217 = vector.load %arg7[%swap3A_215, %swap3A_216] : memref<32x8192xf32, #tpu.memory_space<vmem>>, vector<32x256xf32>
    tpu.vector_store %arg7[%swap3A_215, %swap3A_216], %broadcast_in_dim3A_214 {strides = array<i32>} : memref<32x8192xf32, #tpu.memory_space<vmem>>, vector<32x256xf32>,
    %get3A_218 = arith.constant 19 : index
    %get3A_219 = arith.constant 0 : index
    %get3A_220 = vector.load %arg6[%get3A_218, %get3A_219] : memref<32x256xf32, #tpu.memory_space<vmem>>, vector<1x256xf32>
    %broadcast_in_dim3A_221 = vector.shape_cast %get3A_220 : vector<1x256xf32> to vector<1x256xf32>
    %broadcast_in_dim3A_222 = vector.broadcast %broadcast_in_dim3A_221 : vector<1x256xf32> to vector<32x256xf32>
    %swap3A_223 = arith.constant 0 : index
    %swap3A_224 = arith.constant 4864 : index
    %swap3A_225 = vector.load %arg7[%swap3A_223, %swap3A_224] : memref<32x8192xf32, #tpu.memory_space<vmem>>, vector<32x256xf32>
    tpu.vector_store %arg7[%swap3A_223, %swap3A_224], %broadcast_in_dim3A_222 {strides = array<i32>} : memref<32x8192xf32, #tpu.memory_space<vmem>>, vector<32x256xf32>,
    %get3A_226 = arith.constant 20 : index
    %get3A_227 = arith.constant 0 : index
    %get3A_228 = vector.load %arg6[%get3A_226, %get3A_227] : memref<32x256xf32, #tpu.memory_space<vmem>>, vector<1x256xf32>
    %broadcast_in_dim3A_229 = vector.shape_cast %get3A_228 : vector<1x256xf32> to vector<1x256xf32>
    %broadcast_in_dim3A_230 = vector.broadcast %broadcast_in_dim3A_229 : vector<1x256xf32> to vector<32x256xf32>
    %swap3A_231 = arith.constant 0 : index
    %swap3A_232 = arith.constant 5120 : index
    %swap3A_233 = vector.load %arg7[%swap3A_231, %swap3A_232] : memref<32x8192xf32, #tpu.memory_space<vmem>>, vector<32x256xf32>
    tpu.vector_store %arg7[%swap3A_231, %swap3A_232], %broadcast_in_dim3A_230 {strides = array<i32>} : memref<32x8192xf32, #tpu.memory_space<vmem>>, vector<32x256xf32>,
    %get3A_234 = arith.constant 21 : index
    %get3A_235 = arith.constant 0 : index
    %get3A_236 = vector.load %arg6[%get3A_234, %get3A_235] : memref<32x256xf32, #tpu.memory_space<vmem>>, vector<1x256xf32>
    %broadcast_in_dim3A_237 = vector.shape_cast %get3A_236 : vector<1x256xf32> to vector<1x256xf32>
    %broadcast_in_dim3A_238 = vector.broadcast %broadcast_in_dim3A_237 : vector<1x256xf32> to vector<32x256xf32>
    %swap3A_239 = arith.constant 0 : index
    %swap3A_240 = arith.constant 5376 : index
    %swap3A_241 = vector.load %arg7[%swap3A_239, %swap3A_240] : memref<32x8192xf32, #tpu.memory_space<vmem>>, vector<32x256xf32>
    tpu.vector_store %arg7[%swap3A_239, %swap3A_240], %broadcast_in_dim3A_238 {strides = array<i32>} : memref<32x8192xf32, #tpu.memory_space<vmem>>, vector<32x256xf32>,
    %get3A_242 = arith.constant 22 : index
    %get3A_243 = arith.constant 0 : index
    %get3A_244 = vector.load %arg6[%get3A_242, %get3A_243] : memref<32x256xf32, #tpu.memory_space<vmem>>, vector<1x256xf32>
    %broadcast_in_dim3A_245 = vector.shape_cast %get3A_244 : vector<1x256xf32> to vector<1x256xf32>
    %broadcast_in_dim3A_246 = vector.broadcast %broadcast_in_dim3A_245 : vector<1x256xf32> to vector<32x256xf32>
    %swap3A_247 = arith.constant 0 : index
    %swap3A_248 = arith.constant 5632 : index
    %swap3A_249 = vector.load %arg7[%swap3A_247, %swap3A_248] : memref<32x8192xf32, #tpu.memory_space<vmem>>, vector<32x256xf32>
    tpu.vector_store %arg7[%swap3A_247, %swap3A_248], %broadcast_in_dim3A_246 {strides = array<i32>} : memref<32x8192xf32, #tpu.memory_space<vmem>>, vector<32x256xf32>,
    %get3A_250 = arith.constant 23 : index
    %get3A_251 = arith.constant 0 : index
    %get3A_252 = vector.load %arg6[%get3A_250, %get3A_251] : memref<32x256xf32, #tpu.memory_space<vmem>>, vector<1x256xf32>
    %broadcast_in_dim3A_253 = vector.shape_cast %get3A_252 : vector<1x256xf32> to vector<1x256xf32>
    %broadcast_in_dim3A_254 = vector.broadcast %broadcast_in_dim3A_253 : vector<1x256xf32> to vector<32x256xf32>
    %swap3A_255 = arith.constant 0 : index
    %swap3A_256 = arith.constant 5888 : index
    %swap3A_257 = vector.load %arg7[%swap3A_255, %swap3A_256] : memref<32x8192xf32, #tpu.memory_space<vmem>>, vector<32x256xf32>
    tpu.vector_store %arg7[%swap3A_255, %swap3A_256], %broadcast_in_dim3A_254 {strides = array<i32>} : memref<32x8192xf32, #tpu.memory_space<vmem>>, vector<32x256xf32>,
    %get3A_258 = arith.constant 24 : index
    %get3A_259 = arith.constant 0 : index
    %get3A_260 = vector.load %arg6[%get3A_258, %get3A_259] : memref<32x256xf32, #tpu.memory_space<vmem>>, vector<1x256xf32>
    %broadcast_in_dim3A_261 = vector.shape_cast %get3A_260 : vector<1x256xf32> to vector<1x256xf32>
    %broadcast_in_dim3A_262 = vector.broadcast %broadcast_in_dim3A_261 : vector<1x256xf32> to vector<32x256xf32>
    %swap3A_263 = arith.constant 0 : index
    %swap3A_264 = arith.constant 6144 : index
    %swap3A_265 = vector.load %arg7[%swap3A_263, %swap3A_264] : memref<32x8192xf32, #tpu.memory_space<vmem>>, vector<32x256xf32>
    tpu.vector_store %arg7[%swap3A_263, %swap3A_264], %broadcast_in_dim3A_262 {strides = array<i32>} : memref<32x8192xf32, #tpu.memory_space<vmem>>, vector<32x256xf32>,
    %get3A_266 = arith.constant 25 : index
    %get3A_267 = arith.constant 0 : index
    %get3A_268 = vector.load %arg6[%get3A_266, %get3A_267] : memref<32x256xf32, #tpu.memory_space<vmem>>, vector<1x256xf32>
    %broadcast_in_dim3A_269 = vector.shape_cast %get3A_268 : vector<1x256xf32> to vector<1x256xf32>
    %broadcast_in_dim3A_270 = vector.broadcast %broadcast_in_dim3A_269 : vector<1x256xf32> to vector<32x256xf32>
    %swap3A_271 = arith.constant 0 : index
    %swap3A_272 = arith.constant 6400 : index
    %swap3A_273 = vector.load %arg7[%swap3A_271, %swap3A_272] : memref<32x8192xf32, #tpu.memory_space<vmem>>, vector<32x256xf32>
    tpu.vector_store %arg7[%swap3A_271, %swap3A_272], %broadcast_in_dim3A_270 {strides = array<i32>} : memref<32x8192xf32, #tpu.memory_space<vmem>>, vector<32x256xf32>,
    %get3A_274 = arith.constant 26 : index
    %get3A_275 = arith.constant 0 : index
    %get3A_276 = vector.load %arg6[%get3A_274, %get3A_275] : memref<32x256xf32, #tpu.memory_space<vmem>>, vector<1x256xf32>
    %broadcast_in_dim3A_277 = vector.shape_cast %get3A_276 : vector<1x256xf32> to vector<1x256xf32>
    %broadcast_in_dim3A_278 = vector.broadcast %broadcast_in_dim3A_277 : vector<1x256xf32> to vector<32x256xf32>
    %swap3A_279 = arith.constant 0 : index
    %swap3A_280 = arith.constant 6656 : index
    %swap3A_281 = vector.load %arg7[%swap3A_279, %swap3A_280] : memref<32x8192xf32, #tpu.memory_space<vmem>>, vector<32x256xf32>
    tpu.vector_store %arg7[%swap3A_279, %swap3A_280], %broadcast_in_dim3A_278 {strides = array<i32>} : memref<32x8192xf32, #tpu.memory_space<vmem>>, vector<32x256xf32>,
    %get3A_282 = arith.constant 27 : index
    %get3A_283 = arith.constant 0 : index
    %get3A_284 = vector.load %arg6[%get3A_282, %get3A_283] : memref<32x256xf32, #tpu.memory_space<vmem>>, vector<1x256xf32>
    %broadcast_in_dim3A_285 = vector.shape_cast %get3A_284 : vector<1x256xf32> to vector<1x256xf32>
    %broadcast_in_dim3A_286 = vector.broadcast %broadcast_in_dim3A_285 : vector<1x256xf32> to vector<32x256xf32>
    %swap3A_287 = arith.constant 0 : index
    %swap3A_288 = arith.constant 6912 : index
    %swap3A_289 = vector.load %arg7[%swap3A_287, %swap3A_288] : memref<32x8192xf32, #tpu.memory_space<vmem>>, vector<32x256xf32>
    tpu.vector_store %arg7[%swap3A_287, %swap3A_288], %broadcast_in_dim3A_286 {strides = array<i32>} : memref<32x8192xf32, #tpu.memory_space<vmem>>, vector<32x256xf32>,
    %get3A_290 = arith.constant 28 : index
    %get3A_291 = arith.constant 0 : index
    %get3A_292 = vector.load %arg6[%get3A_290, %get3A_291] : memref<32x256xf32, #tpu.memory_space<vmem>>, vector<1x256xf32>
    %broadcast_in_dim3A_293 = vector.shape_cast %get3A_292 : vector<1x256xf32> to vector<1x256xf32>
    %broadcast_in_dim3A_294 = vector.broadcast %broadcast_in_dim3A_293 : vector<1x256xf32> to vector<32x256xf32>
    %swap3A_295 = arith.constant 0 : index
    %swap3A_296 = arith.constant 7168 : index
    %swap3A_297 = vector.load %arg7[%swap3A_295, %swap3A_296] : memref<32x8192xf32, #tpu.memory_space<vmem>>, vector<32x256xf32>
    tpu.vector_store %arg7[%swap3A_295, %swap3A_296], %broadcast_in_dim3A_294 {strides = array<i32>} : memref<32x8192xf32, #tpu.memory_space<vmem>>, vector<32x256xf32>,
    %get3A_298 = arith.constant 29 : index
    %get3A_299 = arith.constant 0 : index
    %get3A_300 = vector.load %arg6[%get3A_298, %get3A_299] : memref<32x256xf32, #tpu.memory_space<vmem>>, vector<1x256xf32>
    %broadcast_in_dim3A_301 = vector.shape_cast %get3A_300 : vector<1x256xf32> to vector<1x256xf32>
    %broadcast_in_dim3A_302 = vector.broadcast %broadcast_in_dim3A_301 : vector<1x256xf32> to vector<32x256xf32>
    %swap3A_303 = arith.constant 0 : index
    %swap3A_304 = arith.constant 7424 : index
    %swap3A_305 = vector.load %arg7[%swap3A_303, %swap3A_304] : memref<32x8192xf32, #tpu.memory_space<vmem>>, vector<32x256xf32>
    tpu.vector_store %arg7[%swap3A_303, %swap3A_304], %broadcast_in_dim3A_302 {strides = array<i32>} : memref<32x8192xf32, #tpu.memory_space<vmem>>, vector<32x256xf32>,
    %get3A_306 = arith.constant 30 : index
    %get3A_307 = arith.constant 0 : index
    %get3A_308 = vector.load %arg6[%get3A_306, %get3A_307] : memref<32x256xf32, #tpu.memory_space<vmem>>, vector<1x256xf32>
    %broadcast_in_dim3A_309 = vector.shape_cast %get3A_308 : vector<1x256xf32> to vector<1x256xf32>
    %broadcast_in_dim3A_310 = vector.broadcast %broadcast_in_dim3A_309 : vector<1x256xf32> to vector<32x256xf32>
    %swap3A_311 = arith.constant 0 : index
    %swap3A_312 = arith.constant 7680 : index
    %swap3A_313 = vector.load %arg7[%swap3A_311, %swap3A_312] : memref<32x8192xf32, #tpu.memory_space<vmem>>, vector<32x256xf32>
    tpu.vector_store %arg7[%swap3A_311, %swap3A_312], %broadcast_in_dim3A_310 {strides = array<i32>} : memref<32x8192xf32, #tpu.memory_space<vmem>>, vector<32x256xf32>,
    %get3A_314 = arith.constant 31 : index
    %get3A_315 = arith.constant 0 : index
    %get3A_316 = vector.load %arg6[%get3A_314, %get3A_315] : memref<32x256xf32, #tpu.memory_space<vmem>>, vector<1x256xf32>
    %broadcast_in_dim3A_317 = vector.shape_cast %get3A_316 : vector<1x256xf32> to vector<1x256xf32>
    %broadcast_in_dim3A_318 = vector.broadcast %broadcast_in_dim3A_317 : vector<1x256xf32> to vector<32x256xf32>
    %swap3A_319 = arith.constant 0 : index
    %swap3A_320 = arith.constant 7936 : index
    %swap3A_321 = vector.load %arg7[%swap3A_319, %swap3A_320] : memref<32x8192xf32, #tpu.memory_space<vmem>>, vector<32x256xf32>
    tpu.vector_store %arg7[%swap3A_319, %swap3A_320], %broadcast_in_dim3A_318 {strides = array<i32>} : memref<32x8192xf32, #tpu.memory_space<vmem>>, vector<32x256xf32>,
    %iota3A = tpu.iota {dimensions = array<i32: 1>} : vector<32x256xi32>
    %iota3A_322 = tpu.iota {dimensions = array<i32: 1>} : vector<8x128xi32>
    %iota3A_323 = tpu.iota {dimensions = array<i32: 0>} : vector<32x256xi32>
    %mul3A = arith.constant 67108864 : i32
    %mul3A_324 = arith.muli %arg0, %mul3A : i32
    %broadcast_in_dim3A_325 = arith.constant 2147483647 : i32
    %broadcast_in_dim3A_326 = vector.broadcast %broadcast_in_dim3A_325 : i32 to vector<32x256xi32>
    %mul3A_327 = arith.constant 1024 : i32
    %mul3A_328 = arith.muli %arg1, %mul3A_327 : i32
    %jit3A = arith.constant 8 : i32
    %eq3A = arith.constant 0 : i32
    %eq3A_329 = arith.cmpi eq, %jit3A, %eq3A : i32
    %jit3A_330 = arith.constant 1 : i32
    %select_n3A_331 = arith.select %eq3A_329, %jit3A_330, %jit3A : i32
    %rem3A = vector.broadcast %select_n3A_331 : i32 to vector<32x256xi32>
    %rem3A_332 = arith.remsi %iota3A_323, %rem3A : vector<32x256xi32>
    %ne3A = arith.constant 0 : i32
    %ne3A_333 = vector.broadcast %ne3A : i32 to vector<32x256xi32>
    %ne3A_334 = arith.cmpi ne, %rem3A_332, %ne3A_333 : vector<32x256xi32>
    %lt3A_335 = arith.constant 0 : i32
    %lt3A_336 = vector.broadcast %lt3A_335 : i32 to vector<32x256xi32>
    %lt3A_337 = arith.cmpi slt, %rem3A_332, %lt3A_336 : vector<32x256xi32>
    %lt3A_338 = arith.constant 0 : i32
    %lt3A_339 = arith.cmpi slt, %select_n3A_331, %lt3A_338 : i32
    %ne3A_340 = vector.broadcast %lt3A_339 : i1 to vector<32x256xi1>
    %ne3A_341 = vector.broadcast %ne3A_340 : vector<32x256xi1> to vector<32x256xi1>
    %ne3A_342 = arith.xori %lt3A_337, %ne3A_341 : vector<32x256xi1>
    %and3A = arith.andi %ne3A_342, %ne3A_334 : vector<32x256xi1>
    %add3A_343 = vector.broadcast %select_n3A_331 : i32 to vector<32x256xi32>
    %add3A_344 = arith.addi %rem3A_332, %add3A_343 : vector<32x256xi32>
    %select_n3A_345 = arith.select %and3A, %add3A_344, %rem3A_332 : vector<32x256xi1>, vector<32x256xi32>
    %mul3A_346 = arith.constant 128 : i32
    %mul3A_347 = vector.broadcast %mul3A_346 : i32 to vector<32x256xi32>
    %mul3A_348 = arith.muli %select_n3A_345, %mul3A_347 : vector<32x256xi32>
    %add3A_349 = vector.broadcast %mul3A_328 : i32 to vector<32x256xi32>
    %add3A_350 = arith.addi %add3A_349, %mul3A_348 : vector<32x256xi32>
    %jit3A_351 = arith.constant 8 : i32
    %div3A = vector.broadcast %jit3A_351 : i32 to vector<32x256xi32>
    %div3A_352 = arith.divsi %iota3A_323, %div3A : vector<32x256xi32>
    %sign3A = arith.constant 0 : i32
    %sign3A_353 = vector.broadcast %sign3A : i32 to vector<32x256xi32>
    %sign3A_354 = arith.cmpi sgt, %iota3A_323, %sign3A_353 : vector<32x256xi32>
    %sign3A_355 = arith.extui %sign3A_354 : vector<32x256xi1> to vector<32x256xi32>
    %sign3A_356 = arith.constant 0 : i32
    %sign3A_357 = vector.broadcast %sign3A_356 : i32 to vector<32x256xi32>
    %sign3A_358 = arith.cmpi slt, %iota3A_323, %sign3A_357 : vector<32x256xi32>
    %sign3A_359 = arith.extui %sign3A_358 : vector<32x256xi1> to vector<32x256xi32>
    %sign3A_360 = arith.subi %sign3A_355, %sign3A_359 : vector<32x256xi32>
    %sign3A_361 = arith.constant 0 : i32
    %sign3A_362 = arith.cmpi sgt, %jit3A_351, %sign3A_361 : i32
    %sign3A_363 = arith.extui %sign3A_362 : i1 to i32
    %sign3A_364 = arith.constant 0 : i32
    %sign3A_365 = arith.cmpi slt, %jit3A_351, %sign3A_364 : i32
    %sign3A_366 = arith.extui %sign3A_365 : i1 to i32
    %sign3A_367 = arith.subi %sign3A_363, %sign3A_366 : i32
    %ne3A_368 = vector.broadcast %sign3A_367 : i32 to vector<32x256xi32>
    %ne3A_369 = arith.cmpi ne, %sign3A_360, %ne3A_368 : vector<32x256xi32>
    %rem3A_370 = vector.broadcast %jit3A_351 : i32 to vector<32x256xi32>
    %rem3A_371 = arith.remsi %iota3A_323, %rem3A_370 : vector<32x256xi32>
    %ne3A_372 = arith.constant 0 : i32
    %ne3A_373 = vector.broadcast %ne3A_372 : i32 to vector<32x256xi32>
    %ne3A_374 = arith.cmpi ne, %rem3A_371, %ne3A_373 : vector<32x256xi32>
    %and3A_375 = arith.andi %ne3A_369, %ne3A_374 : vector<32x256xi1>
    %sub3A_376 = arith.constant 1 : i32
    %sub3A_377 = vector.broadcast %sub3A_376 : i32 to vector<32x256xi32>
    %sub3A_378 = arith.subi %div3A_352, %sub3A_377 : vector<32x256xi32>
    %select_n3A_379 = arith.select %and3A_375, %sub3A_378, %div3A_352 : vector<32x256xi1>, vector<32x256xi32>
    %mul3A_380 = arith.constant 32 : i32
    %mul3A_381 = vector.broadcast %mul3A_380 : i32 to vector<32x256xi32>
    %mul3A_382 = arith.muli %select_n3A_379, %mul3A_381 : vector<32x256xi32>
    %add3A_383 = arith.addi %add3A_350, %mul3A_382 : vector<32x256xi32>
    %mul3A_384 = arith.constant 8192 : i32
    %mul3A_385 = vector.broadcast %mul3A_384 : i32 to vector<32x256xi32>
    %mul3A_386 = arith.muli %add3A_383, %mul3A_385 : vector<32x256xi32>
    %add3A_387 = vector.broadcast %mul3A_324 : i32 to vector<32x256xi32>
    %add3A_388 = arith.addi %add3A_387, %mul3A_386 : vector<32x256xi32>
    %broadcast_in_dim3A_389 = arith.constant 0 : i32
    %broadcast_in_dim3A_390 = vector.broadcast %broadcast_in_dim3A_389 : i32 to vector<8x128xi32>
    %scan3A = arith.constant 0 : i32
    %scan3A_391 = arith.constant 32 : i32
    %scan3A_392 = arith.addi %scan3A, %scan3A_391 : i32
    %scan3A_393 = arith.constant 2 : i32
    %scan3A_394 = scf.for %scan3A_407 = %scan3A to %scan3A_392 step %scan3A_393 iter_args(%scan3A_408 = %broadcast_in_dim3A_390) -> (vector<8x128xi32>)  : i32 {
      %mul3A_409 = arith.constant 8192 : i32
      %mul3A_410 = arith.muli %scan3A_407, %mul3A_409 : i32
      %add3A_411 = vector.broadcast %mul3A_410 : i32 to vector<32x256xi32>
      %add3A_412 = arith.addi %add3A_388, %add3A_411 : vector<32x256xi32>
      %broadcast_in_dim3A_413 = arith.constant 0x7F800000 : f32
      %broadcast_in_dim3A_414 = vector.broadcast %broadcast_in_dim3A_413 : f32 to vector<32x256xf32>
      %broadcast_in_dim3A_415 = arith.constant 0 : i32
      %broadcast_in_dim3A_416 = vector.broadcast %broadcast_in_dim3A_415 : i32 to vector<32x256xi32>
      %scan3A_417 = arith.constant 0 : i32
      %scan3A_418 = arith.constant 32 : i32
      %scan3A_419 = arith.addi %scan3A_417, %scan3A_418 : i32
      %scan3A_420 = arith.constant 4 : i32
      %scan3A_421:2 = scf.for %scan3A_527 = %scan3A_417 to %scan3A_419 step %scan3A_420 iter_args(%scan3A_528 = %broadcast_in_dim3A_414, %scan3A_529 = %broadcast_in_dim3A_416) -> (vector<32x256xf32>, vector<32x256xi32>)  : i32 {
        %mul3A_530 = arith.constant 256 : i32
        %mul3A_531 = arith.muli %scan3A_527, %mul3A_530 : i32
        %add3A_532 = vector.broadcast %mul3A_531 : i32 to vector<32x256xi32>
        %add3A_533 = arith.addi %add3A_412, %add3A_532 : vector<32x256xi32>
        %add3A_534 = arith.addi %add3A_533, %iota3A : vector<32x256xi32>
        %broadcast_in_dim3A_535 = arith.constant 0 : i32
        %broadcast_in_dim3A_536 = vector.broadcast %broadcast_in_dim3A_535 : i32 to vector<32x256xi32>
        %add3A_537 = arith.constant 12345 : i32
        %add3A_538 = vector.broadcast %add3A_537 : i32 to vector<32x256xi32>
        %add3A_539 = arith.addi %add3A_534, %add3A_538 : vector<32x256xi32>
        %add3A_540 = arith.addi %broadcast_in_dim3A_536, %add3A_539 : vector<32x256xi32>
        %shift_left3A = arith.constant 13 : i32
        %shift_left3A_541 = vector.broadcast %shift_left3A : i32 to vector<32x256xi32>
        %shift_left3A_542 = arith.shli %add3A_539, %shift_left3A_541 : vector<32x256xi32>
        %broadcast_in_dim3A_543 = arith.constant 19 : i32
        %broadcast_in_dim3A_544 = vector.broadcast %broadcast_in_dim3A_543 : i32 to vector<32x256xi32>
        %shift_right_logical3A = arith.shrui %add3A_539, %broadcast_in_dim3A_544 : vector<32x256xi32>
        %or3A = arith.ori %shift_left3A_542, %shift_right_logical3A : vector<32x256xi32>
        %xor3A = arith.xori %or3A, %add3A_540 : vector<32x256xi32>
        %add3A_545 = arith.addi %add3A_540, %xor3A : vector<32x256xi32>
        %shift_left3A_546 = arith.constant 15 : i32
        %shift_left3A_547 = vector.broadcast %shift_left3A_546 : i32 to vector<32x256xi32>
        %shift_left3A_548 = arith.shli %xor3A, %shift_left3A_547 : vector<32x256xi32>
        %broadcast_in_dim3A_549 = arith.constant 17 : i32
        %broadcast_in_dim3A_550 = vector.broadcast %broadcast_in_dim3A_549 : i32 to vector<32x256xi32>
        %shift_right_logical3A_551 = arith.shrui %xor3A, %broadcast_in_dim3A_550 : vector<32x256xi32>
        %or3A_552 = arith.ori %shift_left3A_548, %shift_right_logical3A_551 : vector<32x256xi32>
        %xor3A_553 = arith.xori %or3A_552, %add3A_545 : vector<32x256xi32>
        %add3A_554 = arith.addi %add3A_545, %xor3A_553 : vector<32x256xi32>
        %shift_left3A_555 = arith.constant 26 : i32
        %shift_left3A_556 = vector.broadcast %shift_left3A_555 : i32 to vector<32x256xi32>
        %shift_left3A_557 = arith.shli %xor3A_553, %shift_left3A_556 : vector<32x256xi32>
        %broadcast_in_dim3A_558 = arith.constant 6 : i32
        %broadcast_in_dim3A_559 = vector.broadcast %broadcast_in_dim3A_558 : i32 to vector<32x256xi32>
        %shift_right_logical3A_560 = arith.shrui %xor3A_553, %broadcast_in_dim3A_559 : vector<32x256xi32>
        %or3A_561 = arith.ori %shift_left3A_557, %shift_right_logical3A_560 : vector<32x256xi32>
        %xor3A_562 = arith.xori %or3A_561, %add3A_554 : vector<32x256xi32>
        %add3A_563 = arith.addi %add3A_554, %xor3A_562 : vector<32x256xi32>
        %shift_left3A_564 = arith.constant 6 : i32
        %shift_left3A_565 = vector.broadcast %shift_left3A_564 : i32 to vector<32x256xi32>
        %shift_left3A_566 = arith.shli %xor3A_562, %shift_left3A_565 : vector<32x256xi32>
        %broadcast_in_dim3A_567 = arith.constant 26 : i32
        %broadcast_in_dim3A_568 = vector.broadcast %broadcast_in_dim3A_567 : i32 to vector<32x256xi32>
        %shift_right_logical3A_569 = arith.shrui %xor3A_562, %broadcast_in_dim3A_568 : vector<32x256xi32>
        %or3A_570 = arith.ori %shift_left3A_566, %shift_right_logical3A_569 : vector<32x256xi32>
        %xor3A_571 = arith.xori %or3A_570, %add3A_563 : vector<32x256xi32>
        %add3A_572 = arith.constant 12345 : i32
        %add3A_573 = vector.broadcast %add3A_572 : i32 to vector<32x256xi32>
        %add3A_574 = arith.addi %add3A_563, %add3A_573 : vector<32x256xi32>
        %add3A_575 = arith.constant 466693092 : i32
        %add3A_576 = vector.broadcast %add3A_575 : i32 to vector<32x256xi32>
        %add3A_577 = arith.addi %xor3A_571, %add3A_576 : vector<32x256xi32>
        %add3A_578 = arith.addi %add3A_574, %add3A_577 : vector<32x256xi32>
        %shift_left3A_579 = arith.constant 17 : i32
        %shift_left3A_580 = vector.broadcast %shift_left3A_579 : i32 to vector<32x256xi32>
        %shift_left3A_581 = arith.shli %add3A_577, %shift_left3A_580 : vector<32x256xi32>
        %broadcast_in_dim3A_582 = arith.constant 15 : i32
        %broadcast_in_dim3A_583 = vector.broadcast %broadcast_in_dim3A_582 : i32 to vector<32x256xi32>
        %shift_right_logical3A_584 = arith.shrui %add3A_577, %broadcast_in_dim3A_583 : vector<32x256xi32>
        %or3A_585 = arith.ori %shift_left3A_581, %shift_right_logical3A_584 : vector<32x256xi32>
        %xor3A_586 = arith.xori %or3A_585, %add3A_578 : vector<32x256xi32>
        %add3A_587 = arith.addi %add3A_578, %xor3A_586 : vector<32x256xi32>
        %shift_left3A_588 = arith.constant 29 : i32
        %shift_left3A_589 = vector.broadcast %shift_left3A_588 : i32 to vector<32x256xi32>
        %shift_left3A_590 = arith.shli %xor3A_586, %shift_left3A_589 : vector<32x256xi32>
        %broadcast_in_dim3A_591 = arith.constant 3 : i32
        %broadcast_in_dim3A_592 = vector.broadcast %broadcast_in_dim3A_591 : i32 to vector<32x256xi32>
        %shift_right_logical3A_593 = arith.shrui %xor3A_586, %broadcast_in_dim3A_592 : vector<32x256xi32>
        %or3A_594 = arith.ori %shift_left3A_590, %shift_right_logical3A_593 : vector<32x256xi32>
        %xor3A_595 = arith.xori %or3A_594, %add3A_587 : vector<32x256xi32>
        %add3A_596 = arith.addi %add3A_587, %xor3A_595 : vector<32x256xi32>
        %shift_left3A_597 = arith.constant 16 : i32
        %shift_left3A_598 = vector.broadcast %shift_left3A_597 : i32 to vector<32x256xi32>
        %shift_left3A_599 = arith.shli %xor3A_595, %shift_left3A_598 : vector<32x256xi32>
        %broadcast_in_dim3A_600 = arith.constant 16 : i32
        %broadcast_in_dim3A_601 = vector.broadcast %broadcast_in_dim3A_600 : i32 to vector<32x256xi32>
        %shift_right_logical3A_602 = arith.shrui %xor3A_595, %broadcast_in_dim3A_601 : vector<32x256xi32>
        %or3A_603 = arith.ori %shift_left3A_599, %shift_right_logical3A_602 : vector<32x256xi32>
        %xor3A_604 = arith.xori %or3A_603, %add3A_596 : vector<32x256xi32>
        %add3A_605 = arith.addi %add3A_596, %xor3A_604 : vector<32x256xi32>
        %shift_left3A_606 = arith.constant 24 : i32
        %shift_left3A_607 = vector.broadcast %shift_left3A_606 : i32 to vector<32x256xi32>
        %shift_left3A_608 = arith.shli %xor3A_604, %shift_left3A_607 : vector<32x256xi32>
        %broadcast_in_dim3A_609 = arith.constant 8 : i32
        %broadcast_in_dim3A_610 = vector.broadcast %broadcast_in_dim3A_609 : i32 to vector<32x256xi32>
        %shift_right_logical3A_611 = arith.shrui %xor3A_604, %broadcast_in_dim3A_610 : vector<32x256xi32>
        %or3A_612 = arith.ori %shift_left3A_608, %shift_right_logical3A_611 : vector<32x256xi32>
        %xor3A_613 = arith.xori %or3A_612, %add3A_605 : vector<32x256xi32>
        %add3A_614 = arith.constant 466693091 : i32
        %add3A_615 = vector.broadcast %add3A_614 : i32 to vector<32x256xi32>
        %add3A_616 = arith.addi %add3A_605, %add3A_615 : vector<32x256xi32>
        %add3A_617 = arith.constant 2 : i32
        %add3A_618 = vector.broadcast %add3A_617 : i32 to vector<32x256xi32>
        %add3A_619 = arith.addi %xor3A_613, %add3A_618 : vector<32x256xi32>
        %add3A_620 = arith.addi %add3A_616, %add3A_619 : vector<32x256xi32>
        %shift_left3A_621 = arith.constant 13 : i32
        %shift_left3A_622 = vector.broadcast %shift_left3A_621 : i32 to vector<32x256xi32>
        %shift_left3A_623 = arith.shli %add3A_619, %shift_left3A_622 : vector<32x256xi32>
        %broadcast_in_dim3A_624 = arith.constant 19 : i32
        %broadcast_in_dim3A_625 = vector.broadcast %broadcast_in_dim3A_624 : i32 to vector<32x256xi32>
        %shift_right_logical3A_626 = arith.shrui %add3A_619, %broadcast_in_dim3A_625 : vector<32x256xi32>
        %or3A_627 = arith.ori %shift_left3A_623, %shift_right_logical3A_626 : vector<32x256xi32>
        %xor3A_628 = arith.xori %or3A_627, %add3A_620 : vector<32x256xi32>
        %add3A_629 = arith.addi %add3A_620, %xor3A_628 : vector<32x256xi32>
        %shift_left3A_630 = arith.constant 15 : i32
        %shift_left3A_631 = vector.broadcast %shift_left3A_630 : i32 to vector<32x256xi32>
        %shift_left3A_632 = arith.shli %xor3A_628, %shift_left3A_631 : vector<32x256xi32>
        %broadcast_in_dim3A_633 = arith.constant 17 : i32
        %broadcast_in_dim3A_634 = vector.broadcast %broadcast_in_dim3A_633 : i32 to vector<32x256xi32>
        %shift_right_logical3A_635 = arith.shrui %xor3A_628, %broadcast_in_dim3A_634 : vector<32x256xi32>
        %or3A_636 = arith.ori %shift_left3A_632, %shift_right_logical3A_635 : vector<32x256xi32>
        %xor3A_637 = arith.xori %or3A_636, %add3A_629 : vector<32x256xi32>
        %add3A_638 = arith.addi %add3A_629, %xor3A_637 : vector<32x256xi32>
        %shift_left3A_639 = arith.constant 26 : i32
        %shift_left3A_640 = vector.broadcast %shift_left3A_639 : i32 to vector<32x256xi32>
        %shift_left3A_641 = arith.shli %xor3A_637, %shift_left3A_640 : vector<32x256xi32>
        %broadcast_in_dim3A_642 = arith.constant 6 : i32
        %broadcast_in_dim3A_643 = vector.broadcast %broadcast_in_dim3A_642 : i32 to vector<32x256xi32>
        %shift_right_logical3A_644 = arith.shrui %xor3A_637, %broadcast_in_dim3A_643 : vector<32x256xi32>
        %or3A_645 = arith.ori %shift_left3A_641, %shift_right_logical3A_644 : vector<32x256xi32>
        %xor3A_646 = arith.xori %or3A_645, %add3A_638 : vector<32x256xi32>
        %add3A_647 = arith.addi %add3A_638, %xor3A_646 : vector<32x256xi32>
        %shift_left3A_648 = arith.constant 6 : i32
        %shift_left3A_649 = vector.broadcast %shift_left3A_648 : i32 to vector<32x256xi32>
        %shift_left3A_650 = arith.shli %xor3A_646, %shift_left3A_649 : vector<32x256xi32>
        %broadcast_in_dim3A_651 = arith.constant 26 : i32
        %broadcast_in_dim3A_652 = vector.broadcast %broadcast_in_dim3A_651 : i32 to vector<32x256xi32>
        %shift_right_logical3A_653 = arith.shrui %xor3A_646, %broadcast_in_dim3A_652 : vector<32x256xi32>
        %or3A_654 = arith.ori %shift_left3A_650, %shift_right_logical3A_653 : vector<32x256xi32>
        %xor3A_655 = arith.xori %or3A_654, %add3A_647 : vector<32x256xi32>
        %add3A_656 = arith.constant 0 : i32
        %add3A_657 = vector.broadcast %add3A_656 : i32 to vector<32x256xi32>
        %add3A_658 = arith.addi %add3A_647, %add3A_657 : vector<32x256xi32>
        %add3A_659 = arith.constant 12348 : i32
        %add3A_660 = vector.broadcast %add3A_659 : i32 to vector<32x256xi32>
        %add3A_661 = arith.addi %xor3A_655, %add3A_660 : vector<32x256xi32>
        %add3A_662 = arith.addi %add3A_658, %add3A_661 : vector<32x256xi32>
        %shift_left3A_663 = arith.constant 17 : i32
        %shift_left3A_664 = vector.broadcast %shift_left3A_663 : i32 to vector<32x256xi32>
        %shift_left3A_665 = arith.shli %add3A_661, %shift_left3A_664 : vector<32x256xi32>
        %broadcast_in_dim3A_666 = arith.constant 15 : i32
        %broadcast_in_dim3A_667 = vector.broadcast %broadcast_in_dim3A_666 : i32 to vector<32x256xi32>
        %shift_right_logical3A_668 = arith.shrui %add3A_661, %broadcast_in_dim3A_667 : vector<32x256xi32>
        %or3A_669 = arith.ori %shift_left3A_665, %shift_right_logical3A_668 : vector<32x256xi32>
        %xor3A_670 = arith.xori %or3A_669, %add3A_662 : vector<32x256xi32>
        %add3A_671 = arith.addi %add3A_662, %xor3A_670 : vector<32x256xi32>
        %shift_left3A_672 = arith.constant 29 : i32
        %shift_left3A_673 = vector.broadcast %shift_left3A_672 : i32 to vector<32x256xi32>
        %shift_left3A_674 = arith.shli %xor3A_670, %shift_left3A_673 : vector<32x256xi32>
        %broadcast_in_dim3A_675 = arith.constant 3 : i32
        %broadcast_in_dim3A_676 = vector.broadcast %broadcast_in_dim3A_675 : i32 to vector<32x256xi32>
        %shift_right_logical3A_677 = arith.shrui %xor3A_670, %broadcast_in_dim3A_676 : vector<32x256xi32>
        %or3A_678 = arith.ori %shift_left3A_674, %shift_right_logical3A_677 : vector<32x256xi32>
        %xor3A_679 = arith.xori %or3A_678, %add3A_671 : vector<32x256xi32>
        %add3A_680 = arith.addi %add3A_671, %xor3A_679 : vector<32x256xi32>
        %shift_left3A_681 = arith.constant 16 : i32
        %shift_left3A_682 = vector.broadcast %shift_left3A_681 : i32 to vector<32x256xi32>
        %shift_left3A_683 = arith.shli %xor3A_679, %shift_left3A_682 : vector<32x256xi32>
        %broadcast_in_dim3A_684 = arith.constant 16 : i32
        %broadcast_in_dim3A_685 = vector.broadcast %broadcast_in_dim3A_684 : i32 to vector<32x256xi32>
        %shift_right_logical3A_686 = arith.shrui %xor3A_679, %broadcast_in_dim3A_685 : vector<32x256xi32>
        %or3A_687 = arith.ori %shift_left3A_683, %shift_right_logical3A_686 : vector<32x256xi32>
        %xor3A_688 = arith.xori %or3A_687, %add3A_680 : vector<32x256xi32>
        %add3A_689 = arith.addi %add3A_680, %xor3A_688 : vector<32x256xi32>
        %shift_left3A_690 = arith.constant 24 : i32
        %shift_left3A_691 = vector.broadcast %shift_left3A_690 : i32 to vector<32x256xi32>
        %shift_left3A_692 = arith.shli %xor3A_688, %shift_left3A_691 : vector<32x256xi32>
        %broadcast_in_dim3A_693 = arith.constant 8 : i32
        %broadcast_in_dim3A_694 = vector.broadcast %broadcast_in_dim3A_693 : i32 to vector<32x256xi32>
        %shift_right_logical3A_695 = arith.shrui %xor3A_688, %broadcast_in_dim3A_694 : vector<32x256xi32>
        %or3A_696 = arith.ori %shift_left3A_692, %shift_right_logical3A_695 : vector<32x256xi32>
        %xor3A_697 = arith.xori %or3A_696, %add3A_689 : vector<32x256xi32>
        %add3A_698 = arith.constant 12345 : i32
        %add3A_699 = vector.broadcast %add3A_698 : i32 to vector<32x256xi32>
        %add3A_700 = arith.addi %add3A_689, %add3A_699 : vector<32x256xi32>
        %add3A_701 = arith.constant 466693095 : i32
        %add3A_702 = vector.broadcast %add3A_701 : i32 to vector<32x256xi32>
        %add3A_703 = arith.addi %xor3A_697, %add3A_702 : vector<32x256xi32>
        %add3A_704 = arith.addi %add3A_700, %add3A_703 : vector<32x256xi32>
        %shift_left3A_705 = arith.constant 13 : i32
        %shift_left3A_706 = vector.broadcast %shift_left3A_705 : i32 to vector<32x256xi32>
        %shift_left3A_707 = arith.shli %add3A_703, %shift_left3A_706 : vector<32x256xi32>
        %broadcast_in_dim3A_708 = arith.constant 19 : i32
        %broadcast_in_dim3A_709 = vector.broadcast %broadcast_in_dim3A_708 : i32 to vector<32x256xi32>
        %shift_right_logical3A_710 = arith.shrui %add3A_703, %broadcast_in_dim3A_709 : vector<32x256xi32>
        %or3A_711 = arith.ori %shift_left3A_707, %shift_right_logical3A_710 : vector<32x256xi32>
        %xor3A_712 = arith.xori %or3A_711, %add3A_704 : vector<32x256xi32>
        %add3A_713 = arith.addi %add3A_704, %xor3A_712 : vector<32x256xi32>
        %shift_left3A_714 = arith.constant 15 : i32
        %shift_left3A_715 = vector.broadcast %shift_left3A_714 : i32 to vector<32x256xi32>
        %shift_left3A_716 = arith.shli %xor3A_712, %shift_left3A_715 : vector<32x256xi32>
        %broadcast_in_dim3A_717 = arith.constant 17 : i32
        %broadcast_in_dim3A_718 = vector.broadcast %broadcast_in_dim3A_717 : i32 to vector<32x256xi32>
        %shift_right_logical3A_719 = arith.shrui %xor3A_712, %broadcast_in_dim3A_718 : vector<32x256xi32>
        %or3A_720 = arith.ori %shift_left3A_716, %shift_right_logical3A_719 : vector<32x256xi32>
        %xor3A_721 = arith.xori %or3A_720, %add3A_713 : vector<32x256xi32>
        %add3A_722 = arith.addi %add3A_713, %xor3A_721 : vector<32x256xi32>
        %shift_left3A_723 = arith.constant 26 : i32
        %shift_left3A_724 = vector.broadcast %shift_left3A_723 : i32 to vector<32x256xi32>
        %shift_left3A_725 = arith.shli %xor3A_721, %shift_left3A_724 : vector<32x256xi32>
        %broadcast_in_dim3A_726 = arith.constant 6 : i32
        %broadcast_in_dim3A_727 = vector.broadcast %broadcast_in_dim3A_726 : i32 to vector<32x256xi32>
        %shift_right_logical3A_728 = arith.shrui %xor3A_721, %broadcast_in_dim3A_727 : vector<32x256xi32>
        %or3A_729 = arith.ori %shift_left3A_725, %shift_right_logical3A_728 : vector<32x256xi32>
        %xor3A_730 = arith.xori %or3A_729, %add3A_722 : vector<32x256xi32>
        %add3A_731 = arith.addi %add3A_722, %xor3A_730 : vector<32x256xi32>
        %shift_left3A_732 = arith.constant 6 : i32
        %shift_left3A_733 = vector.broadcast %shift_left3A_732 : i32 to vector<32x256xi32>
        %shift_left3A_734 = arith.shli %xor3A_730, %shift_left3A_733 : vector<32x256xi32>
        %broadcast_in_dim3A_735 = arith.constant 26 : i32
        %broadcast_in_dim3A_736 = vector.broadcast %broadcast_in_dim3A_735 : i32 to vector<32x256xi32>
        %shift_right_logical3A_737 = arith.shrui %xor3A_730, %broadcast_in_dim3A_736 : vector<32x256xi32>
        %or3A_738 = arith.ori %shift_left3A_734, %shift_right_logical3A_737 : vector<32x256xi32>
        %xor3A_739 = arith.xori %or3A_738, %add3A_731 : vector<32x256xi32>
        %add3A_740 = arith.constant 466693091 : i32
        %add3A_741 = vector.broadcast %add3A_740 : i32 to vector<32x256xi32>
        %add3A_742 = arith.addi %add3A_731, %add3A_741 : vector<32x256xi32>
        %add3A_743 = arith.constant 5 : i32
        %add3A_744 = vector.broadcast %add3A_743 : i32 to vector<32x256xi32>
        %add3A_745 = arith.addi %xor3A_739, %add3A_744 : vector<32x256xi32>
        %xor3A_746 = arith.xori %add3A_742, %add3A_745 : vector<32x256xi32>
        %broadcast_in_dim3A_747 = arith.constant 9 : i32
        %broadcast_in_dim3A_748 = vector.broadcast %broadcast_in_dim3A_747 : i32 to vector<32x256xi32>
        %shift_right_logical3A_749 = arith.shrui %xor3A_746, %broadcast_in_dim3A_748 : vector<32x256xi32>
        %or3A_750 = arith.constant 1065353216 : i32
        %or3A_751 = vector.broadcast %or3A_750 : i32 to vector<32x256xi32>
        %or3A_752 = arith.ori %shift_right_logical3A_749, %or3A_751 : vector<32x256xi32>
        %bitcast_convert_type3A = tpu.bitcast %or3A_752 : vector<32x256xi32> -> vector<32x256xf32>
        %sub3A_753 = arith.constant 1.000000e+00 : f32
        %sub3A_754 = vector.broadcast %sub3A_753 : f32 to vector<32x256xf32>
        %sub3A_755 = arith.subf %bitcast_convert_type3A, %sub3A_754 : vector<32x256xf32>
        %max3A_756 = arith.constant 1.17549435E-38 : f32
        %max3A_757 = vector.broadcast %max3A_756 : f32 to vector<32x256xf32>
        %max3A_758 = arith.maximumf %sub3A_755, %max3A_757 : vector<32x256xf32>
        %log3A_759 = math.log %max3A_758 : vector<32x256xf32>
        %neg3A_760 = arith.constant 0.000000e+00 : f32
        %neg3A_761 = vector.broadcast %neg3A_760 : f32 to vector<32x256xf32>
        %neg3A_762 = arith.subf %neg3A_761, %log3A_759 : vector<32x256xf32>
        %mul3A_763 = arith.constant 256 : i32
        %mul3A_764 = arith.muli %scan3A_527, %mul3A_763 : i32
        %get3A_765 = arith.constant 0 : index
        %get3A_766 = arith.index_cast %mul3A_764 : i32 to index
        %get3A_767 = vector.load %arg7[%get3A_765, %get3A_766] : memref<32x8192xf32, #tpu.memory_space<vmem>>, vector<32x256xf32>
        %mul3A_768 = arith.mulf %neg3A_762, %get3A_767 : vector<32x256xf32>
        %lt3A_769 = arith.cmpf olt, %mul3A_768, %scan3A_528 : vector<32x256xf32>
        %select_n3A_770 = arith.select %lt3A_769, %mul3A_768, %scan3A_528 : vector<32x256xi1>, vector<32x256xf32>
        %broadcast_in_dim3A_771 = vector.broadcast %scan3A_527 : i32 to vector<32x256xi32>
        %select_n3A_772 = arith.select %lt3A_769, %broadcast_in_dim3A_771, %scan3A_529 : vector<32x256xi1>, vector<32x256xi32>
        %scan3A_773 = arith.constant 1 : i32
        %scan3A_774 = arith.addi %scan3A_527, %scan3A_773 : i32
        %mul3A_775 = arith.constant 256 : i32
        %mul3A_776 = arith.muli %scan3A_774, %mul3A_775 : i32
        %add3A_777 = vector.broadcast %mul3A_776 : i32 to vector<32x256xi32>
        %add3A_778 = arith.addi %add3A_412, %add3A_777 : vector<32x256xi32>
        %add3A_779 = arith.addi %add3A_778, %iota3A : vector<32x256xi32>
        %broadcast_in_dim3A_780 = arith.constant 0 : i32
        %broadcast_in_dim3A_781 = vector.broadcast %broadcast_in_dim3A_780 : i32 to vector<32x256xi32>
        %add3A_782 = arith.constant 12345 : i32
        %add3A_783 = vector.broadcast %add3A_782 : i32 to vector<32x256xi32>
        %add3A_784 = arith.addi %add3A_779, %add3A_783 : vector<32x256xi32>
        %add3A_785 = arith.addi %broadcast_in_dim3A_781, %add3A_784 : vector<32x256xi32>
        %shift_left3A_786 = arith.constant 13 : i32
        %shift_left3A_787 = vector.broadcast %shift_left3A_786 : i32 to vector<32x256xi32>
        %shift_left3A_788 = arith.shli %add3A_784, %shift_left3A_787 : vector<32x256xi32>
        %broadcast_in_dim3A_789 = arith.constant 19 : i32
        %broadcast_in_dim3A_790 = vector.broadcast %broadcast_in_dim3A_789 : i32 to vector<32x256xi32>
        %shift_right_logical3A_791 = arith.shrui %add3A_784, %broadcast_in_dim3A_790 : vector<32x256xi32>
        %or3A_792 = arith.ori %shift_left3A_788, %shift_right_logical3A_791 : vector<32x256xi32>
        %xor3A_793 = arith.xori %or3A_792, %add3A_785 : vector<32x256xi32>
        %add3A_794 = arith.addi %add3A_785, %xor3A_793 : vector<32x256xi32>
        %shift_left3A_795 = arith.constant 15 : i32
        %shift_left3A_796 = vector.broadcast %shift_left3A_795 : i32 to vector<32x256xi32>
        %shift_left3A_797 = arith.shli %xor3A_793, %shift_left3A_796 : vector<32x256xi32>
        %broadcast_in_dim3A_798 = arith.constant 17 : i32
        %broadcast_in_dim3A_799 = vector.broadcast %broadcast_in_dim3A_798 : i32 to vector<32x256xi32>
        %shift_right_logical3A_800 = arith.shrui %xor3A_793, %broadcast_in_dim3A_799 : vector<32x256xi32>
        %or3A_801 = arith.ori %shift_left3A_797, %shift_right_logical3A_800 : vector<32x256xi32>
        %xor3A_802 = arith.xori %or3A_801, %add3A_794 : vector<32x256xi32>
        %add3A_803 = arith.addi %add3A_794, %xor3A_802 : vector<32x256xi32>
        %shift_left3A_804 = arith.constant 26 : i32
        %shift_left3A_805 = vector.broadcast %shift_left3A_804 : i32 to vector<32x256xi32>
        %shift_left3A_806 = arith.shli %xor3A_802, %shift_left3A_805 : vector<32x256xi32>
        %broadcast_in_dim3A_807 = arith.constant 6 : i32
        %broadcast_in_dim3A_808 = vector.broadcast %broadcast_in_dim3A_807 : i32 to vector<32x256xi32>
        %shift_right_logical3A_809 = arith.shrui %xor3A_802, %broadcast_in_dim3A_808 : vector<32x256xi32>
        %or3A_810 = arith.ori %shift_left3A_806, %shift_right_logical3A_809 : vector<32x256xi32>
        %xor3A_811 = arith.xori %or3A_810, %add3A_803 : vector<32x256xi32>
        %add3A_812 = arith.addi %add3A_803, %xor3A_811 : vector<32x256xi32>
        %shift_left3A_813 = arith.constant 6 : i32
        %shift_left3A_814 = vector.broadcast %shift_left3A_813 : i32 to vector<32x256xi32>
        %shift_left3A_815 = arith.shli %xor3A_811, %shift_left3A_814 : vector<32x256xi32>
        %broadcast_in_dim3A_816 = arith.constant 26 : i32
        %broadcast_in_dim3A_817 = vector.broadcast %broadcast_in_dim3A_816 : i32 to vector<32x256xi32>
        %shift_right_logical3A_818 = arith.shrui %xor3A_811, %broadcast_in_dim3A_817 : vector<32x256xi32>
        %or3A_819 = arith.ori %shift_left3A_815, %shift_right_logical3A_818 : vector<32x256xi32>
        %xor3A_820 = arith.xori %or3A_819, %add3A_812 : vector<32x256xi32>
        %add3A_821 = arith.constant 12345 : i32
        %add3A_822 = vector.broadcast %add3A_821 : i32 to vector<32x256xi32>
        %add3A_823 = arith.addi %add3A_812, %add3A_822 : vector<32x256xi32>
        %add3A_824 = arith.constant 466693092 : i32
        %add3A_825 = vector.broadcast %add3A_824 : i32 to vector<32x256xi32>
        %add3A_826 = arith.addi %xor3A_820, %add3A_825 : vector<32x256xi32>
        %add3A_827 = arith.addi %add3A_823, %add3A_826 : vector<32x256xi32>
        %shift_left3A_828 = arith.constant 17 : i32
        %shift_left3A_829 = vector.broadcast %shift_left3A_828 : i32 to vector<32x256xi32>
        %shift_left3A_830 = arith.shli %add3A_826, %shift_left3A_829 : vector<32x256xi32>
        %broadcast_in_dim3A_831 = arith.constant 15 : i32
        %broadcast_in_dim3A_832 = vector.broadcast %broadcast_in_dim3A_831 : i32 to vector<32x256xi32>
        %shift_right_logical3A_833 = arith.shrui %add3A_826, %broadcast_in_dim3A_832 : vector<32x256xi32>
        %or3A_834 = arith.ori %shift_left3A_830, %shift_right_logical3A_833 : vector<32x256xi32>
        %xor3A_835 = arith.xori %or3A_834, %add3A_827 : vector<32x256xi32>
        %add3A_836 = arith.addi %add3A_827, %xor3A_835 : vector<32x256xi32>
        %shift_left3A_837 = arith.constant 29 : i32
        %shift_left3A_838 = vector.broadcast %shift_left3A_837 : i32 to vector<32x256xi32>
        %shift_left3A_839 = arith.shli %xor3A_835, %shift_left3A_838 : vector<32x256xi32>
        %broadcast_in_dim3A_840 = arith.constant 3 : i32
        %broadcast_in_dim3A_841 = vector.broadcast %broadcast_in_dim3A_840 : i32 to vector<32x256xi32>
        %shift_right_logical3A_842 = arith.shrui %xor3A_835, %broadcast_in_dim3A_841 : vector<32x256xi32>
        %or3A_843 = arith.ori %shift_left3A_839, %shift_right_logical3A_842 : vector<32x256xi32>
        %xor3A_844 = arith.xori %or3A_843, %add3A_836 : vector<32x256xi32>
        %add3A_845 = arith.addi %add3A_836, %xor3A_844 : vector<32x256xi32>
        %shift_left3A_846 = arith.constant 16 : i32
        %shift_left3A_847 = vector.broadcast %shift_left3A_846 : i32 to vector<32x256xi32>
        %shift_left3A_848 = arith.shli %xor3A_844, %shift_left3A_847 : vector<32x256xi32>
        %broadcast_in_dim3A_849 = arith.constant 16 : i32
        %broadcast_in_dim3A_850 = vector.broadcast %broadcast_in_dim3A_849 : i32 to vector<32x256xi32>
        %shift_right_logical3A_851 = arith.shrui %xor3A_844, %broadcast_in_dim3A_850 : vector<32x256xi32>
        %or3A_852 = arith.ori %shift_left3A_848, %shift_right_logical3A_851 : vector<32x256xi32>
        %xor3A_853 = arith.xori %or3A_852, %add3A_845 : vector<32x256xi32>
        %add3A_854 = arith.addi %add3A_845, %xor3A_853 : vector<32x256xi32>
        %shift_left3A_855 = arith.constant 24 : i32
        %shift_left3A_856 = vector.broadcast %shift_left3A_855 : i32 to vector<32x256xi32>
        %shift_left3A_857 = arith.shli %xor3A_853, %shift_left3A_856 : vector<32x256xi32>
        %broadcast_in_dim3A_858 = arith.constant 8 : i32
        %broadcast_in_dim3A_859 = vector.broadcast %broadcast_in_dim3A_858 : i32 to vector<32x256xi32>
        %shift_right_logical3A_860 = arith.shrui %xor3A_853, %broadcast_in_dim3A_859 : vector<32x256xi32>
        %or3A_861 = arith.ori %shift_left3A_857, %shift_right_logical3A_860 : vector<32x256xi32>
        %xor3A_862 = arith.xori %or3A_861, %add3A_854 : vector<32x256xi32>
        %add3A_863 = arith.constant 466693091 : i32
        %add3A_864 = vector.broadcast %add3A_863 : i32 to vector<32x256xi32>
        %add3A_865 = arith.addi %add3A_854, %add3A_864 : vector<32x256xi32>
        %add3A_866 = arith.constant 2 : i32
        %add3A_867 = vector.broadcast %add3A_866 : i32 to vector<32x256xi32>
        %add3A_868 = arith.addi %xor3A_862, %add3A_867 : vector<32x256xi32>
        %add3A_869 = arith.addi %add3A_865, %add3A_868 : vector<32x256xi32>
        %shift_left3A_870 = arith.constant 13 : i32
        %shift_left3A_871 = vector.broadcast %shift_left3A_870 : i32 to vector<32x256xi32>
        %shift_left3A_872 = arith.shli %add3A_868, %shift_left3A_871 : vector<32x256xi32>
        %broadcast_in_dim3A_873 = arith.constant 19 : i32
        %broadcast_in_dim3A_874 = vector.broadcast %broadcast_in_dim3A_873 : i32 to vector<32x256xi32>
        %shift_right_logical3A_875 = arith.shrui %add3A_868, %broadcast_in_dim3A_874 : vector<32x256xi32>
        %or3A_876 = arith.ori %shift_left3A_872, %shift_right_logical3A_875 : vector<32x256xi32>
        %xor3A_877 = arith.xori %or3A_876, %add3A_869 : vector<32x256xi32>
        %add3A_878 = arith.addi %add3A_869, %xor3A_877 : vector<32x256xi32>
        %shift_left3A_879 = arith.constant 15 : i32
        %shift_left3A_880 = vector.broadcast %shift_left3A_879 : i32 to vector<32x256xi32>
        %shift_left3A_881 = arith.shli %xor3A_877, %shift_left3A_880 : vector<32x256xi32>
        %broadcast_in_dim3A_882 = arith.constant 17 : i32
        %broadcast_in_dim3A_883 = vector.broadcast %broadcast_in_dim3A_882 : i32 to vector<32x256xi32>
        %shift_right_logical3A_884 = arith.shrui %xor3A_877, %broadcast_in_dim3A_883 : vector<32x256xi32>
        %or3A_885 = arith.ori %shift_left3A_881, %shift_right_logical3A_884 : vector<32x256xi32>
        %xor3A_886 = arith.xori %or3A_885, %add3A_878 : vector<32x256xi32>
        %add3A_887 = arith.addi %add3A_878, %xor3A_886 : vector<32x256xi32>
        %shift_left3A_888 = arith.constant 26 : i32
        %shift_left3A_889 = vector.broadcast %shift_left3A_888 : i32 to vector<32x256xi32>
        %shift_left3A_890 = arith.shli %xor3A_886, %shift_left3A_889 : vector<32x256xi32>
        %broadcast_in_dim3A_891 = arith.constant 6 : i32
        %broadcast_in_dim3A_892 = vector.broadcast %broadcast_in_dim3A_891 : i32 to vector<32x256xi32>
        %shift_right_logical3A_893 = arith.shrui %xor3A_886, %broadcast_in_dim3A_892 : vector<32x256xi32>
        %or3A_894 = arith.ori %shift_left3A_890, %shift_right_logical3A_893 : vector<32x256xi32>
        %xor3A_895 = arith.xori %or3A_894, %add3A_887 : vector<32x256xi32>
        %add3A_896 = arith.addi %add3A_887, %xor3A_895 : vector<32x256xi32>
        %shift_left3A_897 = arith.constant 6 : i32
        %shift_left3A_898 = vector.broadcast %shift_left3A_897 : i32 to vector<32x256xi32>
        %shift_left3A_899 = arith.shli %xor3A_895, %shift_left3A_898 : vector<32x256xi32>
        %broadcast_in_dim3A_900 = arith.constant 26 : i32
        %broadcast_in_dim3A_901 = vector.broadcast %broadcast_in_dim3A_900 : i32 to vector<32x256xi32>
        %shift_right_logical3A_902 = arith.shrui %xor3A_895, %broadcast_in_dim3A_901 : vector<32x256xi32>
        %or3A_903 = arith.ori %shift_left3A_899, %shift_right_logical3A_902 : vector<32x256xi32>
        %xor3A_904 = arith.xori %or3A_903, %add3A_896 : vector<32x256xi32>
        %add3A_905 = arith.constant 0 : i32
        %add3A_906 = vector.broadcast %add3A_905 : i32 to vector<32x256xi32>
        %add3A_907 = arith.addi %add3A_896, %add3A_906 : vector<32x256xi32>
        %add3A_908 = arith.constant 12348 : i32
        %add3A_909 = vector.broadcast %add3A_908 : i32 to vector<32x256xi32>
        %add3A_910 = arith.addi %xor3A_904, %add3A_909 : vector<32x256xi32>
        %add3A_911 = arith.addi %add3A_907, %add3A_910 : vector<32x256xi32>
        %shift_left3A_912 = arith.constant 17 : i32
        %shift_left3A_913 = vector.broadcast %shift_left3A_912 : i32 to vector<32x256xi32>
        %shift_left3A_914 = arith.shli %add3A_910, %shift_left3A_913 : vector<32x256xi32>
        %broadcast_in_dim3A_915 = arith.constant 15 : i32
        %broadcast_in_dim3A_916 = vector.broadcast %broadcast_in_dim3A_915 : i32 to vector<32x256xi32>
        %shift_right_logical3A_917 = arith.shrui %add3A_910, %broadcast_in_dim3A_916 : vector<32x256xi32>
        %or3A_918 = arith.ori %shift_left3A_914, %shift_right_logical3A_917 : vector<32x256xi32>
        %xor3A_919 = arith.xori %or3A_918, %add3A_911 : vector<32x256xi32>
        %add3A_920 = arith.addi %add3A_911, %xor3A_919 : vector<32x256xi32>
        %shift_left3A_921 = arith.constant 29 : i32
        %shift_left3A_922 = vector.broadcast %shift_left3A_921 : i32 to vector<32x256xi32>
        %shift_left3A_923 = arith.shli %xor3A_919, %shift_left3A_922 : vector<32x256xi32>
        %broadcast_in_dim3A_924 = arith.constant 3 : i32
        %broadcast_in_dim3A_925 = vector.broadcast %broadcast_in_dim3A_924 : i32 to vector<32x256xi32>
        %shift_right_logical3A_926 = arith.shrui %xor3A_919, %broadcast_in_dim3A_925 : vector<32x256xi32>
        %or3A_927 = arith.ori %shift_left3A_923, %shift_right_logical3A_926 : vector<32x256xi32>
        %xor3A_928 = arith.xori %or3A_927, %add3A_920 : vector<32x256xi32>
        %add3A_929 = arith.addi %add3A_920, %xor3A_928 : vector<32x256xi32>
        %shift_left3A_930 = arith.constant 16 : i32
        %shift_left3A_931 = vector.broadcast %shift_left3A_930 : i32 to vector<32x256xi32>
        %shift_left3A_932 = arith.shli %xor3A_928, %shift_left3A_931 : vector<32x256xi32>
        %broadcast_in_dim3A_933 = arith.constant 16 : i32
        %broadcast_in_dim3A_934 = vector.broadcast %broadcast_in_dim3A_933 : i32 to vector<32x256xi32>
        %shift_right_logical3A_935 = arith.shrui %xor3A_928, %broadcast_in_dim3A_934 : vector<32x256xi32>
        %or3A_936 = arith.ori %shift_left3A_932, %shift_right_logical3A_935 : vector<32x256xi32>
        %xor3A_937 = arith.xori %or3A_936, %add3A_929 : vector<32x256xi32>
        %add3A_938 = arith.addi %add3A_929, %xor3A_937 : vector<32x256xi32>
        %shift_left3A_939 = arith.constant 24 : i32
        %shift_left3A_940 = vector.broadcast %shift_left3A_939 : i32 to vector<32x256xi32>
        %shift_left3A_941 = arith.shli %xor3A_937, %shift_left3A_940 : vector<32x256xi32>
        %broadcast_in_dim3A_942 = arith.constant 8 : i32
        %broadcast_in_dim3A_943 = vector.broadcast %broadcast_in_dim3A_942 : i32 to vector<32x256xi32>
        %shift_right_logical3A_944 = arith.shrui %xor3A_937, %broadcast_in_dim3A_943 : vector<32x256xi32>
        %or3A_945 = arith.ori %shift_left3A_941, %shift_right_logical3A_944 : vector<32x256xi32>
        %xor3A_946 = arith.xori %or3A_945, %add3A_938 : vector<32x256xi32>
        %add3A_947 = arith.constant 12345 : i32
        %add3A_948 = vector.broadcast %add3A_947 : i32 to vector<32x256xi32>
        %add3A_949 = arith.addi %add3A_938, %add3A_948 : vector<32x256xi32>
        %add3A_950 = arith.constant 466693095 : i32
        %add3A_951 = vector.broadcast %add3A_950 : i32 to vector<32x256xi32>
        %add3A_952 = arith.addi %xor3A_946, %add3A_951 : vector<32x256xi32>
        %add3A_953 = arith.addi %add3A_949, %add3A_952 : vector<32x256xi32>
        %shift_left3A_954 = arith.constant 13 : i32
        %shift_left3A_955 = vector.broadcast %shift_left3A_954 : i32 to vector<32x256xi32>
        %shift_left3A_956 = arith.shli %add3A_952, %shift_left3A_955 : vector<32x256xi32>
        %broadcast_in_dim3A_957 = arith.constant 19 : i32
        %broadcast_in_dim3A_958 = vector.broadcast %broadcast_in_dim3A_957 : i32 to vector<32x256xi32>
        %shift_right_logical3A_959 = arith.shrui %add3A_952, %broadcast_in_dim3A_958 : vector<32x256xi32>
        %or3A_960 = arith.ori %shift_left3A_956, %shift_right_logical3A_959 : vector<32x256xi32>
        %xor3A_961 = arith.xori %or3A_960, %add3A_953 : vector<32x256xi32>
        %add3A_962 = arith.addi %add3A_953, %xor3A_961 : vector<32x256xi32>
        %shift_left3A_963 = arith.constant 15 : i32
        %shift_left3A_964 = vector.broadcast %shift_left3A_963 : i32 to vector<32x256xi32>
        %shift_left3A_965 = arith.shli %xor3A_961, %shift_left3A_964 : vector<32x256xi32>
        %broadcast_in_dim3A_966 = arith.constant 17 : i32
        %broadcast_in_dim3A_967 = vector.broadcast %broadcast_in_dim3A_966 : i32 to vector<32x256xi32>
        %shift_right_logical3A_968 = arith.shrui %xor3A_961, %broadcast_in_dim3A_967 : vector<32x256xi32>
        %or3A_969 = arith.ori %shift_left3A_965, %shift_right_logical3A_968 : vector<32x256xi32>
        %xor3A_970 = arith.xori %or3A_969, %add3A_962 : vector<32x256xi32>
        %add3A_971 = arith.addi %add3A_962, %xor3A_970 : vector<32x256xi32>
        %shift_left3A_972 = arith.constant 26 : i32
        %shift_left3A_973 = vector.broadcast %shift_left3A_972 : i32 to vector<32x256xi32>
        %shift_left3A_974 = arith.shli %xor3A_970, %shift_left3A_973 : vector<32x256xi32>
        %broadcast_in_dim3A_975 = arith.constant 6 : i32
        %broadcast_in_dim3A_976 = vector.broadcast %broadcast_in_dim3A_975 : i32 to vector<32x256xi32>
        %shift_right_logical3A_977 = arith.shrui %xor3A_970, %broadcast_in_dim3A_976 : vector<32x256xi32>
        %or3A_978 = arith.ori %shift_left3A_974, %shift_right_logical3A_977 : vector<32x256xi32>
        %xor3A_979 = arith.xori %or3A_978, %add3A_971 : vector<32x256xi32>
        %add3A_980 = arith.addi %add3A_971, %xor3A_979 : vector<32x256xi32>
        %shift_left3A_981 = arith.constant 6 : i32
        %shift_left3A_982 = vector.broadcast %shift_left3A_981 : i32 to vector<32x256xi32>
        %shift_left3A_983 = arith.shli %xor3A_979, %shift_left3A_982 : vector<32x256xi32>
        %broadcast_in_dim3A_984 = arith.constant 26 : i32
        %broadcast_in_dim3A_985 = vector.broadcast %broadcast_in_dim3A_984 : i32 to vector<32x256xi32>
        %shift_right_logical3A_986 = arith.shrui %xor3A_979, %broadcast_in_dim3A_985 : vector<32x256xi32>
        %or3A_987 = arith.ori %shift_left3A_983, %shift_right_logical3A_986 : vector<32x256xi32>
        %xor3A_988 = arith.xori %or3A_987, %add3A_980 : vector<32x256xi32>
        %add3A_989 = arith.constant 466693091 : i32
        %add3A_990 = vector.broadcast %add3A_989 : i32 to vector<32x256xi32>
        %add3A_991 = arith.addi %add3A_980, %add3A_990 : vector<32x256xi32>
        %add3A_992 = arith.constant 5 : i32
        %add3A_993 = vector.broadcast %add3A_992 : i32 to vector<32x256xi32>
        %add3A_994 = arith.addi %xor3A_988, %add3A_993 : vector<32x256xi32>
        %xor3A_995 = arith.xori %add3A_991, %add3A_994 : vector<32x256xi32>
        %broadcast_in_dim3A_996 = arith.constant 9 : i32
        %broadcast_in_dim3A_997 = vector.broadcast %broadcast_in_dim3A_996 : i32 to vector<32x256xi32>
        %shift_right_logical3A_998 = arith.shrui %xor3A_995, %broadcast_in_dim3A_997 : vector<32x256xi32>
        %or3A_999 = arith.constant 1065353216 : i32
        %or3A_1000 = vector.broadcast %or3A_999 : i32 to vector<32x256xi32>
        %or3A_1001 = arith.ori %shift_right_logical3A_998, %or3A_1000 : vector<32x256xi32>
        %bitcast_convert_type3A_1002 = tpu.bitcast %or3A_1001 : vector<32x256xi32> -> vector<32x256xf32>
        %sub3A_1003 = arith.constant 1.000000e+00 : f32
        %sub3A_1004 = vector.broadcast %sub3A_1003 : f32 to vector<32x256xf32>
        %sub3A_1005 = arith.subf %bitcast_convert_type3A_1002, %sub3A_1004 : vector<32x256xf32>
        %max3A_1006 = arith.constant 1.17549435E-38 : f32
        %max3A_1007 = vector.broadcast %max3A_1006 : f32 to vector<32x256xf32>
        %max3A_1008 = arith.maximumf %sub3A_1005, %max3A_1007 : vector<32x256xf32>
        %log3A_1009 = math.log %max3A_1008 : vector<32x256xf32>
        %neg3A_1010 = arith.constant 0.000000e+00 : f32
        %neg3A_1011 = vector.broadcast %neg3A_1010 : f32 to vector<32x256xf32>
        %neg3A_1012 = arith.subf %neg3A_1011, %log3A_1009 : vector<32x256xf32>
        %mul3A_1013 = arith.constant 256 : i32
        %mul3A_1014 = arith.muli %scan3A_774, %mul3A_1013 : i32
        %get3A_1015 = arith.constant 0 : index
        %get3A_1016 = arith.index_cast %mul3A_1014 : i32 to index
        %get3A_1017 = vector.load %arg7[%get3A_1015, %get3A_1016] : memref<32x8192xf32, #tpu.memory_space<vmem>>, vector<32x256xf32>
        %mul3A_1018 = arith.mulf %neg3A_1012, %get3A_1017 : vector<32x256xf32>
        %lt3A_1019 = arith.cmpf olt, %mul3A_1018, %select_n3A_770 : vector<32x256xf32>
        %select_n3A_1020 = arith.select %lt3A_1019, %mul3A_1018, %select_n3A_770 : vector<32x256xi1>, vector<32x256xf32>
        %broadcast_in_dim3A_1021 = vector.broadcast %scan3A_774 : i32 to vector<32x256xi32>
        %select_n3A_1022 = arith.select %lt3A_1019, %broadcast_in_dim3A_1021, %select_n3A_772 : vector<32x256xi1>, vector<32x256xi32>
        %scan3A_1023 = arith.constant 2 : i32
        %scan3A_1024 = arith.addi %scan3A_527, %scan3A_1023 : i32
        %mul3A_1025 = arith.constant 256 : i32
        %mul3A_1026 = arith.muli %scan3A_1024, %mul3A_1025 : i32
        %add3A_1027 = vector.broadcast %mul3A_1026 : i32 to vector<32x256xi32>
        %add3A_1028 = arith.addi %add3A_412, %add3A_1027 : vector<32x256xi32>
        %add3A_1029 = arith.addi %add3A_1028, %iota3A : vector<32x256xi32>
        %broadcast_in_dim3A_1030 = arith.constant 0 : i32
        %broadcast_in_dim3A_1031 = vector.broadcast %broadcast_in_dim3A_1030 : i32 to vector<32x256xi32>
        %add3A_1032 = arith.constant 12345 : i32
        %add3A_1033 = vector.broadcast %add3A_1032 : i32 to vector<32x256xi32>
        %add3A_1034 = arith.addi %add3A_1029, %add3A_1033 : vector<32x256xi32>
        %add3A_1035 = arith.addi %broadcast_in_dim3A_1031, %add3A_1034 : vector<32x256xi32>
        %shift_left3A_1036 = arith.constant 13 : i32
        %shift_left3A_1037 = vector.broadcast %shift_left3A_1036 : i32 to vector<32x256xi32>
        %shift_left3A_1038 = arith.shli %add3A_1034, %shift_left3A_1037 : vector<32x256xi32>
        %broadcast_in_dim3A_1039 = arith.constant 19 : i32
        %broadcast_in_dim3A_1040 = vector.broadcast %broadcast_in_dim3A_1039 : i32 to vector<32x256xi32>
        %shift_right_logical3A_1041 = arith.shrui %add3A_1034, %broadcast_in_dim3A_1040 : vector<32x256xi32>
        %or3A_1042 = arith.ori %shift_left3A_1038, %shift_right_logical3A_1041 : vector<32x256xi32>
        %xor3A_1043 = arith.xori %or3A_1042, %add3A_1035 : vector<32x256xi32>
        %add3A_1044 = arith.addi %add3A_1035, %xor3A_1043 : vector<32x256xi32>
        %shift_left3A_1045 = arith.constant 15 : i32
        %shift_left3A_1046 = vector.broadcast %shift_left3A_1045 : i32 to vector<32x256xi32>
        %shift_left3A_1047 = arith.shli %xor3A_1043, %shift_left3A_1046 : vector<32x256xi32>
        %broadcast_in_dim3A_1048 = arith.constant 17 : i32
        %broadcast_in_dim3A_1049 = vector.broadcast %broadcast_in_dim3A_1048 : i32 to vector<32x256xi32>
        %shift_right_logical3A_1050 = arith.shrui %xor3A_1043, %broadcast_in_dim3A_1049 : vector<32x256xi32>
        %or3A_1051 = arith.ori %shift_left3A_1047, %shift_right_logical3A_1050 : vector<32x256xi32>
        %xor3A_1052 = arith.xori %or3A_1051, %add3A_1044 : vector<32x256xi32>
        %add3A_1053 = arith.addi %add3A_1044, %xor3A_1052 : vector<32x256xi32>
        %shift_left3A_1054 = arith.constant 26 : i32
        %shift_left3A_1055 = vector.broadcast %shift_left3A_1054 : i32 to vector<32x256xi32>
        %shift_left3A_1056 = arith.shli %xor3A_1052, %shift_left3A_1055 : vector<32x256xi32>
        %broadcast_in_dim3A_1057 = arith.constant 6 : i32
        %broadcast_in_dim3A_1058 = vector.broadcast %broadcast_in_dim3A_1057 : i32 to vector<32x256xi32>
        %shift_right_logical3A_1059 = arith.shrui %xor3A_1052, %broadcast_in_dim3A_1058 : vector<32x256xi32>
        %or3A_1060 = arith.ori %shift_left3A_1056, %shift_right_logical3A_1059 : vector<32x256xi32>
        %xor3A_1061 = arith.xori %or3A_1060, %add3A_1053 : vector<32x256xi32>
        %add3A_1062 = arith.addi %add3A_1053, %xor3A_1061 : vector<32x256xi32>
        %shift_left3A_1063 = arith.constant 6 : i32
        %shift_left3A_1064 = vector.broadcast %shift_left3A_1063 : i32 to vector<32x256xi32>
        %shift_left3A_1065 = arith.shli %xor3A_1061, %shift_left3A_1064 : vector<32x256xi32>
        %broadcast_in_dim3A_1066 = arith.constant 26 : i32
        %broadcast_in_dim3A_1067 = vector.broadcast %broadcast_in_dim3A_1066 : i32 to vector<32x256xi32>
        %shift_right_logical3A_1068 = arith.shrui %xor3A_1061, %broadcast_in_dim3A_1067 : vector<32x256xi32>
        %or3A_1069 = arith.ori %shift_left3A_1065, %shift_right_logical3A_1068 : vector<32x256xi32>
        %xor3A_1070 = arith.xori %or3A_1069, %add3A_1062 : vector<32x256xi32>
        %add3A_1071 = arith.constant 12345 : i32
        %add3A_1072 = vector.broadcast %add3A_1071 : i32 to vector<32x256xi32>
        %add3A_1073 = arith.addi %add3A_1062, %add3A_1072 : vector<32x256xi32>
        %add3A_1074 = arith.constant 466693092 : i32
        %add3A_1075 = vector.broadcast %add3A_1074 : i32 to vector<32x256xi32>
        %add3A_1076 = arith.addi %xor3A_1070, %add3A_1075 : vector<32x256xi32>
        %add3A_1077 = arith.addi %add3A_1073, %add3A_1076 : vector<32x256xi32>
        %shift_left3A_1078 = arith.constant 17 : i32
        %shift_left3A_1079 = vector.broadcast %shift_left3A_1078 : i32 to vector<32x256xi32>
        %shift_left3A_1080 = arith.shli %add3A_1076, %shift_left3A_1079 : vector<32x256xi32>
        %broadcast_in_dim3A_1081 = arith.constant 15 : i32
        %broadcast_in_dim3A_1082 = vector.broadcast %broadcast_in_dim3A_1081 : i32 to vector<32x256xi32>
        %shift_right_logical3A_1083 = arith.shrui %add3A_1076, %broadcast_in_dim3A_1082 : vector<32x256xi32>
        %or3A_1084 = arith.ori %shift_left3A_1080, %shift_right_logical3A_1083 : vector<32x256xi32>
        %xor3A_1085 = arith.xori %or3A_1084, %add3A_1077 : vector<32x256xi32>
        %add3A_1086 = arith.addi %add3A_1077, %xor3A_1085 : vector<32x256xi32>
        %shift_left3A_1087 = arith.constant 29 : i32
        %shift_left3A_1088 = vector.broadcast %shift_left3A_1087 : i32 to vector<32x256xi32>
        %shift_left3A_1089 = arith.shli %xor3A_1085, %shift_left3A_1088 : vector<32x256xi32>
        %broadcast_in_dim3A_1090 = arith.constant 3 : i32
        %broadcast_in_dim3A_1091 = vector.broadcast %broadcast_in_dim3A_1090 : i32 to vector<32x256xi32>
        %shift_right_logical3A_1092 = arith.shrui %xor3A_1085, %broadcast_in_dim3A_1091 : vector<32x256xi32>
        %or3A_1093 = arith.ori %shift_left3A_1089, %shift_right_logical3A_1092 : vector<32x256xi32>
        %xor3A_1094 = arith.xori %or3A_1093, %add3A_1086 : vector<32x256xi32>
        %add3A_1095 = arith.addi %add3A_1086, %xor3A_1094 : vector<32x256xi32>
        %shift_left3A_1096 = arith.constant 16 : i32
        %shift_left3A_1097 = vector.broadcast %shift_left3A_1096 : i32 to vector<32x256xi32>
        %shift_left3A_1098 = arith.shli %xor3A_1094, %shift_left3A_1097 : vector<32x256xi32>
        %broadcast_in_dim3A_1099 = arith.constant 16 : i32
        %broadcast_in_dim3A_1100 = vector.broadcast %broadcast_in_dim3A_1099 : i32 to vector<32x256xi32>
        %shift_right_logical3A_1101 = arith.shrui %xor3A_1094, %broadcast_in_dim3A_1100 : vector<32x256xi32>
        %or3A_1102 = arith.ori %shift_left3A_1098, %shift_right_logical3A_1101 : vector<32x256xi32>
        %xor3A_1103 = arith.xori %or3A_1102, %add3A_1095 : vector<32x256xi32>
        %add3A_1104 = arith.addi %add3A_1095, %xor3A_1103 : vector<32x256xi32>
        %shift_left3A_1105 = arith.constant 24 : i32
        %shift_left3A_1106 = vector.broadcast %shift_left3A_1105 : i32 to vector<32x256xi32>
        %shift_left3A_1107 = arith.shli %xor3A_1103, %shift_left3A_1106 : vector<32x256xi32>
        %broadcast_in_dim3A_1108 = arith.constant 8 : i32
        %broadcast_in_dim3A_1109 = vector.broadcast %broadcast_in_dim3A_1108 : i32 to vector<32x256xi32>
        %shift_right_logical3A_1110 = arith.shrui %xor3A_1103, %broadcast_in_dim3A_1109 : vector<32x256xi32>
        %or3A_1111 = arith.ori %shift_left3A_1107, %shift_right_logical3A_1110 : vector<32x256xi32>
        %xor3A_1112 = arith.xori %or3A_1111, %add3A_1104 : vector<32x256xi32>
        %add3A_1113 = arith.constant 466693091 : i32
        %add3A_1114 = vector.broadcast %add3A_1113 : i32 to vector<32x256xi32>
        %add3A_1115 = arith.addi %add3A_1104, %add3A_1114 : vector<32x256xi32>
        %add3A_1116 = arith.constant 2 : i32
        %add3A_1117 = vector.broadcast %add3A_1116 : i32 to vector<32x256xi32>
        %add3A_1118 = arith.addi %xor3A_1112, %add3A_1117 : vector<32x256xi32>
        %add3A_1119 = arith.addi %add3A_1115, %add3A_1118 : vector<32x256xi32>
        %shift_left3A_1120 = arith.constant 13 : i32
        %shift_left3A_1121 = vector.broadcast %shift_left3A_1120 : i32 to vector<32x256xi32>
        %shift_left3A_1122 = arith.shli %add3A_1118, %shift_left3A_1121 : vector<32x256xi32>
        %broadcast_in_dim3A_1123 = arith.constant 19 : i32
        %broadcast_in_dim3A_1124 = vector.broadcast %broadcast_in_dim3A_1123 : i32 to vector<32x256xi32>
        %shift_right_logical3A_1125 = arith.shrui %add3A_1118, %broadcast_in_dim3A_1124 : vector<32x256xi32>
        %or3A_1126 = arith.ori %shift_left3A_1122, %shift_right_logical3A_1125 : vector<32x256xi32>
        %xor3A_1127 = arith.xori %or3A_1126, %add3A_1119 : vector<32x256xi32>
        %add3A_1128 = arith.addi %add3A_1119, %xor3A_1127 : vector<32x256xi32>
        %shift_left3A_1129 = arith.constant 15 : i32
        %shift_left3A_1130 = vector.broadcast %shift_left3A_1129 : i32 to vector<32x256xi32>
        %shift_left3A_1131 = arith.shli %xor3A_1127, %shift_left3A_1130 : vector<32x256xi32>
        %broadcast_in_dim3A_1132 = arith.constant 17 : i32
        %broadcast_in_dim3A_1133 = vector.broadcast %broadcast_in_dim3A_1132 : i32 to vector<32x256xi32>
        %shift_right_logical3A_1134 = arith.shrui %xor3A_1127, %broadcast_in_dim3A_1133 : vector<32x256xi32>
        %or3A_1135 = arith.ori %shift_left3A_1131, %shift_right_logical3A_1134 : vector<32x256xi32>
        %xor3A_1136 = arith.xori %or3A_1135, %add3A_1128 : vector<32x256xi32>
        %add3A_1137 = arith.addi %add3A_1128, %xor3A_1136 : vector<32x256xi32>
        %shift_left3A_1138 = arith.constant 26 : i32
        %shift_left3A_1139 = vector.broadcast %shift_left3A_1138 : i32 to vector<32x256xi32>
        %shift_left3A_1140 = arith.shli %xor3A_1136, %shift_left3A_1139 : vector<32x256xi32>
        %broadcast_in_dim3A_1141 = arith.constant 6 : i32
        %broadcast_in_dim3A_1142 = vector.broadcast %broadcast_in_dim3A_1141 : i32 to vector<32x256xi32>
        %shift_right_logical3A_1143 = arith.shrui %xor3A_1136, %broadcast_in_dim3A_1142 : vector<32x256xi32>
        %or3A_1144 = arith.ori %shift_left3A_1140, %shift_right_logical3A_1143 : vector<32x256xi32>
        %xor3A_1145 = arith.xori %or3A_1144, %add3A_1137 : vector<32x256xi32>
        %add3A_1146 = arith.addi %add3A_1137, %xor3A_1145 : vector<32x256xi32>
        %shift_left3A_1147 = arith.constant 6 : i32
        %shift_left3A_1148 = vector.broadcast %shift_left3A_1147 : i32 to vector<32x256xi32>
        %shift_left3A_1149 = arith.shli %xor3A_1145, %shift_left3A_1148 : vector<32x256xi32>
        %broadcast_in_dim3A_1150 = arith.constant 26 : i32
        %broadcast_in_dim3A_1151 = vector.broadcast %broadcast_in_dim3A_1150 : i32 to vector<32x256xi32>
        %shift_right_logical3A_1152 = arith.shrui %xor3A_1145, %broadcast_in_dim3A_1151 : vector<32x256xi32>
        %or3A_1153 = arith.ori %shift_left3A_1149, %shift_right_logical3A_1152 : vector<32x256xi32>
        %xor3A_1154 = arith.xori %or3A_1153, %add3A_1146 : vector<32x256xi32>
        %add3A_1155 = arith.constant 0 : i32
        %add3A_1156 = vector.broadcast %add3A_1155 : i32 to vector<32x256xi32>
        %add3A_1157 = arith.addi %add3A_1146, %add3A_1156 : vector<32x256xi32>
        %add3A_1158 = arith.constant 12348 : i32
        %add3A_1159 = vector.broadcast %add3A_1158 : i32 to vector<32x256xi32>
        %add3A_1160 = arith.addi %xor3A_1154, %add3A_1159 : vector<32x256xi32>
        %add3A_1161 = arith.addi %add3A_1157, %add3A_1160 : vector<32x256xi32>
        %shift_left3A_1162 = arith.constant 17 : i32
        %shift_left3A_1163 = vector.broadcast %shift_left3A_1162 : i32 to vector<32x256xi32>
        %shift_left3A_1164 = arith.shli %add3A_1160, %shift_left3A_1163 : vector<32x256xi32>
        %broadcast_in_dim3A_1165 = arith.constant 15 : i32
        %broadcast_in_dim3A_1166 = vector.broadcast %broadcast_in_dim3A_1165 : i32 to vector<32x256xi32>
        %shift_right_logical3A_1167 = arith.shrui %add3A_1160, %broadcast_in_dim3A_1166 : vector<32x256xi32>
        %or3A_1168 = arith.ori %shift_left3A_1164, %shift_right_logical3A_1167 : vector<32x256xi32>
        %xor3A_1169 = arith.xori %or3A_1168, %add3A_1161 : vector<32x256xi32>
        %add3A_1170 = arith.addi %add3A_1161, %xor3A_1169 : vector<32x256xi32>
        %shift_left3A_1171 = arith.constant 29 : i32
        %shift_left3A_1172 = vector.broadcast %shift_left3A_1171 : i32 to vector<32x256xi32>
        %shift_left3A_1173 = arith.shli %xor3A_1169, %shift_left3A_1172 : vector<32x256xi32>
        %broadcast_in_dim3A_1174 = arith.constant 3 : i32
        %broadcast_in_dim3A_1175 = vector.broadcast %broadcast_in_dim3A_1174 : i32 to vector<32x256xi32>
        %shift_right_logical3A_1176 = arith.shrui %xor3A_1169, %broadcast_in_dim3A_1175 : vector<32x256xi32>
        %or3A_1177 = arith.ori %shift_left3A_1173, %shift_right_logical3A_1176 : vector<32x256xi32>
        %xor3A_1178 = arith.xori %or3A_1177, %add3A_1170 : vector<32x256xi32>
        %add3A_1179 = arith.addi %add3A_1170, %xor3A_1178 : vector<32x256xi32>
        %shift_left3A_1180 = arith.constant 16 : i32
        %shift_left3A_1181 = vector.broadcast %shift_left3A_1180 : i32 to vector<32x256xi32>
        %shift_left3A_1182 = arith.shli %xor3A_1178, %shift_left3A_1181 : vector<32x256xi32>
        %broadcast_in_dim3A_1183 = arith.constant 16 : i32
        %broadcast_in_dim3A_1184 = vector.broadcast %broadcast_in_dim3A_1183 : i32 to vector<32x256xi32>
        %shift_right_logical3A_1185 = arith.shrui %xor3A_1178, %broadcast_in_dim3A_1184 : vector<32x256xi32>
        %or3A_1186 = arith.ori %shift_left3A_1182, %shift_right_logical3A_1185 : vector<32x256xi32>
        %xor3A_1187 = arith.xori %or3A_1186, %add3A_1179 : vector<32x256xi32>
        %add3A_1188 = arith.addi %add3A_1179, %xor3A_1187 : vector<32x256xi32>
        %shift_left3A_1189 = arith.constant 24 : i32
        %shift_left3A_1190 = vector.broadcast %shift_left3A_1189 : i32 to vector<32x256xi32>
        %shift_left3A_1191 = arith.shli %xor3A_1187, %shift_left3A_1190 : vector<32x256xi32>
        %broadcast_in_dim3A_1192 = arith.constant 8 : i32
        %broadcast_in_dim3A_1193 = vector.broadcast %broadcast_in_dim3A_1192 : i32 to vector<32x256xi32>
        %shift_right_logical3A_1194 = arith.shrui %xor3A_1187, %broadcast_in_dim3A_1193 : vector<32x256xi32>
        %or3A_1195 = arith.ori %shift_left3A_1191, %shift_right_logical3A_1194 : vector<32x256xi32>
        %xor3A_1196 = arith.xori %or3A_1195, %add3A_1188 : vector<32x256xi32>
        %add3A_1197 = arith.constant 12345 : i32
        %add3A_1198 = vector.broadcast %add3A_1197 : i32 to vector<32x256xi32>
        %add3A_1199 = arith.addi %add3A_1188, %add3A_1198 : vector<32x256xi32>
        %add3A_1200 = arith.constant 466693095 : i32
        %add3A_1201 = vector.broadcast %add3A_1200 : i32 to vector<32x256xi32>
        %add3A_1202 = arith.addi %xor3A_1196, %add3A_1201 : vector<32x256xi32>
        %add3A_1203 = arith.addi %add3A_1199, %add3A_1202 : vector<32x256xi32>
        %shift_left3A_1204 = arith.constant 13 : i32
        %shift_left3A_1205 = vector.broadcast %shift_left3A_1204 : i32 to vector<32x256xi32>
        %shift_left3A_1206 = arith.shli %add3A_1202, %shift_left3A_1205 : vector<32x256xi32>
        %broadcast_in_dim3A_1207 = arith.constant 19 : i32
        %broadcast_in_dim3A_1208 = vector.broadcast %broadcast_in_dim3A_1207 : i32 to vector<32x256xi32>
        %shift_right_logical3A_1209 = arith.shrui %add3A_1202, %broadcast_in_dim3A_1208 : vector<32x256xi32>
        %or3A_1210 = arith.ori %shift_left3A_1206, %shift_right_logical3A_1209 : vector<32x256xi32>
        %xor3A_1211 = arith.xori %or3A_1210, %add3A_1203 : vector<32x256xi32>
        %add3A_1212 = arith.addi %add3A_1203, %xor3A_1211 : vector<32x256xi32>
        %shift_left3A_1213 = arith.constant 15 : i32
        %shift_left3A_1214 = vector.broadcast %shift_left3A_1213 : i32 to vector<32x256xi32>
        %shift_left3A_1215 = arith.shli %xor3A_1211, %shift_left3A_1214 : vector<32x256xi32>
        %broadcast_in_dim3A_1216 = arith.constant 17 : i32
        %broadcast_in_dim3A_1217 = vector.broadcast %broadcast_in_dim3A_1216 : i32 to vector<32x256xi32>
        %shift_right_logical3A_1218 = arith.shrui %xor3A_1211, %broadcast_in_dim3A_1217 : vector<32x256xi32>
        %or3A_1219 = arith.ori %shift_left3A_1215, %shift_right_logical3A_1218 : vector<32x256xi32>
        %xor3A_1220 = arith.xori %or3A_1219, %add3A_1212 : vector<32x256xi32>
        %add3A_1221 = arith.addi %add3A_1212, %xor3A_1220 : vector<32x256xi32>
        %shift_left3A_1222 = arith.constant 26 : i32
        %shift_left3A_1223 = vector.broadcast %shift_left3A_1222 : i32 to vector<32x256xi32>
        %shift_left3A_1224 = arith.shli %xor3A_1220, %shift_left3A_1223 : vector<32x256xi32>
        %broadcast_in_dim3A_1225 = arith.constant 6 : i32
        %broadcast_in_dim3A_1226 = vector.broadcast %broadcast_in_dim3A_1225 : i32 to vector<32x256xi32>
        %shift_right_logical3A_1227 = arith.shrui %xor3A_1220, %broadcast_in_dim3A_1226 : vector<32x256xi32>
        %or3A_1228 = arith.ori %shift_left3A_1224, %shift_right_logical3A_1227 : vector<32x256xi32>
        %xor3A_1229 = arith.xori %or3A_1228, %add3A_1221 : vector<32x256xi32>
        %add3A_1230 = arith.addi %add3A_1221, %xor3A_1229 : vector<32x256xi32>
        %shift_left3A_1231 = arith.constant 6 : i32
        %shift_left3A_1232 = vector.broadcast %shift_left3A_1231 : i32 to vector<32x256xi32>
        %shift_left3A_1233 = arith.shli %xor3A_1229, %shift_left3A_1232 : vector<32x256xi32>
        %broadcast_in_dim3A_1234 = arith.constant 26 : i32
        %broadcast_in_dim3A_1235 = vector.broadcast %broadcast_in_dim3A_1234 : i32 to vector<32x256xi32>
        %shift_right_logical3A_1236 = arith.shrui %xor3A_1229, %broadcast_in_dim3A_1235 : vector<32x256xi32>
        %or3A_1237 = arith.ori %shift_left3A_1233, %shift_right_logical3A_1236 : vector<32x256xi32>
        %xor3A_1238 = arith.xori %or3A_1237, %add3A_1230 : vector<32x256xi32>
        %add3A_1239 = arith.constant 466693091 : i32
        %add3A_1240 = vector.broadcast %add3A_1239 : i32 to vector<32x256xi32>
        %add3A_1241 = arith.addi %add3A_1230, %add3A_1240 : vector<32x256xi32>
        %add3A_1242 = arith.constant 5 : i32
        %add3A_1243 = vector.broadcast %add3A_1242 : i32 to vector<32x256xi32>
        %add3A_1244 = arith.addi %xor3A_1238, %add3A_1243 : vector<32x256xi32>
        %xor3A_1245 = arith.xori %add3A_1241, %add3A_1244 : vector<32x256xi32>
        %broadcast_in_dim3A_1246 = arith.constant 9 : i32
        %broadcast_in_dim3A_1247 = vector.broadcast %broadcast_in_dim3A_1246 : i32 to vector<32x256xi32>
        %shift_right_logical3A_1248 = arith.shrui %xor3A_1245, %broadcast_in_dim3A_1247 : vector<32x256xi32>
        %or3A_1249 = arith.constant 1065353216 : i32
        %or3A_1250 = vector.broadcast %or3A_1249 : i32 to vector<32x256xi32>
        %or3A_1251 = arith.ori %shift_right_logical3A_1248, %or3A_1250 : vector<32x256xi32>
        %bitcast_convert_type3A_1252 = tpu.bitcast %or3A_1251 : vector<32x256xi32> -> vector<32x256xf32>
        %sub3A_1253 = arith.constant 1.000000e+00 : f32
        %sub3A_1254 = vector.broadcast %sub3A_1253 : f32 to vector<32x256xf32>
        %sub3A_1255 = arith.subf %bitcast_convert_type3A_1252, %sub3A_1254 : vector<32x256xf32>
        %max3A_1256 = arith.constant 1.17549435E-38 : f32
        %max3A_1257 = vector.broadcast %max3A_1256 : f32 to vector<32x256xf32>
        %max3A_1258 = arith.maximumf %sub3A_1255, %max3A_1257 : vector<32x256xf32>
        %log3A_1259 = math.log %max3A_1258 : vector<32x256xf32>
        %neg3A_1260 = arith.constant 0.000000e+00 : f32
        %neg3A_1261 = vector.broadcast %neg3A_1260 : f32 to vector<32x256xf32>
        %neg3A_1262 = arith.subf %neg3A_1261, %log3A_1259 : vector<32x256xf32>
        %mul3A_1263 = arith.constant 256 : i32
        %mul3A_1264 = arith.muli %scan3A_1024, %mul3A_1263 : i32
        %get3A_1265 = arith.constant 0 : index
        %get3A_1266 = arith.index_cast %mul3A_1264 : i32 to index
        %get3A_1267 = vector.load %arg7[%get3A_1265, %get3A_1266] : memref<32x8192xf32, #tpu.memory_space<vmem>>, vector<32x256xf32>
        %mul3A_1268 = arith.mulf %neg3A_1262, %get3A_1267 : vector<32x256xf32>
        %lt3A_1269 = arith.cmpf olt, %mul3A_1268, %select_n3A_1020 : vector<32x256xf32>
        %select_n3A_1270 = arith.select %lt3A_1269, %mul3A_1268, %select_n3A_1020 : vector<32x256xi1>, vector<32x256xf32>
        %broadcast_in_dim3A_1271 = vector.broadcast %scan3A_1024 : i32 to vector<32x256xi32>
        %select_n3A_1272 = arith.select %lt3A_1269, %broadcast_in_dim3A_1271, %select_n3A_1022 : vector<32x256xi1>, vector<32x256xi32>
        %scan3A_1273 = arith.constant 3 : i32
        %scan3A_1274 = arith.addi %scan3A_527, %scan3A_1273 : i32
        %mul3A_1275 = arith.constant 256 : i32
        %mul3A_1276 = arith.muli %scan3A_1274, %mul3A_1275 : i32
        %add3A_1277 = vector.broadcast %mul3A_1276 : i32 to vector<32x256xi32>
        %add3A_1278 = arith.addi %add3A_412, %add3A_1277 : vector<32x256xi32>
        %add3A_1279 = arith.addi %add3A_1278, %iota3A : vector<32x256xi32>
        %broadcast_in_dim3A_1280 = arith.constant 0 : i32
        %broadcast_in_dim3A_1281 = vector.broadcast %broadcast_in_dim3A_1280 : i32 to vector<32x256xi32>
        %add3A_1282 = arith.constant 12345 : i32
        %add3A_1283 = vector.broadcast %add3A_1282 : i32 to vector<32x256xi32>
        %add3A_1284 = arith.addi %add3A_1279, %add3A_1283 : vector<32x256xi32>
        %add3A_1285 = arith.addi %broadcast_in_dim3A_1281, %add3A_1284 : vector<32x256xi32>
        %shift_left3A_1286 = arith.constant 13 : i32
        %shift_left3A_1287 = vector.broadcast %shift_left3A_1286 : i32 to vector<32x256xi32>
        %shift_left3A_1288 = arith.shli %add3A_1284, %shift_left3A_1287 : vector<32x256xi32>
        %broadcast_in_dim3A_1289 = arith.constant 19 : i32
        %broadcast_in_dim3A_1290 = vector.broadcast %broadcast_in_dim3A_1289 : i32 to vector<32x256xi32>
        %shift_right_logical3A_1291 = arith.shrui %add3A_1284, %broadcast_in_dim3A_1290 : vector<32x256xi32>
        %or3A_1292 = arith.ori %shift_left3A_1288, %shift_right_logical3A_1291 : vector<32x256xi32>
        %xor3A_1293 = arith.xori %or3A_1292, %add3A_1285 : vector<32x256xi32>
        %add3A_1294 = arith.addi %add3A_1285, %xor3A_1293 : vector<32x256xi32>
        %shift_left3A_1295 = arith.constant 15 : i32
        %shift_left3A_1296 = vector.broadcast %shift_left3A_1295 : i32 to vector<32x256xi32>
        %shift_left3A_1297 = arith.shli %xor3A_1293, %shift_left3A_1296 : vector<32x256xi32>
        %broadcast_in_dim3A_1298 = arith.constant 17 : i32
        %broadcast_in_dim3A_1299 = vector.broadcast %broadcast_in_dim3A_1298 : i32 to vector<32x256xi32>
        %shift_right_logical3A_1300 = arith.shrui %xor3A_1293, %broadcast_in_dim3A_1299 : vector<32x256xi32>
        %or3A_1301 = arith.ori %shift_left3A_1297, %shift_right_logical3A_1300 : vector<32x256xi32>
        %xor3A_1302 = arith.xori %or3A_1301, %add3A_1294 : vector<32x256xi32>
        %add3A_1303 = arith.addi %add3A_1294, %xor3A_1302 : vector<32x256xi32>
        %shift_left3A_1304 = arith.constant 26 : i32
        %shift_left3A_1305 = vector.broadcast %shift_left3A_1304 : i32 to vector<32x256xi32>
        %shift_left3A_1306 = arith.shli %xor3A_1302, %shift_left3A_1305 : vector<32x256xi32>
        %broadcast_in_dim3A_1307 = arith.constant 6 : i32
        %broadcast_in_dim3A_1308 = vector.broadcast %broadcast_in_dim3A_1307 : i32 to vector<32x256xi32>
        %shift_right_logical3A_1309 = arith.shrui %xor3A_1302, %broadcast_in_dim3A_1308 : vector<32x256xi32>
        %or3A_1310 = arith.ori %shift_left3A_1306, %shift_right_logical3A_1309 : vector<32x256xi32>
        %xor3A_1311 = arith.xori %or3A_1310, %add3A_1303 : vector<32x256xi32>
        %add3A_1312 = arith.addi %add3A_1303, %xor3A_1311 : vector<32x256xi32>
        %shift_left3A_1313 = arith.constant 6 : i32
        %shift_left3A_1314 = vector.broadcast %shift_left3A_1313 : i32 to vector<32x256xi32>
        %shift_left3A_1315 = arith.shli %xor3A_1311, %shift_left3A_1314 : vector<32x256xi32>
        %broadcast_in_dim3A_1316 = arith.constant 26 : i32
        %broadcast_in_dim3A_1317 = vector.broadcast %broadcast_in_dim3A_1316 : i32 to vector<32x256xi32>
        %shift_right_logical3A_1318 = arith.shrui %xor3A_1311, %broadcast_in_dim3A_1317 : vector<32x256xi32>
        %or3A_1319 = arith.ori %shift_left3A_1315, %shift_right_logical3A_1318 : vector<32x256xi32>
        %xor3A_1320 = arith.xori %or3A_1319, %add3A_1312 : vector<32x256xi32>
        %add3A_1321 = arith.constant 12345 : i32
        %add3A_1322 = vector.broadcast %add3A_1321 : i32 to vector<32x256xi32>
        %add3A_1323 = arith.addi %add3A_1312, %add3A_1322 : vector<32x256xi32>
        %add3A_1324 = arith.constant 466693092 : i32
        %add3A_1325 = vector.broadcast %add3A_1324 : i32 to vector<32x256xi32>
        %add3A_1326 = arith.addi %xor3A_1320, %add3A_1325 : vector<32x256xi32>
        %add3A_1327 = arith.addi %add3A_1323, %add3A_1326 : vector<32x256xi32>
        %shift_left3A_1328 = arith.constant 17 : i32
        %shift_left3A_1329 = vector.broadcast %shift_left3A_1328 : i32 to vector<32x256xi32>
        %shift_left3A_1330 = arith.shli %add3A_1326, %shift_left3A_1329 : vector<32x256xi32>
        %broadcast_in_dim3A_1331 = arith.constant 15 : i32
        %broadcast_in_dim3A_1332 = vector.broadcast %broadcast_in_dim3A_1331 : i32 to vector<32x256xi32>
        %shift_right_logical3A_1333 = arith.shrui %add3A_1326, %broadcast_in_dim3A_1332 : vector<32x256xi32>
        %or3A_1334 = arith.ori %shift_left3A_1330, %shift_right_logical3A_1333 : vector<32x256xi32>
        %xor3A_1335 = arith.xori %or3A_1334, %add3A_1327 : vector<32x256xi32>
        %add3A_1336 = arith.addi %add3A_1327, %xor3A_1335 : vector<32x256xi32>
        %shift_left3A_1337 = arith.constant 29 : i32
        %shift_left3A_1338 = vector.broadcast %shift_left3A_1337 : i32 to vector<32x256xi32>
        %shift_left3A_1339 = arith.shli %xor3A_1335, %shift_left3A_1338 : vector<32x256xi32>
        %broadcast_in_dim3A_1340 = arith.constant 3 : i32
        %broadcast_in_dim3A_1341 = vector.broadcast %broadcast_in_dim3A_1340 : i32 to vector<32x256xi32>
        %shift_right_logical3A_1342 = arith.shrui %xor3A_1335, %broadcast_in_dim3A_1341 : vector<32x256xi32>
        %or3A_1343 = arith.ori %shift_left3A_1339, %shift_right_logical3A_1342 : vector<32x256xi32>
        %xor3A_1344 = arith.xori %or3A_1343, %add3A_1336 : vector<32x256xi32>
        %add3A_1345 = arith.addi %add3A_1336, %xor3A_1344 : vector<32x256xi32>
        %shift_left3A_1346 = arith.constant 16 : i32
        %shift_left3A_1347 = vector.broadcast %shift_left3A_1346 : i32 to vector<32x256xi32>
        %shift_left3A_1348 = arith.shli %xor3A_1344, %shift_left3A_1347 : vector<32x256xi32>
        %broadcast_in_dim3A_1349 = arith.constant 16 : i32
        %broadcast_in_dim3A_1350 = vector.broadcast %broadcast_in_dim3A_1349 : i32 to vector<32x256xi32>
        %shift_right_logical3A_1351 = arith.shrui %xor3A_1344, %broadcast_in_dim3A_1350 : vector<32x256xi32>
        %or3A_1352 = arith.ori %shift_left3A_1348, %shift_right_logical3A_1351 : vector<32x256xi32>
        %xor3A_1353 = arith.xori %or3A_1352, %add3A_1345 : vector<32x256xi32>
        %add3A_1354 = arith.addi %add3A_1345, %xor3A_1353 : vector<32x256xi32>
        %shift_left3A_1355 = arith.constant 24 : i32
        %shift_left3A_1356 = vector.broadcast %shift_left3A_1355 : i32 to vector<32x256xi32>
        %shift_left3A_1357 = arith.shli %xor3A_1353, %shift_left3A_1356 : vector<32x256xi32>
        %broadcast_in_dim3A_1358 = arith.constant 8 : i32
        %broadcast_in_dim3A_1359 = vector.broadcast %broadcast_in_dim3A_1358 : i32 to vector<32x256xi32>
        %shift_right_logical3A_1360 = arith.shrui %xor3A_1353, %broadcast_in_dim3A_1359 : vector<32x256xi32>
        %or3A_1361 = arith.ori %shift_left3A_1357, %shift_right_logical3A_1360 : vector<32x256xi32>
        %xor3A_1362 = arith.xori %or3A_1361, %add3A_1354 : vector<32x256xi32>
        %add3A_1363 = arith.constant 466693091 : i32
        %add3A_1364 = vector.broadcast %add3A_1363 : i32 to vector<32x256xi32>
        %add3A_1365 = arith.addi %add3A_1354, %add3A_1364 : vector<32x256xi32>
        %add3A_1366 = arith.constant 2 : i32
        %add3A_1367 = vector.broadcast %add3A_1366 : i32 to vector<32x256xi32>
        %add3A_1368 = arith.addi %xor3A_1362, %add3A_1367 : vector<32x256xi32>
        %add3A_1369 = arith.addi %add3A_1365, %add3A_1368 : vector<32x256xi32>
        %shift_left3A_1370 = arith.constant 13 : i32
        %shift_left3A_1371 = vector.broadcast %shift_left3A_1370 : i32 to vector<32x256xi32>
        %shift_left3A_1372 = arith.shli %add3A_1368, %shift_left3A_1371 : vector<32x256xi32>
        %broadcast_in_dim3A_1373 = arith.constant 19 : i32
        %broadcast_in_dim3A_1374 = vector.broadcast %broadcast_in_dim3A_1373 : i32 to vector<32x256xi32>
        %shift_right_logical3A_1375 = arith.shrui %add3A_1368, %broadcast_in_dim3A_1374 : vector<32x256xi32>
        %or3A_1376 = arith.ori %shift_left3A_1372, %shift_right_logical3A_1375 : vector<32x256xi32>
        %xor3A_1377 = arith.xori %or3A_1376, %add3A_1369 : vector<32x256xi32>
        %add3A_1378 = arith.addi %add3A_1369, %xor3A_1377 : vector<32x256xi32>
        %shift_left3A_1379 = arith.constant 15 : i32
        %shift_left3A_1380 = vector.broadcast %shift_left3A_1379 : i32 to vector<32x256xi32>
        %shift_left3A_1381 = arith.shli %xor3A_1377, %shift_left3A_1380 : vector<32x256xi32>
        %broadcast_in_dim3A_1382 = arith.constant 17 : i32
        %broadcast_in_dim3A_1383 = vector.broadcast %broadcast_in_dim3A_1382 : i32 to vector<32x256xi32>
        %shift_right_logical3A_1384 = arith.shrui %xor3A_1377, %broadcast_in_dim3A_1383 : vector<32x256xi32>
        %or3A_1385 = arith.ori %shift_left3A_1381, %shift_right_logical3A_1384 : vector<32x256xi32>
        %xor3A_1386 = arith.xori %or3A_1385, %add3A_1378 : vector<32x256xi32>
        %add3A_1387 = arith.addi %add3A_1378, %xor3A_1386 : vector<32x256xi32>
        %shift_left3A_1388 = arith.constant 26 : i32
        %shift_left3A_1389 = vector.broadcast %shift_left3A_1388 : i32 to vector<32x256xi32>
        %shift_left3A_1390 = arith.shli %xor3A_1386, %shift_left3A_1389 : vector<32x256xi32>
        %broadcast_in_dim3A_1391 = arith.constant 6 : i32
        %broadcast_in_dim3A_1392 = vector.broadcast %broadcast_in_dim3A_1391 : i32 to vector<32x256xi32>
        %shift_right_logical3A_1393 = arith.shrui %xor3A_1386, %broadcast_in_dim3A_1392 : vector<32x256xi32>
        %or3A_1394 = arith.ori %shift_left3A_1390, %shift_right_logical3A_1393 : vector<32x256xi32>
        %xor3A_1395 = arith.xori %or3A_1394, %add3A_1387 : vector<32x256xi32>
        %add3A_1396 = arith.addi %add3A_1387, %xor3A_1395 : vector<32x256xi32>
        %shift_left3A_1397 = arith.constant 6 : i32
        %shift_left3A_1398 = vector.broadcast %shift_left3A_1397 : i32 to vector<32x256xi32>
        %shift_left3A_1399 = arith.shli %xor3A_1395, %shift_left3A_1398 : vector<32x256xi32>
        %broadcast_in_dim3A_1400 = arith.constant 26 : i32
        %broadcast_in_dim3A_1401 = vector.broadcast %broadcast_in_dim3A_1400 : i32 to vector<32x256xi32>
        %shift_right_logical3A_1402 = arith.shrui %xor3A_1395, %broadcast_in_dim3A_1401 : vector<32x256xi32>
        %or3A_1403 = arith.ori %shift_left3A_1399, %shift_right_logical3A_1402 : vector<32x256xi32>
        %xor3A_1404 = arith.xori %or3A_1403, %add3A_1396 : vector<32x256xi32>
        %add3A_1405 = arith.constant 0 : i32
        %add3A_1406 = vector.broadcast %add3A_1405 : i32 to vector<32x256xi32>
        %add3A_1407 = arith.addi %add3A_1396, %add3A_1406 : vector<32x256xi32>
        %add3A_1408 = arith.constant 12348 : i32
        %add3A_1409 = vector.broadcast %add3A_1408 : i32 to vector<32x256xi32>
        %add3A_1410 = arith.addi %xor3A_1404, %add3A_1409 : vector<32x256xi32>
        %add3A_1411 = arith.addi %add3A_1407, %add3A_1410 : vector<32x256xi32>
        %shift_left3A_1412 = arith.constant 17 : i32
        %shift_left3A_1413 = vector.broadcast %shift_left3A_1412 : i32 to vector<32x256xi32>
        %shift_left3A_1414 = arith.shli %add3A_1410, %shift_left3A_1413 : vector<32x256xi32>
        %broadcast_in_dim3A_1415 = arith.constant 15 : i32
        %broadcast_in_dim3A_1416 = vector.broadcast %broadcast_in_dim3A_1415 : i32 to vector<32x256xi32>
        %shift_right_logical3A_1417 = arith.shrui %add3A_1410, %broadcast_in_dim3A_1416 : vector<32x256xi32>
        %or3A_1418 = arith.ori %shift_left3A_1414, %shift_right_logical3A_1417 : vector<32x256xi32>
        %xor3A_1419 = arith.xori %or3A_1418, %add3A_1411 : vector<32x256xi32>
        %add3A_1420 = arith.addi %add3A_1411, %xor3A_1419 : vector<32x256xi32>
        %shift_left3A_1421 = arith.constant 29 : i32
        %shift_left3A_1422 = vector.broadcast %shift_left3A_1421 : i32 to vector<32x256xi32>
        %shift_left3A_1423 = arith.shli %xor3A_1419, %shift_left3A_1422 : vector<32x256xi32>
        %broadcast_in_dim3A_1424 = arith.constant 3 : i32
        %broadcast_in_dim3A_1425 = vector.broadcast %broadcast_in_dim3A_1424 : i32 to vector<32x256xi32>
        %shift_right_logical3A_1426 = arith.shrui %xor3A_1419, %broadcast_in_dim3A_1425 : vector<32x256xi32>
        %or3A_1427 = arith.ori %shift_left3A_1423, %shift_right_logical3A_1426 : vector<32x256xi32>
        %xor3A_1428 = arith.xori %or3A_1427, %add3A_1420 : vector<32x256xi32>
        %add3A_1429 = arith.addi %add3A_1420, %xor3A_1428 : vector<32x256xi32>
        %shift_left3A_1430 = arith.constant 16 : i32
        %shift_left3A_1431 = vector.broadcast %shift_left3A_1430 : i32 to vector<32x256xi32>
        %shift_left3A_1432 = arith.shli %xor3A_1428, %shift_left3A_1431 : vector<32x256xi32>
        %broadcast_in_dim3A_1433 = arith.constant 16 : i32
        %broadcast_in_dim3A_1434 = vector.broadcast %broadcast_in_dim3A_1433 : i32 to vector<32x256xi32>
        %shift_right_logical3A_1435 = arith.shrui %xor3A_1428, %broadcast_in_dim3A_1434 : vector<32x256xi32>
        %or3A_1436 = arith.ori %shift_left3A_1432, %shift_right_logical3A_1435 : vector<32x256xi32>
        %xor3A_1437 = arith.xori %or3A_1436, %add3A_1429 : vector<32x256xi32>
        %add3A_1438 = arith.addi %add3A_1429, %xor3A_1437 : vector<32x256xi32>
        %shift_left3A_1439 = arith.constant 24 : i32
        %shift_left3A_1440 = vector.broadcast %shift_left3A_1439 : i32 to vector<32x256xi32>
        %shift_left3A_1441 = arith.shli %xor3A_1437, %shift_left3A_1440 : vector<32x256xi32>
        %broadcast_in_dim3A_1442 = arith.constant 8 : i32
        %broadcast_in_dim3A_1443 = vector.broadcast %broadcast_in_dim3A_1442 : i32 to vector<32x256xi32>
        %shift_right_logical3A_1444 = arith.shrui %xor3A_1437, %broadcast_in_dim3A_1443 : vector<32x256xi32>
        %or3A_1445 = arith.ori %shift_left3A_1441, %shift_right_logical3A_1444 : vector<32x256xi32>
        %xor3A_1446 = arith.xori %or3A_1445, %add3A_1438 : vector<32x256xi32>
        %add3A_1447 = arith.constant 12345 : i32
        %add3A_1448 = vector.broadcast %add3A_1447 : i32 to vector<32x256xi32>
        %add3A_1449 = arith.addi %add3A_1438, %add3A_1448 : vector<32x256xi32>
        %add3A_1450 = arith.constant 466693095 : i32
        %add3A_1451 = vector.broadcast %add3A_1450 : i32 to vector<32x256xi32>
        %add3A_1452 = arith.addi %xor3A_1446, %add3A_1451 : vector<32x256xi32>
        %add3A_1453 = arith.addi %add3A_1449, %add3A_1452 : vector<32x256xi32>
        %shift_left3A_1454 = arith.constant 13 : i32
        %shift_left3A_1455 = vector.broadcast %shift_left3A_1454 : i32 to vector<32x256xi32>
        %shift_left3A_1456 = arith.shli %add3A_1452, %shift_left3A_1455 : vector<32x256xi32>
        %broadcast_in_dim3A_1457 = arith.constant 19 : i32
        %broadcast_in_dim3A_1458 = vector.broadcast %broadcast_in_dim3A_1457 : i32 to vector<32x256xi32>
        %shift_right_logical3A_1459 = arith.shrui %add3A_1452, %broadcast_in_dim3A_1458 : vector<32x256xi32>
        %or3A_1460 = arith.ori %shift_left3A_1456, %shift_right_logical3A_1459 : vector<32x256xi32>
        %xor3A_1461 = arith.xori %or3A_1460, %add3A_1453 : vector<32x256xi32>
        %add3A_1462 = arith.addi %add3A_1453, %xor3A_1461 : vector<32x256xi32>
        %shift_left3A_1463 = arith.constant 15 : i32
        %shift_left3A_1464 = vector.broadcast %shift_left3A_1463 : i32 to vector<32x256xi32>
        %shift_left3A_1465 = arith.shli %xor3A_1461, %shift_left3A_1464 : vector<32x256xi32>
        %broadcast_in_dim3A_1466 = arith.constant 17 : i32
        %broadcast_in_dim3A_1467 = vector.broadcast %broadcast_in_dim3A_1466 : i32 to vector<32x256xi32>
        %shift_right_logical3A_1468 = arith.shrui %xor3A_1461, %broadcast_in_dim3A_1467 : vector<32x256xi32>
        %or3A_1469 = arith.ori %shift_left3A_1465, %shift_right_logical3A_1468 : vector<32x256xi32>
        %xor3A_1470 = arith.xori %or3A_1469, %add3A_1462 : vector<32x256xi32>
        %add3A_1471 = arith.addi %add3A_1462, %xor3A_1470 : vector<32x256xi32>
        %shift_left3A_1472 = arith.constant 26 : i32
        %shift_left3A_1473 = vector.broadcast %shift_left3A_1472 : i32 to vector<32x256xi32>
        %shift_left3A_1474 = arith.shli %xor3A_1470, %shift_left3A_1473 : vector<32x256xi32>
        %broadcast_in_dim3A_1475 = arith.constant 6 : i32
        %broadcast_in_dim3A_1476 = vector.broadcast %broadcast_in_dim3A_1475 : i32 to vector<32x256xi32>
        %shift_right_logical3A_1477 = arith.shrui %xor3A_1470, %broadcast_in_dim3A_1476 : vector<32x256xi32>
        %or3A_1478 = arith.ori %shift_left3A_1474, %shift_right_logical3A_1477 : vector<32x256xi32>
        %xor3A_1479 = arith.xori %or3A_1478, %add3A_1471 : vector<32x256xi32>
        %add3A_1480 = arith.addi %add3A_1471, %xor3A_1479 : vector<32x256xi32>
        %shift_left3A_1481 = arith.constant 6 : i32
        %shift_left3A_1482 = vector.broadcast %shift_left3A_1481 : i32 to vector<32x256xi32>
        %shift_left3A_1483 = arith.shli %xor3A_1479, %shift_left3A_1482 : vector<32x256xi32>
        %broadcast_in_dim3A_1484 = arith.constant 26 : i32
        %broadcast_in_dim3A_1485 = vector.broadcast %broadcast_in_dim3A_1484 : i32 to vector<32x256xi32>
        %shift_right_logical3A_1486 = arith.shrui %xor3A_1479, %broadcast_in_dim3A_1485 : vector<32x256xi32>
        %or3A_1487 = arith.ori %shift_left3A_1483, %shift_right_logical3A_1486 : vector<32x256xi32>
        %xor3A_1488 = arith.xori %or3A_1487, %add3A_1480 : vector<32x256xi32>
        %add3A_1489 = arith.constant 466693091 : i32
        %add3A_1490 = vector.broadcast %add3A_1489 : i32 to vector<32x256xi32>
        %add3A_1491 = arith.addi %add3A_1480, %add3A_1490 : vector<32x256xi32>
        %add3A_1492 = arith.constant 5 : i32
        %add3A_1493 = vector.broadcast %add3A_1492 : i32 to vector<32x256xi32>
        %add3A_1494 = arith.addi %xor3A_1488, %add3A_1493 : vector<32x256xi32>
        %xor3A_1495 = arith.xori %add3A_1491, %add3A_1494 : vector<32x256xi32>
        %broadcast_in_dim3A_1496 = arith.constant 9 : i32
        %broadcast_in_dim3A_1497 = vector.broadcast %broadcast_in_dim3A_1496 : i32 to vector<32x256xi32>
        %shift_right_logical3A_1498 = arith.shrui %xor3A_1495, %broadcast_in_dim3A_1497 : vector<32x256xi32>
        %or3A_1499 = arith.constant 1065353216 : i32
        %or3A_1500 = vector.broadcast %or3A_1499 : i32 to vector<32x256xi32>
        %or3A_1501 = arith.ori %shift_right_logical3A_1498, %or3A_1500 : vector<32x256xi32>
        %bitcast_convert_type3A_1502 = tpu.bitcast %or3A_1501 : vector<32x256xi32> -> vector<32x256xf32>
        %sub3A_1503 = arith.constant 1.000000e+00 : f32
        %sub3A_1504 = vector.broadcast %sub3A_1503 : f32 to vector<32x256xf32>
        %sub3A_1505 = arith.subf %bitcast_convert_type3A_1502, %sub3A_1504 : vector<32x256xf32>
        %max3A_1506 = arith.constant 1.17549435E-38 : f32
        %max3A_1507 = vector.broadcast %max3A_1506 : f32 to vector<32x256xf32>
        %max3A_1508 = arith.maximumf %sub3A_1505, %max3A_1507 : vector<32x256xf32>
        %log3A_1509 = math.log %max3A_1508 : vector<32x256xf32>
        %neg3A_1510 = arith.constant 0.000000e+00 : f32
        %neg3A_1511 = vector.broadcast %neg3A_1510 : f32 to vector<32x256xf32>
        %neg3A_1512 = arith.subf %neg3A_1511, %log3A_1509 : vector<32x256xf32>
        %mul3A_1513 = arith.constant 256 : i32
        %mul3A_1514 = arith.muli %scan3A_1274, %mul3A_1513 : i32
        %get3A_1515 = arith.constant 0 : index
        %get3A_1516 = arith.index_cast %mul3A_1514 : i32 to index
        %get3A_1517 = vector.load %arg7[%get3A_1515, %get3A_1516] : memref<32x8192xf32, #tpu.memory_space<vmem>>, vector<32x256xf32>
        %mul3A_1518 = arith.mulf %neg3A_1512, %get3A_1517 : vector<32x256xf32>
        %lt3A_1519 = arith.cmpf olt, %mul3A_1518, %select_n3A_1270 : vector<32x256xf32>
        %select_n3A_1520 = arith.select %lt3A_1519, %mul3A_1518, %select_n3A_1270 : vector<32x256xi1>, vector<32x256xf32>
        %broadcast_in_dim3A_1521 = vector.broadcast %scan3A_1274 : i32 to vector<32x256xi32>
        %select_n3A_1522 = arith.select %lt3A_1519, %broadcast_in_dim3A_1521, %select_n3A_1272 : vector<32x256xi1>, vector<32x256xi32>
        scf.yield %select_n3A_1520, %select_n3A_1522 : vector<32x256xf32>, vector<32x256xi32>
      }
      %scan3A_422 = arith.constant 32 : i32
      %mul3A_423 = arith.constant 256 : i32
      %mul3A_424 = vector.broadcast %mul3A_423 : i32 to vector<32x256xi32>
      %mul3A_425 = arith.muli %scan3A_421#1, %mul3A_424 : vector<32x256xi32>
      %add3A_426 = arith.addi %mul3A_425, %iota3A : vector<32x256xi32>
      %reduce_min3A = arith.constant dense<0x7F800000> : vector<32xf32>
      %reduce_min3A_427 = vector.multi_reduction <minimumf>, %scan3A_421#0, %reduce_min3A [1] : vector<32x256xf32> to vector<32xf32>
      %broadcast_in_dim3A_428 = vector.shape_cast %reduce_min3A_427 : vector<32xf32> to vector<32x1xf32>
      %eq3A_429 = vector.broadcast %broadcast_in_dim3A_428 : vector<32x1xf32> to vector<32x256xf32>
      %eq3A_430 = arith.cmpf oeq, %scan3A_421#0, %eq3A_429 : vector<32x256xf32>
      %select_n3A_431 = arith.select %eq3A_430, %add3A_426, %broadcast_in_dim3A_326 : vector<32x256xi1>, vector<32x256xi32>
      %reduce_min3A_432 = arith.constant dense<2147483647> : vector<32xi32>
      %reduce_min3A_433 = vector.multi_reduction <minsi>, %select_n3A_431, %reduce_min3A_432 [1] : vector<32x256xi32> to vector<32xi32>
      %broadcast_in_dim3A_434 = vector.shape_cast %reduce_min3A_433 : vector<32xi32> to vector<32x1xi32>
      %add3A_435 = arith.constant 0 : i32
      %add3A_436 = arith.addi %scan3A_407, %add3A_435 : i32
      %eq3A_437 = vector.broadcast %add3A_436 : i32 to vector<8x128xi32>
      %eq3A_438 = arith.cmpi eq, %iota3A_322, %eq3A_437 : vector<8x128xi32>
      %slice3A = vector.extract_strided_slice %broadcast_in_dim3A_434 {offsets = [0, 0], sizes = [8, 1], strides = [1, 1]} : vector<32x1xi32> to vector<8x1xi32>
      %broadcast_in_dim3A_439 = vector.shape_cast %slice3A : vector<8x1xi32> to vector<8x1xi32>
      %broadcast_in_dim3A_440 = vector.broadcast %broadcast_in_dim3A_439 : vector<8x1xi32> to vector<8x128xi32>
      %select_n3A_441 = arith.select %eq3A_438, %broadcast_in_dim3A_440, %scan3A_408 : vector<8x128xi1>, vector<8x128xi32>
      %add3A_442 = arith.constant 32 : i32
      %add3A_443 = arith.addi %scan3A_407, %add3A_442 : i32
      %eq3A_444 = vector.broadcast %add3A_443 : i32 to vector<8x128xi32>
      %eq3A_445 = arith.cmpi eq, %iota3A_322, %eq3A_444 : vector<8x128xi32>
      %slice3A_446 = vector.extract_strided_slice %broadcast_in_dim3A_434 {offsets = [8, 0], sizes = [8, 1], strides = [1, 1]} : vector<32x1xi32> to vector<8x1xi32>
      %broadcast_in_dim3A_447 = vector.shape_cast %slice3A_446 : vector<8x1xi32> to vector<8x1xi32>
      %broadcast_in_dim3A_448 = vector.broadcast %broadcast_in_dim3A_447 : vector<8x1xi32> to vector<8x128xi32>
      %select_n3A_449 = arith.select %eq3A_445, %broadcast_in_dim3A_448, %select_n3A_441 : vector<8x128xi1>, vector<8x128xi32>
      %add3A_450 = arith.constant 64 : i32
      %add3A_451 = arith.addi %scan3A_407, %add3A_450 : i32
      %eq3A_452 = vector.broadcast %add3A_451 : i32 to vector<8x128xi32>
      %eq3A_453 = arith.cmpi eq, %iota3A_322, %eq3A_452 : vector<8x128xi32>
      %slice3A_454 = vector.extract_strided_slice %broadcast_in_dim3A_434 {offsets = [16, 0], sizes = [8, 1], strides = [1, 1]} : vector<32x1xi32> to vector<8x1xi32>
      %broadcast_in_dim3A_455 = vector.shape_cast %slice3A_454 : vector<8x1xi32> to vector<8x1xi32>
      %broadcast_in_dim3A_456 = vector.broadcast %broadcast_in_dim3A_455 : vector<8x1xi32> to vector<8x128xi32>
      %select_n3A_457 = arith.select %eq3A_453, %broadcast_in_dim3A_456, %select_n3A_449 : vector<8x128xi1>, vector<8x128xi32>
      %add3A_458 = arith.constant 96 : i32
      %add3A_459 = arith.addi %scan3A_407, %add3A_458 : i32
      %eq3A_460 = vector.broadcast %add3A_459 : i32 to vector<8x128xi32>
      %eq3A_461 = arith.cmpi eq, %iota3A_322, %eq3A_460 : vector<8x128xi32>
      %slice3A_462 = vector.extract_strided_slice %broadcast_in_dim3A_434 {offsets = [24, 0], sizes = [8, 1], strides = [1, 1]} : vector<32x1xi32> to vector<8x1xi32>
      %broadcast_in_dim3A_463 = vector.shape_cast %slice3A_462 : vector<8x1xi32> to vector<8x1xi32>
      %broadcast_in_dim3A_464 = vector.broadcast %broadcast_in_dim3A_463 : vector<8x1xi32> to vector<8x128xi32>
      %select_n3A_465 = arith.select %eq3A_461, %broadcast_in_dim3A_464, %select_n3A_457 : vector<8x128xi1>, vector<8x128xi32>
      %scan3A_466 = arith.constant 1 : i32
      %scan3A_467 = arith.addi %scan3A_407, %scan3A_466 : i32
      %mul3A_468 = arith.constant 8192 : i32
      %mul3A_469 = arith.muli %scan3A_467, %mul3A_468 : i32
      %add3A_470 = vector.broadcast %mul3A_469 : i32 to vector<32x256xi32>
      %add3A_471 = arith.addi %add3A_388, %add3A_470 : vector<32x256xi32>
      %broadcast_in_dim3A_472 = arith.constant 0x7F800000 : f32
      %broadcast_in_dim3A_473 = vector.broadcast %broadcast_in_dim3A_472 : f32 to vector<32x256xf32>
      %broadcast_in_dim3A_474 = arith.constant 0 : i32
      %broadcast_in_dim3A_475 = vector.broadcast %broadcast_in_dim3A_474 : i32 to vector<32x256xi32>
      %scan3A_476 = arith.constant 0 : i32
      %scan3A_477 = arith.constant 32 : i32
      %scan3A_478 = arith.addi %scan3A_476, %scan3A_477 : i32
      %scan3A_479 = arith.constant 4 : i32
      %scan3A_480:2 = scf.for %scan3A_527 = %scan3A_476 to %scan3A_478 step %scan3A_479 iter_args(%scan3A_528 = %broadcast_in_dim3A_473, %scan3A_529 = %broadcast_in_dim3A_475) -> (vector<32x256xf32>, vector<32x256xi32>)  : i32 {
        %mul3A_530 = arith.constant 256 : i32
        %mul3A_531 = arith.muli %scan3A_527, %mul3A_530 : i32
        %add3A_532 = vector.broadcast %mul3A_531 : i32 to vector<32x256xi32>
        %add3A_533 = arith.addi %add3A_471, %add3A_532 : vector<32x256xi32>
        %add3A_534 = arith.addi %add3A_533, %iota3A : vector<32x256xi32>
        %broadcast_in_dim3A_535 = arith.constant 0 : i32
        %broadcast_in_dim3A_536 = vector.broadcast %broadcast_in_dim3A_535 : i32 to vector<32x256xi32>
        %add3A_537 = arith.constant 12345 : i32
        %add3A_538 = vector.broadcast %add3A_537 : i32 to vector<32x256xi32>
        %add3A_539 = arith.addi %add3A_534, %add3A_538 : vector<32x256xi32>
        %add3A_540 = arith.addi %broadcast_in_dim3A_536, %add3A_539 : vector<32x256xi32>
        %shift_left3A = arith.constant 13 : i32
        %shift_left3A_541 = vector.broadcast %shift_left3A : i32 to vector<32x256xi32>
        %shift_left3A_542 = arith.shli %add3A_539, %shift_left3A_541 : vector<32x256xi32>
        %broadcast_in_dim3A_543 = arith.constant 19 : i32
        %broadcast_in_dim3A_544 = vector.broadcast %broadcast_in_dim3A_543 : i32 to vector<32x256xi32>
        %shift_right_logical3A = arith.shrui %add3A_539, %broadcast_in_dim3A_544 : vector<32x256xi32>
        %or3A = arith.ori %shift_left3A_542, %shift_right_logical3A : vector<32x256xi32>
        %xor3A = arith.xori %or3A, %add3A_540 : vector<32x256xi32>
        %add3A_545 = arith.addi %add3A_540, %xor3A : vector<32x256xi32>
        %shift_left3A_546 = arith.constant 15 : i32
        %shift_left3A_547 = vector.broadcast %shift_left3A_546 : i32 to vector<32x256xi32>
        %shift_left3A_548 = arith.shli %xor3A, %shift_left3A_547 : vector<32x256xi32>
        %broadcast_in_dim3A_549 = arith.constant 17 : i32
        %broadcast_in_dim3A_550 = vector.broadcast %broadcast_in_dim3A_549 : i32 to vector<32x256xi32>
        %shift_right_logical3A_551 = arith.shrui %xor3A, %broadcast_in_dim3A_550 : vector<32x256xi32>
        %or3A_552 = arith.ori %shift_left3A_548, %shift_right_logical3A_551 : vector<32x256xi32>
        %xor3A_553 = arith.xori %or3A_552, %add3A_545 : vector<32x256xi32>
        %add3A_554 = arith.addi %add3A_545, %xor3A_553 : vector<32x256xi32>
        %shift_left3A_555 = arith.constant 26 : i32
        %shift_left3A_556 = vector.broadcast %shift_left3A_555 : i32 to vector<32x256xi32>
        %shift_left3A_557 = arith.shli %xor3A_553, %shift_left3A_556 : vector<32x256xi32>
        %broadcast_in_dim3A_558 = arith.constant 6 : i32
        %broadcast_in_dim3A_559 = vector.broadcast %broadcast_in_dim3A_558 : i32 to vector<32x256xi32>
        %shift_right_logical3A_560 = arith.shrui %xor3A_553, %broadcast_in_dim3A_559 : vector<32x256xi32>
        %or3A_561 = arith.ori %shift_left3A_557, %shift_right_logical3A_560 : vector<32x256xi32>
        %xor3A_562 = arith.xori %or3A_561, %add3A_554 : vector<32x256xi32>
        %add3A_563 = arith.addi %add3A_554, %xor3A_562 : vector<32x256xi32>
        %shift_left3A_564 = arith.constant 6 : i32
        %shift_left3A_565 = vector.broadcast %shift_left3A_564 : i32 to vector<32x256xi32>
        %shift_left3A_566 = arith.shli %xor3A_562, %shift_left3A_565 : vector<32x256xi32>
        %broadcast_in_dim3A_567 = arith.constant 26 : i32
        %broadcast_in_dim3A_568 = vector.broadcast %broadcast_in_dim3A_567 : i32 to vector<32x256xi32>
        %shift_right_logical3A_569 = arith.shrui %xor3A_562, %broadcast_in_dim3A_568 : vector<32x256xi32>
        %or3A_570 = arith.ori %shift_left3A_566, %shift_right_logical3A_569 : vector<32x256xi32>
        %xor3A_571 = arith.xori %or3A_570, %add3A_563 : vector<32x256xi32>
        %add3A_572 = arith.constant 12345 : i32
        %add3A_573 = vector.broadcast %add3A_572 : i32 to vector<32x256xi32>
        %add3A_574 = arith.addi %add3A_563, %add3A_573 : vector<32x256xi32>
        %add3A_575 = arith.constant 466693092 : i32
        %add3A_576 = vector.broadcast %add3A_575 : i32 to vector<32x256xi32>
        %add3A_577 = arith.addi %xor3A_571, %add3A_576 : vector<32x256xi32>
        %add3A_578 = arith.addi %add3A_574, %add3A_577 : vector<32x256xi32>
        %shift_left3A_579 = arith.constant 17 : i32
        %shift_left3A_580 = vector.broadcast %shift_left3A_579 : i32 to vector<32x256xi32>
        %shift_left3A_581 = arith.shli %add3A_577, %shift_left3A_580 : vector<32x256xi32>
        %broadcast_in_dim3A_582 = arith.constant 15 : i32
        %broadcast_in_dim3A_583 = vector.broadcast %broadcast_in_dim3A_582 : i32 to vector<32x256xi32>
        %shift_right_logical3A_584 = arith.shrui %add3A_577, %broadcast_in_dim3A_583 : vector<32x256xi32>
        %or3A_585 = arith.ori %shift_left3A_581, %shift_right_logical3A_584 : vector<32x256xi32>
        %xor3A_586 = arith.xori %or3A_585, %add3A_578 : vector<32x256xi32>
        %add3A_587 = arith.addi %add3A_578, %xor3A_586 : vector<32x256xi32>
        %shift_left3A_588 = arith.constant 29 : i32
        %shift_left3A_589 = vector.broadcast %shift_left3A_588 : i32 to vector<32x256xi32>
        %shift_left3A_590 = arith.shli %xor3A_586, %shift_left3A_589 : vector<32x256xi32>
        %broadcast_in_dim3A_591 = arith.constant 3 : i32
        %broadcast_in_dim3A_592 = vector.broadcast %broadcast_in_dim3A_591 : i32 to vector<32x256xi32>
        %shift_right_logical3A_593 = arith.shrui %xor3A_586, %broadcast_in_dim3A_592 : vector<32x256xi32>
        %or3A_594 = arith.ori %shift_left3A_590, %shift_right_logical3A_593 : vector<32x256xi32>
        %xor3A_595 = arith.xori %or3A_594, %add3A_587 : vector<32x256xi32>
        %add3A_596 = arith.addi %add3A_587, %xor3A_595 : vector<32x256xi32>
        %shift_left3A_597 = arith.constant 16 : i32
        %shift_left3A_598 = vector.broadcast %shift_left3A_597 : i32 to vector<32x256xi32>
        %shift_left3A_599 = arith.shli %xor3A_595, %shift_left3A_598 : vector<32x256xi32>
        %broadcast_in_dim3A_600 = arith.constant 16 : i32
        %broadcast_in_dim3A_601 = vector.broadcast %broadcast_in_dim3A_600 : i32 to vector<32x256xi32>
        %shift_right_logical3A_602 = arith.shrui %xor3A_595, %broadcast_in_dim3A_601 : vector<32x256xi32>
        %or3A_603 = arith.ori %shift_left3A_599, %shift_right_logical3A_602 : vector<32x256xi32>
        %xor3A_604 = arith.xori %or3A_603, %add3A_596 : vector<32x256xi32>
        %add3A_605 = arith.addi %add3A_596, %xor3A_604 : vector<32x256xi32>
        %shift_left3A_606 = arith.constant 24 : i32
        %shift_left3A_607 = vector.broadcast %shift_left3A_606 : i32 to vector<32x256xi32>
        %shift_left3A_608 = arith.shli %xor3A_604, %shift_left3A_607 : vector<32x256xi32>
        %broadcast_in_dim3A_609 = arith.constant 8 : i32
        %broadcast_in_dim3A_610 = vector.broadcast %broadcast_in_dim3A_609 : i32 to vector<32x256xi32>
        %shift_right_logical3A_611 = arith.shrui %xor3A_604, %broadcast_in_dim3A_610 : vector<32x256xi32>
        %or3A_612 = arith.ori %shift_left3A_608, %shift_right_logical3A_611 : vector<32x256xi32>
        %xor3A_613 = arith.xori %or3A_612, %add3A_605 : vector<32x256xi32>
        %add3A_614 = arith.constant 466693091 : i32
        %add3A_615 = vector.broadcast %add3A_614 : i32 to vector<32x256xi32>
        %add3A_616 = arith.addi %add3A_605, %add3A_615 : vector<32x256xi32>
        %add3A_617 = arith.constant 2 : i32
        %add3A_618 = vector.broadcast %add3A_617 : i32 to vector<32x256xi32>
        %add3A_619 = arith.addi %xor3A_613, %add3A_618 : vector<32x256xi32>
        %add3A_620 = arith.addi %add3A_616, %add3A_619 : vector<32x256xi32>
        %shift_left3A_621 = arith.constant 13 : i32
        %shift_left3A_622 = vector.broadcast %shift_left3A_621 : i32 to vector<32x256xi32>
        %shift_left3A_623 = arith.shli %add3A_619, %shift_left3A_622 : vector<32x256xi32>
        %broadcast_in_dim3A_624 = arith.constant 19 : i32
        %broadcast_in_dim3A_625 = vector.broadcast %broadcast_in_dim3A_624 : i32 to vector<32x256xi32>
        %shift_right_logical3A_626 = arith.shrui %add3A_619, %broadcast_in_dim3A_625 : vector<32x256xi32>
        %or3A_627 = arith.ori %shift_left3A_623, %shift_right_logical3A_626 : vector<32x256xi32>
        %xor3A_628 = arith.xori %or3A_627, %add3A_620 : vector<32x256xi32>
        %add3A_629 = arith.addi %add3A_620, %xor3A_628 : vector<32x256xi32>
        %shift_left3A_630 = arith.constant 15 : i32
        %shift_left3A_631 = vector.broadcast %shift_left3A_630 : i32 to vector<32x256xi32>
        %shift_left3A_632 = arith.shli %xor3A_628, %shift_left3A_631 : vector<32x256xi32>
        %broadcast_in_dim3A_633 = arith.constant 17 : i32
        %broadcast_in_dim3A_634 = vector.broadcast %broadcast_in_dim3A_633 : i32 to vector<32x256xi32>
        %shift_right_logical3A_635 = arith.shrui %xor3A_628, %broadcast_in_dim3A_634 : vector<32x256xi32>
        %or3A_636 = arith.ori %shift_left3A_632, %shift_right_logical3A_635 : vector<32x256xi32>
        %xor3A_637 = arith.xori %or3A_636, %add3A_629 : vector<32x256xi32>
        %add3A_638 = arith.addi %add3A_629, %xor3A_637 : vector<32x256xi32>
        %shift_left3A_639 = arith.constant 26 : i32
        %shift_left3A_640 = vector.broadcast %shift_left3A_639 : i32 to vector<32x256xi32>
        %shift_left3A_641 = arith.shli %xor3A_637, %shift_left3A_640 : vector<32x256xi32>
        %broadcast_in_dim3A_642 = arith.constant 6 : i32
        %broadcast_in_dim3A_643 = vector.broadcast %broadcast_in_dim3A_642 : i32 to vector<32x256xi32>
        %shift_right_logical3A_644 = arith.shrui %xor3A_637, %broadcast_in_dim3A_643 : vector<32x256xi32>
        %or3A_645 = arith.ori %shift_left3A_641, %shift_right_logical3A_644 : vector<32x256xi32>
        %xor3A_646 = arith.xori %or3A_645, %add3A_638 : vector<32x256xi32>
        %add3A_647 = arith.addi %add3A_638, %xor3A_646 : vector<32x256xi32>
        %shift_left3A_648 = arith.constant 6 : i32
        %shift_left3A_649 = vector.broadcast %shift_left3A_648 : i32 to vector<32x256xi32>
        %shift_left3A_650 = arith.shli %xor3A_646, %shift_left3A_649 : vector<32x256xi32>
        %broadcast_in_dim3A_651 = arith.constant 26 : i32
        %broadcast_in_dim3A_652 = vector.broadcast %broadcast_in_dim3A_651 : i32 to vector<32x256xi32>
        %shift_right_logical3A_653 = arith.shrui %xor3A_646, %broadcast_in_dim3A_652 : vector<32x256xi32>
        %or3A_654 = arith.ori %shift_left3A_650, %shift_right_logical3A_653 : vector<32x256xi32>
        %xor3A_655 = arith.xori %or3A_654, %add3A_647 : vector<32x256xi32>
        %add3A_656 = arith.constant 0 : i32
        %add3A_657 = vector.broadcast %add3A_656 : i32 to vector<32x256xi32>
        %add3A_658 = arith.addi %add3A_647, %add3A_657 : vector<32x256xi32>
        %add3A_659 = arith.constant 12348 : i32
        %add3A_660 = vector.broadcast %add3A_659 : i32 to vector<32x256xi32>
        %add3A_661 = arith.addi %xor3A_655, %add3A_660 : vector<32x256xi32>
        %add3A_662 = arith.addi %add3A_658, %add3A_661 : vector<32x256xi32>
        %shift_left3A_663 = arith.constant 17 : i32
        %shift_left3A_664 = vector.broadcast %shift_left3A_663 : i32 to vector<32x256xi32>
        %shift_left3A_665 = arith.shli %add3A_661, %shift_left3A_664 : vector<32x256xi32>
        %broadcast_in_dim3A_666 = arith.constant 15 : i32
        %broadcast_in_dim3A_667 = vector.broadcast %broadcast_in_dim3A_666 : i32 to vector<32x256xi32>
        %shift_right_logical3A_668 = arith.shrui %add3A_661, %broadcast_in_dim3A_667 : vector<32x256xi32>
        %or3A_669 = arith.ori %shift_left3A_665, %shift_right_logical3A_668 : vector<32x256xi32>
        %xor3A_670 = arith.xori %or3A_669, %add3A_662 : vector<32x256xi32>
        %add3A_671 = arith.addi %add3A_662, %xor3A_670 : vector<32x256xi32>
        %shift_left3A_672 = arith.constant 29 : i32
        %shift_left3A_673 = vector.broadcast %shift_left3A_672 : i32 to vector<32x256xi32>
        %shift_left3A_674 = arith.shli %xor3A_670, %shift_left3A_673 : vector<32x256xi32>
        %broadcast_in_dim3A_675 = arith.constant 3 : i32
        %broadcast_in_dim3A_676 = vector.broadcast %broadcast_in_dim3A_675 : i32 to vector<32x256xi32>
        %shift_right_logical3A_677 = arith.shrui %xor3A_670, %broadcast_in_dim3A_676 : vector<32x256xi32>
        %or3A_678 = arith.ori %shift_left3A_674, %shift_right_logical3A_677 : vector<32x256xi32>
        %xor3A_679 = arith.xori %or3A_678, %add3A_671 : vector<32x256xi32>
        %add3A_680 = arith.addi %add3A_671, %xor3A_679 : vector<32x256xi32>
        %shift_left3A_681 = arith.constant 16 : i32
        %shift_left3A_682 = vector.broadcast %shift_left3A_681 : i32 to vector<32x256xi32>
        %shift_left3A_683 = arith.shli %xor3A_679, %shift_left3A_682 : vector<32x256xi32>
        %broadcast_in_dim3A_684 = arith.constant 16 : i32
        %broadcast_in_dim3A_685 = vector.broadcast %broadcast_in_dim3A_684 : i32 to vector<32x256xi32>
        %shift_right_logical3A_686 = arith.shrui %xor3A_679, %broadcast_in_dim3A_685 : vector<32x256xi32>
        %or3A_687 = arith.ori %shift_left3A_683, %shift_right_logical3A_686 : vector<32x256xi32>
        %xor3A_688 = arith.xori %or3A_687, %add3A_680 : vector<32x256xi32>
        %add3A_689 = arith.addi %add3A_680, %xor3A_688 : vector<32x256xi32>
        %shift_left3A_690 = arith.constant 24 : i32
        %shift_left3A_691 = vector.broadcast %shift_left3A_690 : i32 to vector<32x256xi32>
        %shift_left3A_692 = arith.shli %xor3A_688, %shift_left3A_691 : vector<32x256xi32>
        %broadcast_in_dim3A_693 = arith.constant 8 : i32
        %broadcast_in_dim3A_694 = vector.broadcast %broadcast_in_dim3A_693 : i32 to vector<32x256xi32>
        %shift_right_logical3A_695 = arith.shrui %xor3A_688, %broadcast_in_dim3A_694 : vector<32x256xi32>
        %or3A_696 = arith.ori %shift_left3A_692, %shift_right_logical3A_695 : vector<32x256xi32>
        %xor3A_697 = arith.xori %or3A_696, %add3A_689 : vector<32x256xi32>
        %add3A_698 = arith.constant 12345 : i32
        %add3A_699 = vector.broadcast %add3A_698 : i32 to vector<32x256xi32>
        %add3A_700 = arith.addi %add3A_689, %add3A_699 : vector<32x256xi32>
        %add3A_701 = arith.constant 466693095 : i32
        %add3A_702 = vector.broadcast %add3A_701 : i32 to vector<32x256xi32>
        %add3A_703 = arith.addi %xor3A_697, %add3A_702 : vector<32x256xi32>
        %add3A_704 = arith.addi %add3A_700, %add3A_703 : vector<32x256xi32>
        %shift_left3A_705 = arith.constant 13 : i32
        %shift_left3A_706 = vector.broadcast %shift_left3A_705 : i32 to vector<32x256xi32>
        %shift_left3A_707 = arith.shli %add3A_703, %shift_left3A_706 : vector<32x256xi32>
        %broadcast_in_dim3A_708 = arith.constant 19 : i32
        %broadcast_in_dim3A_709 = vector.broadcast %broadcast_in_dim3A_708 : i32 to vector<32x256xi32>
        %shift_right_logical3A_710 = arith.shrui %add3A_703, %broadcast_in_dim3A_709 : vector<32x256xi32>
        %or3A_711 = arith.ori %shift_left3A_707, %shift_right_logical3A_710 : vector<32x256xi32>
        %xor3A_712 = arith.xori %or3A_711, %add3A_704 : vector<32x256xi32>
        %add3A_713 = arith.addi %add3A_704, %xor3A_712 : vector<32x256xi32>
        %shift_left3A_714 = arith.constant 15 : i32
        %shift_left3A_715 = vector.broadcast %shift_left3A_714 : i32 to vector<32x256xi32>
        %shift_left3A_716 = arith.shli %xor3A_712, %shift_left3A_715 : vector<32x256xi32>
        %broadcast_in_dim3A_717 = arith.constant 17 : i32
        %broadcast_in_dim3A_718 = vector.broadcast %broadcast_in_dim3A_717 : i32 to vector<32x256xi32>
        %shift_right_logical3A_719 = arith.shrui %xor3A_712, %broadcast_in_dim3A_718 : vector<32x256xi32>
        %or3A_720 = arith.ori %shift_left3A_716, %shift_right_logical3A_719 : vector<32x256xi32>
        %xor3A_721 = arith.xori %or3A_720, %add3A_713 : vector<32x256xi32>
        %add3A_722 = arith.addi %add3A_713, %xor3A_721 : vector<32x256xi32>
        %shift_left3A_723 = arith.constant 26 : i32
        %shift_left3A_724 = vector.broadcast %shift_left3A_723 : i32 to vector<32x256xi32>
        %shift_left3A_725 = arith.shli %xor3A_721, %shift_left3A_724 : vector<32x256xi32>
        %broadcast_in_dim3A_726 = arith.constant 6 : i32
        %broadcast_in_dim3A_727 = vector.broadcast %broadcast_in_dim3A_726 : i32 to vector<32x256xi32>
        %shift_right_logical3A_728 = arith.shrui %xor3A_721, %broadcast_in_dim3A_727 : vector<32x256xi32>
        %or3A_729 = arith.ori %shift_left3A_725, %shift_right_logical3A_728 : vector<32x256xi32>
        %xor3A_730 = arith.xori %or3A_729, %add3A_722 : vector<32x256xi32>
        %add3A_731 = arith.addi %add3A_722, %xor3A_730 : vector<32x256xi32>
        %shift_left3A_732 = arith.constant 6 : i32
        %shift_left3A_733 = vector.broadcast %shift_left3A_732 : i32 to vector<32x256xi32>
        %shift_left3A_734 = arith.shli %xor3A_730, %shift_left3A_733 : vector<32x256xi32>
        %broadcast_in_dim3A_735 = arith.constant 26 : i32
        %broadcast_in_dim3A_736 = vector.broadcast %broadcast_in_dim3A_735 : i32 to vector<32x256xi32>
        %shift_right_logical3A_737 = arith.shrui %xor3A_730, %broadcast_in_dim3A_736 : vector<32x256xi32>
        %or3A_738 = arith.ori %shift_left3A_734, %shift_right_logical3A_737 : vector<32x256xi32>
        %xor3A_739 = arith.xori %or3A_738, %add3A_731 : vector<32x256xi32>
        %add3A_740 = arith.constant 466693091 : i32
        %add3A_741 = vector.broadcast %add3A_740 : i32 to vector<32x256xi32>
        %add3A_742 = arith.addi %add3A_731, %add3A_741 : vector<32x256xi32>
        %add3A_743 = arith.constant 5 : i32
        %add3A_744 = vector.broadcast %add3A_743 : i32 to vector<32x256xi32>
        %add3A_745 = arith.addi %xor3A_739, %add3A_744 : vector<32x256xi32>
        %xor3A_746 = arith.xori %add3A_742, %add3A_745 : vector<32x256xi32>
        %broadcast_in_dim3A_747 = arith.constant 9 : i32
        %broadcast_in_dim3A_748 = vector.broadcast %broadcast_in_dim3A_747 : i32 to vector<32x256xi32>
        %shift_right_logical3A_749 = arith.shrui %xor3A_746, %broadcast_in_dim3A_748 : vector<32x256xi32>
        %or3A_750 = arith.constant 1065353216 : i32
        %or3A_751 = vector.broadcast %or3A_750 : i32 to vector<32x256xi32>
        %or3A_752 = arith.ori %shift_right_logical3A_749, %or3A_751 : vector<32x256xi32>
        %bitcast_convert_type3A = tpu.bitcast %or3A_752 : vector<32x256xi32> -> vector<32x256xf32>
        %sub3A_753 = arith.constant 1.000000e+00 : f32
        %sub3A_754 = vector.broadcast %sub3A_753 : f32 to vector<32x256xf32>
        %sub3A_755 = arith.subf %bitcast_convert_type3A, %sub3A_754 : vector<32x256xf32>
        %max3A_756 = arith.constant 1.17549435E-38 : f32
        %max3A_757 = vector.broadcast %max3A_756 : f32 to vector<32x256xf32>
        %max3A_758 = arith.maximumf %sub3A_755, %max3A_757 : vector<32x256xf32>
        %log3A_759 = math.log %max3A_758 : vector<32x256xf32>
        %neg3A_760 = arith.constant 0.000000e+00 : f32
        %neg3A_761 = vector.broadcast %neg3A_760 : f32 to vector<32x256xf32>
        %neg3A_762 = arith.subf %neg3A_761, %log3A_759 : vector<32x256xf32>
        %mul3A_763 = arith.constant 256 : i32
        %mul3A_764 = arith.muli %scan3A_527, %mul3A_763 : i32
        %get3A_765 = arith.constant 0 : index
        %get3A_766 = arith.index_cast %mul3A_764 : i32 to index
        %get3A_767 = vector.load %arg7[%get3A_765, %get3A_766] : memref<32x8192xf32, #tpu.memory_space<vmem>>, vector<32x256xf32>
        %mul3A_768 = arith.mulf %neg3A_762, %get3A_767 : vector<32x256xf32>
        %lt3A_769 = arith.cmpf olt, %mul3A_768, %scan3A_528 : vector<32x256xf32>
        %select_n3A_770 = arith.select %lt3A_769, %mul3A_768, %scan3A_528 : vector<32x256xi1>, vector<32x256xf32>
        %broadcast_in_dim3A_771 = vector.broadcast %scan3A_527 : i32 to vector<32x256xi32>
        %select_n3A_772 = arith.select %lt3A_769, %broadcast_in_dim3A_771, %scan3A_529 : vector<32x256xi1>, vector<32x256xi32>
        %scan3A_773 = arith.constant 1 : i32
        %scan3A_774 = arith.addi %scan3A_527, %scan3A_773 : i32
        %mul3A_775 = arith.constant 256 : i32
        %mul3A_776 = arith.muli %scan3A_774, %mul3A_775 : i32
        %add3A_777 = vector.broadcast %mul3A_776 : i32 to vector<32x256xi32>
        %add3A_778 = arith.addi %add3A_471, %add3A_777 : vector<32x256xi32>
        %add3A_779 = arith.addi %add3A_778, %iota3A : vector<32x256xi32>
        %broadcast_in_dim3A_780 = arith.constant 0 : i32
        %broadcast_in_dim3A_781 = vector.broadcast %broadcast_in_dim3A_780 : i32 to vector<32x256xi32>
        %add3A_782 = arith.constant 12345 : i32
        %add3A_783 = vector.broadcast %add3A_782 : i32 to vector<32x256xi32>
        %add3A_784 = arith.addi %add3A_779, %add3A_783 : vector<32x256xi32>
        %add3A_785 = arith.addi %broadcast_in_dim3A_781, %add3A_784 : vector<32x256xi32>
        %shift_left3A_786 = arith.constant 13 : i32
        %shift_left3A_787 = vector.broadcast %shift_left3A_786 : i32 to vector<32x256xi32>
        %shift_left3A_788 = arith.shli %add3A_784, %shift_left3A_787 : vector<32x256xi32>
        %broadcast_in_dim3A_789 = arith.constant 19 : i32
        %broadcast_in_dim3A_790 = vector.broadcast %broadcast_in_dim3A_789 : i32 to vector<32x256xi32>
        %shift_right_logical3A_791 = arith.shrui %add3A_784, %broadcast_in_dim3A_790 : vector<32x256xi32>
        %or3A_792 = arith.ori %shift_left3A_788, %shift_right_logical3A_791 : vector<32x256xi32>
        %xor3A_793 = arith.xori %or3A_792, %add3A_785 : vector<32x256xi32>
        %add3A_794 = arith.addi %add3A_785, %xor3A_793 : vector<32x256xi32>
        %shift_left3A_795 = arith.constant 15 : i32
        %shift_left3A_796 = vector.broadcast %shift_left3A_795 : i32 to vector<32x256xi32>
        %shift_left3A_797 = arith.shli %xor3A_793, %shift_left3A_796 : vector<32x256xi32>
        %broadcast_in_dim3A_798 = arith.constant 17 : i32
        %broadcast_in_dim3A_799 = vector.broadcast %broadcast_in_dim3A_798 : i32 to vector<32x256xi32>
        %shift_right_logical3A_800 = arith.shrui %xor3A_793, %broadcast_in_dim3A_799 : vector<32x256xi32>
        %or3A_801 = arith.ori %shift_left3A_797, %shift_right_logical3A_800 : vector<32x256xi32>
        %xor3A_802 = arith.xori %or3A_801, %add3A_794 : vector<32x256xi32>
        %add3A_803 = arith.addi %add3A_794, %xor3A_802 : vector<32x256xi32>
        %shift_left3A_804 = arith.constant 26 : i32
        %shift_left3A_805 = vector.broadcast %shift_left3A_804 : i32 to vector<32x256xi32>
        %shift_left3A_806 = arith.shli %xor3A_802, %shift_left3A_805 : vector<32x256xi32>
        %broadcast_in_dim3A_807 = arith.constant 6 : i32
        %broadcast_in_dim3A_808 = vector.broadcast %broadcast_in_dim3A_807 : i32 to vector<32x256xi32>
        %shift_right_logical3A_809 = arith.shrui %xor3A_802, %broadcast_in_dim3A_808 : vector<32x256xi32>
        %or3A_810 = arith.ori %shift_left3A_806, %shift_right_logical3A_809 : vector<32x256xi32>
        %xor3A_811 = arith.xori %or3A_810, %add3A_803 : vector<32x256xi32>
        %add3A_812 = arith.addi %add3A_803, %xor3A_811 : vector<32x256xi32>
        %shift_left3A_813 = arith.constant 6 : i32
        %shift_left3A_814 = vector.broadcast %shift_left3A_813 : i32 to vector<32x256xi32>
        %shift_left3A_815 = arith.shli %xor3A_811, %shift_left3A_814 : vector<32x256xi32>
        %broadcast_in_dim3A_816 = arith.constant 26 : i32
        %broadcast_in_dim3A_817 = vector.broadcast %broadcast_in_dim3A_816 : i32 to vector<32x256xi32>
        %shift_right_logical3A_818 = arith.shrui %xor3A_811, %broadcast_in_dim3A_817 : vector<32x256xi32>
        %or3A_819 = arith.ori %shift_left3A_815, %shift_right_logical3A_818 : vector<32x256xi32>
        %xor3A_820 = arith.xori %or3A_819, %add3A_812 : vector<32x256xi32>
        %add3A_821 = arith.constant 12345 : i32
        %add3A_822 = vector.broadcast %add3A_821 : i32 to vector<32x256xi32>
        %add3A_823 = arith.addi %add3A_812, %add3A_822 : vector<32x256xi32>
        %add3A_824 = arith.constant 466693092 : i32
        %add3A_825 = vector.broadcast %add3A_824 : i32 to vector<32x256xi32>
        %add3A_826 = arith.addi %xor3A_820, %add3A_825 : vector<32x256xi32>
        %add3A_827 = arith.addi %add3A_823, %add3A_826 : vector<32x256xi32>
        %shift_left3A_828 = arith.constant 17 : i32
        %shift_left3A_829 = vector.broadcast %shift_left3A_828 : i32 to vector<32x256xi32>
        %shift_left3A_830 = arith.shli %add3A_826, %shift_left3A_829 : vector<32x256xi32>
        %broadcast_in_dim3A_831 = arith.constant 15 : i32
        %broadcast_in_dim3A_832 = vector.broadcast %broadcast_in_dim3A_831 : i32 to vector<32x256xi32>
        %shift_right_logical3A_833 = arith.shrui %add3A_826, %broadcast_in_dim3A_832 : vector<32x256xi32>
        %or3A_834 = arith.ori %shift_left3A_830, %shift_right_logical3A_833 : vector<32x256xi32>
        %xor3A_835 = arith.xori %or3A_834, %add3A_827 : vector<32x256xi32>
        %add3A_836 = arith.addi %add3A_827, %xor3A_835 : vector<32x256xi32>
        %shift_left3A_837 = arith.constant 29 : i32
        %shift_left3A_838 = vector.broadcast %shift_left3A_837 : i32 to vector<32x256xi32>
        %shift_left3A_839 = arith.shli %xor3A_835, %shift_left3A_838 : vector<32x256xi32>
        %broadcast_in_dim3A_840 = arith.constant 3 : i32
        %broadcast_in_dim3A_841 = vector.broadcast %broadcast_in_dim3A_840 : i32 to vector<32x256xi32>
        %shift_right_logical3A_842 = arith.shrui %xor3A_835, %broadcast_in_dim3A_841 : vector<32x256xi32>
        %or3A_843 = arith.ori %shift_left3A_839, %shift_right_logical3A_842 : vector<32x256xi32>
        %xor3A_844 = arith.xori %or3A_843, %add3A_836 : vector<32x256xi32>
        %add3A_845 = arith.addi %add3A_836, %xor3A_844 : vector<32x256xi32>
        %shift_left3A_846 = arith.constant 16 : i32
        %shift_left3A_847 = vector.broadcast %shift_left3A_846 : i32 to vector<32x256xi32>
        %shift_left3A_848 = arith.shli %xor3A_844, %shift_left3A_847 : vector<32x256xi32>
        %broadcast_in_dim3A_849 = arith.constant 16 : i32
        %broadcast_in_dim3A_850 = vector.broadcast %broadcast_in_dim3A_849 : i32 to vector<32x256xi32>
        %shift_right_logical3A_851 = arith.shrui %xor3A_844, %broadcast_in_dim3A_850 : vector<32x256xi32>
        %or3A_852 = arith.ori %shift_left3A_848, %shift_right_logical3A_851 : vector<32x256xi32>
        %xor3A_853 = arith.xori %or3A_852, %add3A_845 : vector<32x256xi32>
        %add3A_854 = arith.addi %add3A_845, %xor3A_853 : vector<32x256xi32>
        %shift_left3A_855 = arith.constant 24 : i32
        %shift_left3A_856 = vector.broadcast %shift_left3A_855 : i32 to vector<32x256xi32>
        %shift_left3A_857 = arith.shli %xor3A_853, %shift_left3A_856 : vector<32x256xi32>
        %broadcast_in_dim3A_858 = arith.constant 8 : i32
        %broadcast_in_dim3A_859 = vector.broadcast %broadcast_in_dim3A_858 : i32 to vector<32x256xi32>
        %shift_right_logical3A_860 = arith.shrui %xor3A_853, %broadcast_in_dim3A_859 : vector<32x256xi32>
        %or3A_861 = arith.ori %shift_left3A_857, %shift_right_logical3A_860 : vector<32x256xi32>
        %xor3A_862 = arith.xori %or3A_861, %add3A_854 : vector<32x256xi32>
        %add3A_863 = arith.constant 466693091 : i32
        %add3A_864 = vector.broadcast %add3A_863 : i32 to vector<32x256xi32>
        %add3A_865 = arith.addi %add3A_854, %add3A_864 : vector<32x256xi32>
        %add3A_866 = arith.constant 2 : i32
        %add3A_867 = vector.broadcast %add3A_866 : i32 to vector<32x256xi32>
        %add3A_868 = arith.addi %xor3A_862, %add3A_867 : vector<32x256xi32>
        %add3A_869 = arith.addi %add3A_865, %add3A_868 : vector<32x256xi32>
        %shift_left3A_870 = arith.constant 13 : i32
        %shift_left3A_871 = vector.broadcast %shift_left3A_870 : i32 to vector<32x256xi32>
        %shift_left3A_872 = arith.shli %add3A_868, %shift_left3A_871 : vector<32x256xi32>
        %broadcast_in_dim3A_873 = arith.constant 19 : i32
        %broadcast_in_dim3A_874 = vector.broadcast %broadcast_in_dim3A_873 : i32 to vector<32x256xi32>
        %shift_right_logical3A_875 = arith.shrui %add3A_868, %broadcast_in_dim3A_874 : vector<32x256xi32>
        %or3A_876 = arith.ori %shift_left3A_872, %shift_right_logical3A_875 : vector<32x256xi32>
        %xor3A_877 = arith.xori %or3A_876, %add3A_869 : vector<32x256xi32>
        %add3A_878 = arith.addi %add3A_869, %xor3A_877 : vector<32x256xi32>
        %shift_left3A_879 = arith.constant 15 : i32
        %shift_left3A_880 = vector.broadcast %shift_left3A_879 : i32 to vector<32x256xi32>
        %shift_left3A_881 = arith.shli %xor3A_877, %shift_left3A_880 : vector<32x256xi32>
        %broadcast_in_dim3A_882 = arith.constant 17 : i32
        %broadcast_in_dim3A_883 = vector.broadcast %broadcast_in_dim3A_882 : i32 to vector<32x256xi32>
        %shift_right_logical3A_884 = arith.shrui %xor3A_877, %broadcast_in_dim3A_883 : vector<32x256xi32>
        %or3A_885 = arith.ori %shift_left3A_881, %shift_right_logical3A_884 : vector<32x256xi32>
        %xor3A_886 = arith.xori %or3A_885, %add3A_878 : vector<32x256xi32>
        %add3A_887 = arith.addi %add3A_878, %xor3A_886 : vector<32x256xi32>
        %shift_left3A_888 = arith.constant 26 : i32
        %shift_left3A_889 = vector.broadcast %shift_left3A_888 : i32 to vector<32x256xi32>
        %shift_left3A_890 = arith.shli %xor3A_886, %shift_left3A_889 : vector<32x256xi32>
        %broadcast_in_dim3A_891 = arith.constant 6 : i32
        %broadcast_in_dim3A_892 = vector.broadcast %broadcast_in_dim3A_891 : i32 to vector<32x256xi32>
        %shift_right_logical3A_893 = arith.shrui %xor3A_886, %broadcast_in_dim3A_892 : vector<32x256xi32>
        %or3A_894 = arith.ori %shift_left3A_890, %shift_right_logical3A_893 : vector<32x256xi32>
        %xor3A_895 = arith.xori %or3A_894, %add3A_887 : vector<32x256xi32>
        %add3A_896 = arith.addi %add3A_887, %xor3A_895 : vector<32x256xi32>
        %shift_left3A_897 = arith.constant 6 : i32
        %shift_left3A_898 = vector.broadcast %shift_left3A_897 : i32 to vector<32x256xi32>
        %shift_left3A_899 = arith.shli %xor3A_895, %shift_left3A_898 : vector<32x256xi32>
        %broadcast_in_dim3A_900 = arith.constant 26 : i32
        %broadcast_in_dim3A_901 = vector.broadcast %broadcast_in_dim3A_900 : i32 to vector<32x256xi32>
        %shift_right_logical3A_902 = arith.shrui %xor3A_895, %broadcast_in_dim3A_901 : vector<32x256xi32>
        %or3A_903 = arith.ori %shift_left3A_899, %shift_right_logical3A_902 : vector<32x256xi32>
        %xor3A_904 = arith.xori %or3A_903, %add3A_896 : vector<32x256xi32>
        %add3A_905 = arith.constant 0 : i32
        %add3A_906 = vector.broadcast %add3A_905 : i32 to vector<32x256xi32>
        %add3A_907 = arith.addi %add3A_896, %add3A_906 : vector<32x256xi32>
        %add3A_908 = arith.constant 12348 : i32
        %add3A_909 = vector.broadcast %add3A_908 : i32 to vector<32x256xi32>
        %add3A_910 = arith.addi %xor3A_904, %add3A_909 : vector<32x256xi32>
        %add3A_911 = arith.addi %add3A_907, %add3A_910 : vector<32x256xi32>
        %shift_left3A_912 = arith.constant 17 : i32
        %shift_left3A_913 = vector.broadcast %shift_left3A_912 : i32 to vector<32x256xi32>
        %shift_left3A_914 = arith.shli %add3A_910, %shift_left3A_913 : vector<32x256xi32>
        %broadcast_in_dim3A_915 = arith.constant 15 : i32
        %broadcast_in_dim3A_916 = vector.broadcast %broadcast_in_dim3A_915 : i32 to vector<32x256xi32>
        %shift_right_logical3A_917 = arith.shrui %add3A_910, %broadcast_in_dim3A_916 : vector<32x256xi32>
        %or3A_918 = arith.ori %shift_left3A_914, %shift_right_logical3A_917 : vector<32x256xi32>
        %xor3A_919 = arith.xori %or3A_918, %add3A_911 : vector<32x256xi32>
        %add3A_920 = arith.addi %add3A_911, %xor3A_919 : vector<32x256xi32>
        %shift_left3A_921 = arith.constant 29 : i32
        %shift_left3A_922 = vector.broadcast %shift_left3A_921 : i32 to vector<32x256xi32>
        %shift_left3A_923 = arith.shli %xor3A_919, %shift_left3A_922 : vector<32x256xi32>
        %broadcast_in_dim3A_924 = arith.constant 3 : i32
        %broadcast_in_dim3A_925 = vector.broadcast %broadcast_in_dim3A_924 : i32 to vector<32x256xi32>
        %shift_right_logical3A_926 = arith.shrui %xor3A_919, %broadcast_in_dim3A_925 : vector<32x256xi32>
        %or3A_927 = arith.ori %shift_left3A_923, %shift_right_logical3A_926 : vector<32x256xi32>
        %xor3A_928 = arith.xori %or3A_927, %add3A_920 : vector<32x256xi32>
        %add3A_929 = arith.addi %add3A_920, %xor3A_928 : vector<32x256xi32>
        %shift_left3A_930 = arith.constant 16 : i32
        %shift_left3A_931 = vector.broadcast %shift_left3A_930 : i32 to vector<32x256xi32>
        %shift_left3A_932 = arith.shli %xor3A_928, %shift_left3A_931 : vector<32x256xi32>
        %broadcast_in_dim3A_933 = arith.constant 16 : i32
        %broadcast_in_dim3A_934 = vector.broadcast %broadcast_in_dim3A_933 : i32 to vector<32x256xi32>
        %shift_right_logical3A_935 = arith.shrui %xor3A_928, %broadcast_in_dim3A_934 : vector<32x256xi32>
        %or3A_936 = arith.ori %shift_left3A_932, %shift_right_logical3A_935 : vector<32x256xi32>
        %xor3A_937 = arith.xori %or3A_936, %add3A_929 : vector<32x256xi32>
        %add3A_938 = arith.addi %add3A_929, %xor3A_937 : vector<32x256xi32>
        %shift_left3A_939 = arith.constant 24 : i32
        %shift_left3A_940 = vector.broadcast %shift_left3A_939 : i32 to vector<32x256xi32>
        %shift_left3A_941 = arith.shli %xor3A_937, %shift_left3A_940 : vector<32x256xi32>
        %broadcast_in_dim3A_942 = arith.constant 8 : i32
        %broadcast_in_dim3A_943 = vector.broadcast %broadcast_in_dim3A_942 : i32 to vector<32x256xi32>
        %shift_right_logical3A_944 = arith.shrui %xor3A_937, %broadcast_in_dim3A_943 : vector<32x256xi32>
        %or3A_945 = arith.ori %shift_left3A_941, %shift_right_logical3A_944 : vector<32x256xi32>
        %xor3A_946 = arith.xori %or3A_945, %add3A_938 : vector<32x256xi32>
        %add3A_947 = arith.constant 12345 : i32
        %add3A_948 = vector.broadcast %add3A_947 : i32 to vector<32x256xi32>
        %add3A_949 = arith.addi %add3A_938, %add3A_948 : vector<32x256xi32>
        %add3A_950 = arith.constant 466693095 : i32
        %add3A_951 = vector.broadcast %add3A_950 : i32 to vector<32x256xi32>
        %add3A_952 = arith.addi %xor3A_946, %add3A_951 : vector<32x256xi32>
        %add3A_953 = arith.addi %add3A_949, %add3A_952 : vector<32x256xi32>
        %shift_left3A_954 = arith.constant 13 : i32
        %shift_left3A_955 = vector.broadcast %shift_left3A_954 : i32 to vector<32x256xi32>
        %shift_left3A_956 = arith.shli %add3A_952, %shift_left3A_955 : vector<32x256xi32>
        %broadcast_in_dim3A_957 = arith.constant 19 : i32
        %broadcast_in_dim3A_958 = vector.broadcast %broadcast_in_dim3A_957 : i32 to vector<32x256xi32>
        %shift_right_logical3A_959 = arith.shrui %add3A_952, %broadcast_in_dim3A_958 : vector<32x256xi32>
        %or3A_960 = arith.ori %shift_left3A_956, %shift_right_logical3A_959 : vector<32x256xi32>
        %xor3A_961 = arith.xori %or3A_960, %add3A_953 : vector<32x256xi32>
        %add3A_962 = arith.addi %add3A_953, %xor3A_961 : vector<32x256xi32>
        %shift_left3A_963 = arith.constant 15 : i32
        %shift_left3A_964 = vector.broadcast %shift_left3A_963 : i32 to vector<32x256xi32>
        %shift_left3A_965 = arith.shli %xor3A_961, %shift_left3A_964 : vector<32x256xi32>
        %broadcast_in_dim3A_966 = arith.constant 17 : i32
        %broadcast_in_dim3A_967 = vector.broadcast %broadcast_in_dim3A_966 : i32 to vector<32x256xi32>
        %shift_right_logical3A_968 = arith.shrui %xor3A_961, %broadcast_in_dim3A_967 : vector<32x256xi32>
        %or3A_969 = arith.ori %shift_left3A_965, %shift_right_logical3A_968 : vector<32x256xi32>
        %xor3A_970 = arith.xori %or3A_969, %add3A_962 : vector<32x256xi32>
        %add3A_971 = arith.addi %add3A_962, %xor3A_970 : vector<32x256xi32>
        %shift_left3A_972 = arith.constant 26 : i32
        %shift_left3A_973 = vector.broadcast %shift_left3A_972 : i32 to vector<32x256xi32>
        %shift_left3A_974 = arith.shli %xor3A_970, %shift_left3A_973 : vector<32x256xi32>
        %broadcast_in_dim3A_975 = arith.constant 6 : i32
        %broadcast_in_dim3A_976 = vector.broadcast %broadcast_in_dim3A_975 : i32 to vector<32x256xi32>
        %shift_right_logical3A_977 = arith.shrui %xor3A_970, %broadcast_in_dim3A_976 : vector<32x256xi32>
        %or3A_978 = arith.ori %shift_left3A_974, %shift_right_logical3A_977 : vector<32x256xi32>
        %xor3A_979 = arith.xori %or3A_978, %add3A_971 : vector<32x256xi32>
        %add3A_980 = arith.addi %add3A_971, %xor3A_979 : vector<32x256xi32>
        %shift_left3A_981 = arith.constant 6 : i32
        %shift_left3A_982 = vector.broadcast %shift_left3A_981 : i32 to vector<32x256xi32>
        %shift_left3A_983 = arith.shli %xor3A_979, %shift_left3A_982 : vector<32x256xi32>
        %broadcast_in_dim3A_984 = arith.constant 26 : i32
        %broadcast_in_dim3A_985 = vector.broadcast %broadcast_in_dim3A_984 : i32 to vector<32x256xi32>
        %shift_right_logical3A_986 = arith.shrui %xor3A_979, %broadcast_in_dim3A_985 : vector<32x256xi32>
        %or3A_987 = arith.ori %shift_left3A_983, %shift_right_logical3A_986 : vector<32x256xi32>
        %xor3A_988 = arith.xori %or3A_987, %add3A_980 : vector<32x256xi32>
        %add3A_989 = arith.constant 466693091 : i32
        %add3A_990 = vector.broadcast %add3A_989 : i32 to vector<32x256xi32>
        %add3A_991 = arith.addi %add3A_980, %add3A_990 : vector<32x256xi32>
        %add3A_992 = arith.constant 5 : i32
        %add3A_993 = vector.broadcast %add3A_992 : i32 to vector<32x256xi32>
        %add3A_994 = arith.addi %xor3A_988, %add3A_993 : vector<32x256xi32>
        %xor3A_995 = arith.xori %add3A_991, %add3A_994 : vector<32x256xi32>
        %broadcast_in_dim3A_996 = arith.constant 9 : i32
        %broadcast_in_dim3A_997 = vector.broadcast %broadcast_in_dim3A_996 : i32 to vector<32x256xi32>
        %shift_right_logical3A_998 = arith.shrui %xor3A_995, %broadcast_in_dim3A_997 : vector<32x256xi32>
        %or3A_999 = arith.constant 1065353216 : i32
        %or3A_1000 = vector.broadcast %or3A_999 : i32 to vector<32x256xi32>
        %or3A_1001 = arith.ori %shift_right_logical3A_998, %or3A_1000 : vector<32x256xi32>
        %bitcast_convert_type3A_1002 = tpu.bitcast %or3A_1001 : vector<32x256xi32> -> vector<32x256xf32>
        %sub3A_1003 = arith.constant 1.000000e+00 : f32
        %sub3A_1004 = vector.broadcast %sub3A_1003 : f32 to vector<32x256xf32>
        %sub3A_1005 = arith.subf %bitcast_convert_type3A_1002, %sub3A_1004 : vector<32x256xf32>
        %max3A_1006 = arith.constant 1.17549435E-38 : f32
        %max3A_1007 = vector.broadcast %max3A_1006 : f32 to vector<32x256xf32>
        %max3A_1008 = arith.maximumf %sub3A_1005, %max3A_1007 : vector<32x256xf32>
        %log3A_1009 = math.log %max3A_1008 : vector<32x256xf32>
        %neg3A_1010 = arith.constant 0.000000e+00 : f32
        %neg3A_1011 = vector.broadcast %neg3A_1010 : f32 to vector<32x256xf32>
        %neg3A_1012 = arith.subf %neg3A_1011, %log3A_1009 : vector<32x256xf32>
        %mul3A_1013 = arith.constant 256 : i32
        %mul3A_1014 = arith.muli %scan3A_774, %mul3A_1013 : i32
        %get3A_1015 = arith.constant 0 : index
        %get3A_1016 = arith.index_cast %mul3A_1014 : i32 to index
        %get3A_1017 = vector.load %arg7[%get3A_1015, %get3A_1016] : memref<32x8192xf32, #tpu.memory_space<vmem>>, vector<32x256xf32>
        %mul3A_1018 = arith.mulf %neg3A_1012, %get3A_1017 : vector<32x256xf32>
        %lt3A_1019 = arith.cmpf olt, %mul3A_1018, %select_n3A_770 : vector<32x256xf32>
        %select_n3A_1020 = arith.select %lt3A_1019, %mul3A_1018, %select_n3A_770 : vector<32x256xi1>, vector<32x256xf32>
        %broadcast_in_dim3A_1021 = vector.broadcast %scan3A_774 : i32 to vector<32x256xi32>
        %select_n3A_1022 = arith.select %lt3A_1019, %broadcast_in_dim3A_1021, %select_n3A_772 : vector<32x256xi1>, vector<32x256xi32>
        %scan3A_1023 = arith.constant 2 : i32
        %scan3A_1024 = arith.addi %scan3A_527, %scan3A_1023 : i32
        %mul3A_1025 = arith.constant 256 : i32
        %mul3A_1026 = arith.muli %scan3A_1024, %mul3A_1025 : i32
        %add3A_1027 = vector.broadcast %mul3A_1026 : i32 to vector<32x256xi32>
        %add3A_1028 = arith.addi %add3A_471, %add3A_1027 : vector<32x256xi32>
        %add3A_1029 = arith.addi %add3A_1028, %iota3A : vector<32x256xi32>
        %broadcast_in_dim3A_1030 = arith.constant 0 : i32
        %broadcast_in_dim3A_1031 = vector.broadcast %broadcast_in_dim3A_1030 : i32 to vector<32x256xi32>
        %add3A_1032 = arith.constant 12345 : i32
        %add3A_1033 = vector.broadcast %add3A_1032 : i32 to vector<32x256xi32>
        %add3A_1034 = arith.addi %add3A_1029, %add3A_1033 : vector<32x256xi32>
        %add3A_1035 = arith.addi %broadcast_in_dim3A_1031, %add3A_1034 : vector<32x256xi32>
        %shift_left3A_1036 = arith.constant 13 : i32
        %shift_left3A_1037 = vector.broadcast %shift_left3A_1036 : i32 to vector<32x256xi32>
        %shift_left3A_1038 = arith.shli %add3A_1034, %shift_left3A_1037 : vector<32x256xi32>
        %broadcast_in_dim3A_1039 = arith.constant 19 : i32
        %broadcast_in_dim3A_1040 = vector.broadcast %broadcast_in_dim3A_1039 : i32 to vector<32x256xi32>
        %shift_right_logical3A_1041 = arith.shrui %add3A_1034, %broadcast_in_dim3A_1040 : vector<32x256xi32>
        %or3A_1042 = arith.ori %shift_left3A_1038, %shift_right_logical3A_1041 : vector<32x256xi32>
        %xor3A_1043 = arith.xori %or3A_1042, %add3A_1035 : vector<32x256xi32>
        %add3A_1044 = arith.addi %add3A_1035, %xor3A_1043 : vector<32x256xi32>
        %shift_left3A_1045 = arith.constant 15 : i32
        %shift_left3A_1046 = vector.broadcast %shift_left3A_1045 : i32 to vector<32x256xi32>
        %shift_left3A_1047 = arith.shli %xor3A_1043, %shift_left3A_1046 : vector<32x256xi32>
        %broadcast_in_dim3A_1048 = arith.constant 17 : i32
        %broadcast_in_dim3A_1049 = vector.broadcast %broadcast_in_dim3A_1048 : i32 to vector<32x256xi32>
        %shift_right_logical3A_1050 = arith.shrui %xor3A_1043, %broadcast_in_dim3A_1049 : vector<32x256xi32>
        %or3A_1051 = arith.ori %shift_left3A_1047, %shift_right_logical3A_1050 : vector<32x256xi32>
        %xor3A_1052 = arith.xori %or3A_1051, %add3A_1044 : vector<32x256xi32>
        %add3A_1053 = arith.addi %add3A_1044, %xor3A_1052 : vector<32x256xi32>
        %shift_left3A_1054 = arith.constant 26 : i32
        %shift_left3A_1055 = vector.broadcast %shift_left3A_1054 : i32 to vector<32x256xi32>
        %shift_left3A_1056 = arith.shli %xor3A_1052, %shift_left3A_1055 : vector<32x256xi32>
        %broadcast_in_dim3A_1057 = arith.constant 6 : i32
        %broadcast_in_dim3A_1058 = vector.broadcast %broadcast_in_dim3A_1057 : i32 to vector<32x256xi32>
        %shift_right_logical3A_1059 = arith.shrui %xor3A_1052, %broadcast_in_dim3A_1058 : vector<32x256xi32>
        %or3A_1060 = arith.ori %shift_left3A_1056, %shift_right_logical3A_1059 : vector<32x256xi32>
        %xor3A_1061 = arith.xori %or3A_1060, %add3A_1053 : vector<32x256xi32>
        %add3A_1062 = arith.addi %add3A_1053, %xor3A_1061 : vector<32x256xi32>
        %shift_left3A_1063 = arith.constant 6 : i32
        %shift_left3A_1064 = vector.broadcast %shift_left3A_1063 : i32 to vector<32x256xi32>
        %shift_left3A_1065 = arith.shli %xor3A_1061, %shift_left3A_1064 : vector<32x256xi32>
        %broadcast_in_dim3A_1066 = arith.constant 26 : i32
        %broadcast_in_dim3A_1067 = vector.broadcast %broadcast_in_dim3A_1066 : i32 to vector<32x256xi32>
        %shift_right_logical3A_1068 = arith.shrui %xor3A_1061, %broadcast_in_dim3A_1067 : vector<32x256xi32>
        %or3A_1069 = arith.ori %shift_left3A_1065, %shift_right_logical3A_1068 : vector<32x256xi32>
        %xor3A_1070 = arith.xori %or3A_1069, %add3A_1062 : vector<32x256xi32>
        %add3A_1071 = arith.constant 12345 : i32
        %add3A_1072 = vector.broadcast %add3A_1071 : i32 to vector<32x256xi32>
        %add3A_1073 = arith.addi %add3A_1062, %add3A_1072 : vector<32x256xi32>
        %add3A_1074 = arith.constant 466693092 : i32
        %add3A_1075 = vector.broadcast %add3A_1074 : i32 to vector<32x256xi32>
        %add3A_1076 = arith.addi %xor3A_1070, %add3A_1075 : vector<32x256xi32>
        %add3A_1077 = arith.addi %add3A_1073, %add3A_1076 : vector<32x256xi32>
        %shift_left3A_1078 = arith.constant 17 : i32
        %shift_left3A_1079 = vector.broadcast %shift_left3A_1078 : i32 to vector<32x256xi32>
        %shift_left3A_1080 = arith.shli %add3A_1076, %shift_left3A_1079 : vector<32x256xi32>
        %broadcast_in_dim3A_1081 = arith.constant 15 : i32
        %broadcast_in_dim3A_1082 = vector.broadcast %broadcast_in_dim3A_1081 : i32 to vector<32x256xi32>
        %shift_right_logical3A_1083 = arith.shrui %add3A_1076, %broadcast_in_dim3A_1082 : vector<32x256xi32>
        %or3A_1084 = arith.ori %shift_left3A_1080, %shift_right_logical3A_1083 : vector<32x256xi32>
        %xor3A_1085 = arith.xori %or3A_1084, %add3A_1077 : vector<32x256xi32>
        %add3A_1086 = arith.addi %add3A_1077, %xor3A_1085 : vector<32x256xi32>
        %shift_left3A_1087 = arith.constant 29 : i32
        %shift_left3A_1088 = vector.broadcast %shift_left3A_1087 : i32 to vector<32x256xi32>
        %shift_left3A_1089 = arith.shli %xor3A_1085, %shift_left3A_1088 : vector<32x256xi32>
        %broadcast_in_dim3A_1090 = arith.constant 3 : i32
        %broadcast_in_dim3A_1091 = vector.broadcast %broadcast_in_dim3A_1090 : i32 to vector<32x256xi32>
        %shift_right_logical3A_1092 = arith.shrui %xor3A_1085, %broadcast_in_dim3A_1091 : vector<32x256xi32>
        %or3A_1093 = arith.ori %shift_left3A_1089, %shift_right_logical3A_1092 : vector<32x256xi32>
        %xor3A_1094 = arith.xori %or3A_1093, %add3A_1086 : vector<32x256xi32>
        %add3A_1095 = arith.addi %add3A_1086, %xor3A_1094 : vector<32x256xi32>
        %shift_left3A_1096 = arith.constant 16 : i32
        %shift_left3A_1097 = vector.broadcast %shift_left3A_1096 : i32 to vector<32x256xi32>
        %shift_left3A_1098 = arith.shli %xor3A_1094, %shift_left3A_1097 : vector<32x256xi32>
        %broadcast_in_dim3A_1099 = arith.constant 16 : i32
        %broadcast_in_dim3A_1100 = vector.broadcast %broadcast_in_dim3A_1099 : i32 to vector<32x256xi32>
        %shift_right_logical3A_1101 = arith.shrui %xor3A_1094, %broadcast_in_dim3A_1100 : vector<32x256xi32>
        %or3A_1102 = arith.ori %shift_left3A_1098, %shift_right_logical3A_1101 : vector<32x256xi32>
        %xor3A_1103 = arith.xori %or3A_1102, %add3A_1095 : vector<32x256xi32>
        %add3A_1104 = arith.addi %add3A_1095, %xor3A_1103 : vector<32x256xi32>
        %shift_left3A_1105 = arith.constant 24 : i32
        %shift_left3A_1106 = vector.broadcast %shift_left3A_1105 : i32 to vector<32x256xi32>
        %shift_left3A_1107 = arith.shli %xor3A_1103, %shift_left3A_1106 : vector<32x256xi32>
        %broadcast_in_dim3A_1108 = arith.constant 8 : i32
        %broadcast_in_dim3A_1109 = vector.broadcast %broadcast_in_dim3A_1108 : i32 to vector<32x256xi32>
        %shift_right_logical3A_1110 = arith.shrui %xor3A_1103, %broadcast_in_dim3A_1109 : vector<32x256xi32>
        %or3A_1111 = arith.ori %shift_left3A_1107, %shift_right_logical3A_1110 : vector<32x256xi32>
        %xor3A_1112 = arith.xori %or3A_1111, %add3A_1104 : vector<32x256xi32>
        %add3A_1113 = arith.constant 466693091 : i32
        %add3A_1114 = vector.broadcast %add3A_1113 : i32 to vector<32x256xi32>
        %add3A_1115 = arith.addi %add3A_1104, %add3A_1114 : vector<32x256xi32>
        %add3A_1116 = arith.constant 2 : i32
        %add3A_1117 = vector.broadcast %add3A_1116 : i32 to vector<32x256xi32>
        %add3A_1118 = arith.addi %xor3A_1112, %add3A_1117 : vector<32x256xi32>
        %add3A_1119 = arith.addi %add3A_1115, %add3A_1118 : vector<32x256xi32>
        %shift_left3A_1120 = arith.constant 13 : i32
        %shift_left3A_1121 = vector.broadcast %shift_left3A_1120 : i32 to vector<32x256xi32>
        %shift_left3A_1122 = arith.shli %add3A_1118, %shift_left3A_1121 : vector<32x256xi32>
        %broadcast_in_dim3A_1123 = arith.constant 19 : i32
        %broadcast_in_dim3A_1124 = vector.broadcast %broadcast_in_dim3A_1123 : i32 to vector<32x256xi32>
        %shift_right_logical3A_1125 = arith.shrui %add3A_1118, %broadcast_in_dim3A_1124 : vector<32x256xi32>
        %or3A_1126 = arith.ori %shift_left3A_1122, %shift_right_logical3A_1125 : vector<32x256xi32>
        %xor3A_1127 = arith.xori %or3A_1126, %add3A_1119 : vector<32x256xi32>
        %add3A_1128 = arith.addi %add3A_1119, %xor3A_1127 : vector<32x256xi32>
        %shift_left3A_1129 = arith.constant 15 : i32
        %shift_left3A_1130 = vector.broadcast %shift_left3A_1129 : i32 to vector<32x256xi32>
        %shift_left3A_1131 = arith.shli %xor3A_1127, %shift_left3A_1130 : vector<32x256xi32>
        %broadcast_in_dim3A_1132 = arith.constant 17 : i32
        %broadcast_in_dim3A_1133 = vector.broadcast %broadcast_in_dim3A_1132 : i32 to vector<32x256xi32>
        %shift_right_logical3A_1134 = arith.shrui %xor3A_1127, %broadcast_in_dim3A_1133 : vector<32x256xi32>
        %or3A_1135 = arith.ori %shift_left3A_1131, %shift_right_logical3A_1134 : vector<32x256xi32>
        %xor3A_1136 = arith.xori %or3A_1135, %add3A_1128 : vector<32x256xi32>
        %add3A_1137 = arith.addi %add3A_1128, %xor3A_1136 : vector<32x256xi32>
        %shift_left3A_1138 = arith.constant 26 : i32
        %shift_left3A_1139 = vector.broadcast %shift_left3A_1138 : i32 to vector<32x256xi32>
        %shift_left3A_1140 = arith.shli %xor3A_1136, %shift_left3A_1139 : vector<32x256xi32>
        %broadcast_in_dim3A_1141 = arith.constant 6 : i32
        %broadcast_in_dim3A_1142 = vector.broadcast %broadcast_in_dim3A_1141 : i32 to vector<32x256xi32>
        %shift_right_logical3A_1143 = arith.shrui %xor3A_1136, %broadcast_in_dim3A_1142 : vector<32x256xi32>
        %or3A_1144 = arith.ori %shift_left3A_1140, %shift_right_logical3A_1143 : vector<32x256xi32>
        %xor3A_1145 = arith.xori %or3A_1144, %add3A_1137 : vector<32x256xi32>
        %add3A_1146 = arith.addi %add3A_1137, %xor3A_1145 : vector<32x256xi32>
        %shift_left3A_1147 = arith.constant 6 : i32
        %shift_left3A_1148 = vector.broadcast %shift_left3A_1147 : i32 to vector<32x256xi32>
        %shift_left3A_1149 = arith.shli %xor3A_1145, %shift_left3A_1148 : vector<32x256xi32>
        %broadcast_in_dim3A_1150 = arith.constant 26 : i32
        %broadcast_in_dim3A_1151 = vector.broadcast %broadcast_in_dim3A_1150 : i32 to vector<32x256xi32>
        %shift_right_logical3A_1152 = arith.shrui %xor3A_1145, %broadcast_in_dim3A_1151 : vector<32x256xi32>
        %or3A_1153 = arith.ori %shift_left3A_1149, %shift_right_logical3A_1152 : vector<32x256xi32>
        %xor3A_1154 = arith.xori %or3A_1153, %add3A_1146 : vector<32x256xi32>
        %add3A_1155 = arith.constant 0 : i32
        %add3A_1156 = vector.broadcast %add3A_1155 : i32 to vector<32x256xi32>
        %add3A_1157 = arith.addi %add3A_1146, %add3A_1156 : vector<32x256xi32>
        %add3A_1158 = arith.constant 12348 : i32
        %add3A_1159 = vector.broadcast %add3A_1158 : i32 to vector<32x256xi32>
        %add3A_1160 = arith.addi %xor3A_1154, %add3A_1159 : vector<32x256xi32>
        %add3A_1161 = arith.addi %add3A_1157, %add3A_1160 : vector<32x256xi32>
        %shift_left3A_1162 = arith.constant 17 : i32
        %shift_left3A_1163 = vector.broadcast %shift_left3A_1162 : i32 to vector<32x256xi32>
        %shift_left3A_1164 = arith.shli %add3A_1160, %shift_left3A_1163 : vector<32x256xi32>
        %broadcast_in_dim3A_1165 = arith.constant 15 : i32
        %broadcast_in_dim3A_1166 = vector.broadcast %broadcast_in_dim3A_1165 : i32 to vector<32x256xi32>
        %shift_right_logical3A_1167 = arith.shrui %add3A_1160, %broadcast_in_dim3A_1166 : vector<32x256xi32>
        %or3A_1168 = arith.ori %shift_left3A_1164, %shift_right_logical3A_1167 : vector<32x256xi32>
        %xor3A_1169 = arith.xori %or3A_1168, %add3A_1161 : vector<32x256xi32>
        %add3A_1170 = arith.addi %add3A_1161, %xor3A_1169 : vector<32x256xi32>
        %shift_left3A_1171 = arith.constant 29 : i32
        %shift_left3A_1172 = vector.broadcast %shift_left3A_1171 : i32 to vector<32x256xi32>
        %shift_left3A_1173 = arith.shli %xor3A_1169, %shift_left3A_1172 : vector<32x256xi32>
        %broadcast_in_dim3A_1174 = arith.constant 3 : i32
        %broadcast_in_dim3A_1175 = vector.broadcast %broadcast_in_dim3A_1174 : i32 to vector<32x256xi32>
        %shift_right_logical3A_1176 = arith.shrui %xor3A_1169, %broadcast_in_dim3A_1175 : vector<32x256xi32>
        %or3A_1177 = arith.ori %shift_left3A_1173, %shift_right_logical3A_1176 : vector<32x256xi32>
        %xor3A_1178 = arith.xori %or3A_1177, %add3A_1170 : vector<32x256xi32>
        %add3A_1179 = arith.addi %add3A_1170, %xor3A_1178 : vector<32x256xi32>
        %shift_left3A_1180 = arith.constant 16 : i32
        %shift_left3A_1181 = vector.broadcast %shift_left3A_1180 : i32 to vector<32x256xi32>
        %shift_left3A_1182 = arith.shli %xor3A_1178, %shift_left3A_1181 : vector<32x256xi32>
        %broadcast_in_dim3A_1183 = arith.constant 16 : i32
        %broadcast_in_dim3A_1184 = vector.broadcast %broadcast_in_dim3A_1183 : i32 to vector<32x256xi32>
        %shift_right_logical3A_1185 = arith.shrui %xor3A_1178, %broadcast_in_dim3A_1184 : vector<32x256xi32>
        %or3A_1186 = arith.ori %shift_left3A_1182, %shift_right_logical3A_1185 : vector<32x256xi32>
        %xor3A_1187 = arith.xori %or3A_1186, %add3A_1179 : vector<32x256xi32>
        %add3A_1188 = arith.addi %add3A_1179, %xor3A_1187 : vector<32x256xi32>
        %shift_left3A_1189 = arith.constant 24 : i32
        %shift_left3A_1190 = vector.broadcast %shift_left3A_1189 : i32 to vector<32x256xi32>
        %shift_left3A_1191 = arith.shli %xor3A_1187, %shift_left3A_1190 : vector<32x256xi32>
        %broadcast_in_dim3A_1192 = arith.constant 8 : i32
        %broadcast_in_dim3A_1193 = vector.broadcast %broadcast_in_dim3A_1192 : i32 to vector<32x256xi32>
        %shift_right_logical3A_1194 = arith.shrui %xor3A_1187, %broadcast_in_dim3A_1193 : vector<32x256xi32>
        %or3A_1195 = arith.ori %shift_left3A_1191, %shift_right_logical3A_1194 : vector<32x256xi32>
        %xor3A_1196 = arith.xori %or3A_1195, %add3A_1188 : vector<32x256xi32>
        %add3A_1197 = arith.constant 12345 : i32
        %add3A_1198 = vector.broadcast %add3A_1197 : i32 to vector<32x256xi32>
        %add3A_1199 = arith.addi %add3A_1188, %add3A_1198 : vector<32x256xi32>
        %add3A_1200 = arith.constant 466693095 : i32
        %add3A_1201 = vector.broadcast %add3A_1200 : i32 to vector<32x256xi32>
        %add3A_1202 = arith.addi %xor3A_1196, %add3A_1201 : vector<32x256xi32>
        %add3A_1203 = arith.addi %add3A_1199, %add3A_1202 : vector<32x256xi32>
        %shift_left3A_1204 = arith.constant 13 : i32
        %shift_left3A_1205 = vector.broadcast %shift_left3A_1204 : i32 to vector<32x256xi32>
        %shift_left3A_1206 = arith.shli %add3A_1202, %shift_left3A_1205 : vector<32x256xi32>
        %broadcast_in_dim3A_1207 = arith.constant 19 : i32
        %broadcast_in_dim3A_1208 = vector.broadcast %broadcast_in_dim3A_1207 : i32 to vector<32x256xi32>
        %shift_right_logical3A_1209 = arith.shrui %add3A_1202, %broadcast_in_dim3A_1208 : vector<32x256xi32>
        %or3A_1210 = arith.ori %shift_left3A_1206, %shift_right_logical3A_1209 : vector<32x256xi32>
        %xor3A_1211 = arith.xori %or3A_1210, %add3A_1203 : vector<32x256xi32>
        %add3A_1212 = arith.addi %add3A_1203, %xor3A_1211 : vector<32x256xi32>
        %shift_left3A_1213 = arith.constant 15 : i32
        %shift_left3A_1214 = vector.broadcast %shift_left3A_1213 : i32 to vector<32x256xi32>
        %shift_left3A_1215 = arith.shli %xor3A_1211, %shift_left3A_1214 : vector<32x256xi32>
        %broadcast_in_dim3A_1216 = arith.constant 17 : i32
        %broadcast_in_dim3A_1217 = vector.broadcast %broadcast_in_dim3A_1216 : i32 to vector<32x256xi32>
        %shift_right_logical3A_1218 = arith.shrui %xor3A_1211, %broadcast_in_dim3A_1217 : vector<32x256xi32>
        %or3A_1219 = arith.ori %shift_left3A_1215, %shift_right_logical3A_1218 : vector<32x256xi32>
        %xor3A_1220 = arith.xori %or3A_1219, %add3A_1212 : vector<32x256xi32>
        %add3A_1221 = arith.addi %add3A_1212, %xor3A_1220 : vector<32x256xi32>
        %shift_left3A_1222 = arith.constant 26 : i32
        %shift_left3A_1223 = vector.broadcast %shift_left3A_1222 : i32 to vector<32x256xi32>
        %shift_left3A_1224 = arith.shli %xor3A_1220, %shift_left3A_1223 : vector<32x256xi32>
        %broadcast_in_dim3A_1225 = arith.constant 6 : i32
        %broadcast_in_dim3A_1226 = vector.broadcast %broadcast_in_dim3A_1225 : i32 to vector<32x256xi32>
        %shift_right_logical3A_1227 = arith.shrui %xor3A_1220, %broadcast_in_dim3A_1226 : vector<32x256xi32>
        %or3A_1228 = arith.ori %shift_left3A_1224, %shift_right_logical3A_1227 : vector<32x256xi32>
        %xor3A_1229 = arith.xori %or3A_1228, %add3A_1221 : vector<32x256xi32>
        %add3A_1230 = arith.addi %add3A_1221, %xor3A_1229 : vector<32x256xi32>
        %shift_left3A_1231 = arith.constant 6 : i32
        %shift_left3A_1232 = vector.broadcast %shift_left3A_1231 : i32 to vector<32x256xi32>
        %shift_left3A_1233 = arith.shli %xor3A_1229, %shift_left3A_1232 : vector<32x256xi32>
        %broadcast_in_dim3A_1234 = arith.constant 26 : i32
        %broadcast_in_dim3A_1235 = vector.broadcast %broadcast_in_dim3A_1234 : i32 to vector<32x256xi32>
        %shift_right_logical3A_1236 = arith.shrui %xor3A_1229, %broadcast_in_dim3A_1235 : vector<32x256xi32>
        %or3A_1237 = arith.ori %shift_left3A_1233, %shift_right_logical3A_1236 : vector<32x256xi32>
        %xor3A_1238 = arith.xori %or3A_1237, %add3A_1230 : vector<32x256xi32>
        %add3A_1239 = arith.constant 466693091 : i32
        %add3A_1240 = vector.broadcast %add3A_1239 : i32 to vector<32x256xi32>
        %add3A_1241 = arith.addi %add3A_1230, %add3A_1240 : vector<32x256xi32>
        %add3A_1242 = arith.constant 5 : i32
        %add3A_1243 = vector.broadcast %add3A_1242 : i32 to vector<32x256xi32>
        %add3A_1244 = arith.addi %xor3A_1238, %add3A_1243 : vector<32x256xi32>
        %xor3A_1245 = arith.xori %add3A_1241, %add3A_1244 : vector<32x256xi32>
        %broadcast_in_dim3A_1246 = arith.constant 9 : i32
        %broadcast_in_dim3A_1247 = vector.broadcast %broadcast_in_dim3A_1246 : i32 to vector<32x256xi32>
        %shift_right_logical3A_1248 = arith.shrui %xor3A_1245, %broadcast_in_dim3A_1247 : vector<32x256xi32>
        %or3A_1249 = arith.constant 1065353216 : i32
        %or3A_1250 = vector.broadcast %or3A_1249 : i32 to vector<32x256xi32>
        %or3A_1251 = arith.ori %shift_right_logical3A_1248, %or3A_1250 : vector<32x256xi32>
        %bitcast_convert_type3A_1252 = tpu.bitcast %or3A_1251 : vector<32x256xi32> -> vector<32x256xf32>
        %sub3A_1253 = arith.constant 1.000000e+00 : f32
        %sub3A_1254 = vector.broadcast %sub3A_1253 : f32 to vector<32x256xf32>
        %sub3A_1255 = arith.subf %bitcast_convert_type3A_1252, %sub3A_1254 : vector<32x256xf32>
        %max3A_1256 = arith.constant 1.17549435E-38 : f32
        %max3A_1257 = vector.broadcast %max3A_1256 : f32 to vector<32x256xf32>
        %max3A_1258 = arith.maximumf %sub3A_1255, %max3A_1257 : vector<32x256xf32>
        %log3A_1259 = math.log %max3A_1258 : vector<32x256xf32>
        %neg3A_1260 = arith.constant 0.000000e+00 : f32
        %neg3A_1261 = vector.broadcast %neg3A_1260 : f32 to vector<32x256xf32>
        %neg3A_1262 = arith.subf %neg3A_1261, %log3A_1259 : vector<32x256xf32>
        %mul3A_1263 = arith.constant 256 : i32
        %mul3A_1264 = arith.muli %scan3A_1024, %mul3A_1263 : i32
        %get3A_1265 = arith.constant 0 : index
        %get3A_1266 = arith.index_cast %mul3A_1264 : i32 to index
        %get3A_1267 = vector.load %arg7[%get3A_1265, %get3A_1266] : memref<32x8192xf32, #tpu.memory_space<vmem>>, vector<32x256xf32>
        %mul3A_1268 = arith.mulf %neg3A_1262, %get3A_1267 : vector<32x256xf32>
        %lt3A_1269 = arith.cmpf olt, %mul3A_1268, %select_n3A_1020 : vector<32x256xf32>
        %select_n3A_1270 = arith.select %lt3A_1269, %mul3A_1268, %select_n3A_1020 : vector<32x256xi1>, vector<32x256xf32>
        %broadcast_in_dim3A_1271 = vector.broadcast %scan3A_1024 : i32 to vector<32x256xi32>
        %select_n3A_1272 = arith.select %lt3A_1269, %broadcast_in_dim3A_1271, %select_n3A_1022 : vector<32x256xi1>, vector<32x256xi32>
        %scan3A_1273 = arith.constant 3 : i32
        %scan3A_1274 = arith.addi %scan3A_527, %scan3A_1273 : i32
        %mul3A_1275 = arith.constant 256 : i32
        %mul3A_1276 = arith.muli %scan3A_1274, %mul3A_1275 : i32
        %add3A_1277 = vector.broadcast %mul3A_1276 : i32 to vector<32x256xi32>
        %add3A_1278 = arith.addi %add3A_471, %add3A_1277 : vector<32x256xi32>
        %add3A_1279 = arith.addi %add3A_1278, %iota3A : vector<32x256xi32>
        %broadcast_in_dim3A_1280 = arith.constant 0 : i32
        %broadcast_in_dim3A_1281 = vector.broadcast %broadcast_in_dim3A_1280 : i32 to vector<32x256xi32>
        %add3A_1282 = arith.constant 12345 : i32
        %add3A_1283 = vector.broadcast %add3A_1282 : i32 to vector<32x256xi32>
        %add3A_1284 = arith.addi %add3A_1279, %add3A_1283 : vector<32x256xi32>
        %add3A_1285 = arith.addi %broadcast_in_dim3A_1281, %add3A_1284 : vector<32x256xi32>
        %shift_left3A_1286 = arith.constant 13 : i32
        %shift_left3A_1287 = vector.broadcast %shift_left3A_1286 : i32 to vector<32x256xi32>
        %shift_left3A_1288 = arith.shli %add3A_1284, %shift_left3A_1287 : vector<32x256xi32>
        %broadcast_in_dim3A_1289 = arith.constant 19 : i32
        %broadcast_in_dim3A_1290 = vector.broadcast %broadcast_in_dim3A_1289 : i32 to vector<32x256xi32>
        %shift_right_logical3A_1291 = arith.shrui %add3A_1284, %broadcast_in_dim3A_1290 : vector<32x256xi32>
        %or3A_1292 = arith.ori %shift_left3A_1288, %shift_right_logical3A_1291 : vector<32x256xi32>
        %xor3A_1293 = arith.xori %or3A_1292, %add3A_1285 : vector<32x256xi32>
        %add3A_1294 = arith.addi %add3A_1285, %xor3A_1293 : vector<32x256xi32>
        %shift_left3A_1295 = arith.constant 15 : i32
        %shift_left3A_1296 = vector.broadcast %shift_left3A_1295 : i32 to vector<32x256xi32>
        %shift_left3A_1297 = arith.shli %xor3A_1293, %shift_left3A_1296 : vector<32x256xi32>
        %broadcast_in_dim3A_1298 = arith.constant 17 : i32
        %broadcast_in_dim3A_1299 = vector.broadcast %broadcast_in_dim3A_1298 : i32 to vector<32x256xi32>
        %shift_right_logical3A_1300 = arith.shrui %xor3A_1293, %broadcast_in_dim3A_1299 : vector<32x256xi32>
        %or3A_1301 = arith.ori %shift_left3A_1297, %shift_right_logical3A_1300 : vector<32x256xi32>
        %xor3A_1302 = arith.xori %or3A_1301, %add3A_1294 : vector<32x256xi32>
        %add3A_1303 = arith.addi %add3A_1294, %xor3A_1302 : vector<32x256xi32>
        %shift_left3A_1304 = arith.constant 26 : i32
        %shift_left3A_1305 = vector.broadcast %shift_left3A_1304 : i32 to vector<32x256xi32>
        %shift_left3A_1306 = arith.shli %xor3A_1302, %shift_left3A_1305 : vector<32x256xi32>
        %broadcast_in_dim3A_1307 = arith.constant 6 : i32
        %broadcast_in_dim3A_1308 = vector.broadcast %broadcast_in_dim3A_1307 : i32 to vector<32x256xi32>
        %shift_right_logical3A_1309 = arith.shrui %xor3A_1302, %broadcast_in_dim3A_1308 : vector<32x256xi32>
        %or3A_1310 = arith.ori %shift_left3A_1306, %shift_right_logical3A_1309 : vector<32x256xi32>
        %xor3A_1311 = arith.xori %or3A_1310, %add3A_1303 : vector<32x256xi32>
        %add3A_1312 = arith.addi %add3A_1303, %xor3A_1311 : vector<32x256xi32>
        %shift_left3A_1313 = arith.constant 6 : i32
        %shift_left3A_1314 = vector.broadcast %shift_left3A_1313 : i32 to vector<32x256xi32>
        %shift_left3A_1315 = arith.shli %xor3A_1311, %shift_left3A_1314 : vector<32x256xi32>
        %broadcast_in_dim3A_1316 = arith.constant 26 : i32
        %broadcast_in_dim3A_1317 = vector.broadcast %broadcast_in_dim3A_1316 : i32 to vector<32x256xi32>
        %shift_right_logical3A_1318 = arith.shrui %xor3A_1311, %broadcast_in_dim3A_1317 : vector<32x256xi32>
        %or3A_1319 = arith.ori %shift_left3A_1315, %shift_right_logical3A_1318 : vector<32x256xi32>
        %xor3A_1320 = arith.xori %or3A_1319, %add3A_1312 : vector<32x256xi32>
        %add3A_1321 = arith.constant 12345 : i32
        %add3A_1322 = vector.broadcast %add3A_1321 : i32 to vector<32x256xi32>
        %add3A_1323 = arith.addi %add3A_1312, %add3A_1322 : vector<32x256xi32>
        %add3A_1324 = arith.constant 466693092 : i32
        %add3A_1325 = vector.broadcast %add3A_1324 : i32 to vector<32x256xi32>
        %add3A_1326 = arith.addi %xor3A_1320, %add3A_1325 : vector<32x256xi32>
        %add3A_1327 = arith.addi %add3A_1323, %add3A_1326 : vector<32x256xi32>
        %shift_left3A_1328 = arith.constant 17 : i32
        %shift_left3A_1329 = vector.broadcast %shift_left3A_1328 : i32 to vector<32x256xi32>
        %shift_left3A_1330 = arith.shli %add3A_1326, %shift_left3A_1329 : vector<32x256xi32>
        %broadcast_in_dim3A_1331 = arith.constant 15 : i32
        %broadcast_in_dim3A_1332 = vector.broadcast %broadcast_in_dim3A_1331 : i32 to vector<32x256xi32>
        %shift_right_logical3A_1333 = arith.shrui %add3A_1326, %broadcast_in_dim3A_1332 : vector<32x256xi32>
        %or3A_1334 = arith.ori %shift_left3A_1330, %shift_right_logical3A_1333 : vector<32x256xi32>
        %xor3A_1335 = arith.xori %or3A_1334, %add3A_1327 : vector<32x256xi32>
        %add3A_1336 = arith.addi %add3A_1327, %xor3A_1335 : vector<32x256xi32>
        %shift_left3A_1337 = arith.constant 29 : i32
        %shift_left3A_1338 = vector.broadcast %shift_left3A_1337 : i32 to vector<32x256xi32>
        %shift_left3A_1339 = arith.shli %xor3A_1335, %shift_left3A_1338 : vector<32x256xi32>
        %broadcast_in_dim3A_1340 = arith.constant 3 : i32
        %broadcast_in_dim3A_1341 = vector.broadcast %broadcast_in_dim3A_1340 : i32 to vector<32x256xi32>
        %shift_right_logical3A_1342 = arith.shrui %xor3A_1335, %broadcast_in_dim3A_1341 : vector<32x256xi32>
        %or3A_1343 = arith.ori %shift_left3A_1339, %shift_right_logical3A_1342 : vector<32x256xi32>
        %xor3A_1344 = arith.xori %or3A_1343, %add3A_1336 : vector<32x256xi32>
        %add3A_1345 = arith.addi %add3A_1336, %xor3A_1344 : vector<32x256xi32>
        %shift_left3A_1346 = arith.constant 16 : i32
        %shift_left3A_1347 = vector.broadcast %shift_left3A_1346 : i32 to vector<32x256xi32>
        %shift_left3A_1348 = arith.shli %xor3A_1344, %shift_left3A_1347 : vector<32x256xi32>
        %broadcast_in_dim3A_1349 = arith.constant 16 : i32
        %broadcast_in_dim3A_1350 = vector.broadcast %broadcast_in_dim3A_1349 : i32 to vector<32x256xi32>
        %shift_right_logical3A_1351 = arith.shrui %xor3A_1344, %broadcast_in_dim3A_1350 : vector<32x256xi32>
        %or3A_1352 = arith.ori %shift_left3A_1348, %shift_right_logical3A_1351 : vector<32x256xi32>
        %xor3A_1353 = arith.xori %or3A_1352, %add3A_1345 : vector<32x256xi32>
        %add3A_1354 = arith.addi %add3A_1345, %xor3A_1353 : vector<32x256xi32>
        %shift_left3A_1355 = arith.constant 24 : i32
        %shift_left3A_1356 = vector.broadcast %shift_left3A_1355 : i32 to vector<32x256xi32>
        %shift_left3A_1357 = arith.shli %xor3A_1353, %shift_left3A_1356 : vector<32x256xi32>
        %broadcast_in_dim3A_1358 = arith.constant 8 : i32
        %broadcast_in_dim3A_1359 = vector.broadcast %broadcast_in_dim3A_1358 : i32 to vector<32x256xi32>
        %shift_right_logical3A_1360 = arith.shrui %xor3A_1353, %broadcast_in_dim3A_1359 : vector<32x256xi32>
        %or3A_1361 = arith.ori %shift_left3A_1357, %shift_right_logical3A_1360 : vector<32x256xi32>
        %xor3A_1362 = arith.xori %or3A_1361, %add3A_1354 : vector<32x256xi32>
        %add3A_1363 = arith.constant 466693091 : i32
        %add3A_1364 = vector.broadcast %add3A_1363 : i32 to vector<32x256xi32>
        %add3A_1365 = arith.addi %add3A_1354, %add3A_1364 : vector<32x256xi32>
        %add3A_1366 = arith.constant 2 : i32
        %add3A_1367 = vector.broadcast %add3A_1366 : i32 to vector<32x256xi32>
        %add3A_1368 = arith.addi %xor3A_1362, %add3A_1367 : vector<32x256xi32>
        %add3A_1369 = arith.addi %add3A_1365, %add3A_1368 : vector<32x256xi32>
        %shift_left3A_1370 = arith.constant 13 : i32
        %shift_left3A_1371 = vector.broadcast %shift_left3A_1370 : i32 to vector<32x256xi32>
        %shift_left3A_1372 = arith.shli %add3A_1368, %shift_left3A_1371 : vector<32x256xi32>
        %broadcast_in_dim3A_1373 = arith.constant 19 : i32
        %broadcast_in_dim3A_1374 = vector.broadcast %broadcast_in_dim3A_1373 : i32 to vector<32x256xi32>
        %shift_right_logical3A_1375 = arith.shrui %add3A_1368, %broadcast_in_dim3A_1374 : vector<32x256xi32>
        %or3A_1376 = arith.ori %shift_left3A_1372, %shift_right_logical3A_1375 : vector<32x256xi32>
        %xor3A_1377 = arith.xori %or3A_1376, %add3A_1369 : vector<32x256xi32>
        %add3A_1378 = arith.addi %add3A_1369, %xor3A_1377 : vector<32x256xi32>
        %shift_left3A_1379 = arith.constant 15 : i32
        %shift_left3A_1380 = vector.broadcast %shift_left3A_1379 : i32 to vector<32x256xi32>
        %shift_left3A_1381 = arith.shli %xor3A_1377, %shift_left3A_1380 : vector<32x256xi32>
        %broadcast_in_dim3A_1382 = arith.constant 17 : i32
        %broadcast_in_dim3A_1383 = vector.broadcast %broadcast_in_dim3A_1382 : i32 to vector<32x256xi32>
        %shift_right_logical3A_1384 = arith.shrui %xor3A_1377, %broadcast_in_dim3A_1383 : vector<32x256xi32>
        %or3A_1385 = arith.ori %shift_left3A_1381, %shift_right_logical3A_1384 : vector<32x256xi32>
        %xor3A_1386 = arith.xori %or3A_1385, %add3A_1378 : vector<32x256xi32>
        %add3A_1387 = arith.addi %add3A_1378, %xor3A_1386 : vector<32x256xi32>
        %shift_left3A_1388 = arith.constant 26 : i32
        %shift_left3A_1389 = vector.broadcast %shift_left3A_1388 : i32 to vector<32x256xi32>
        %shift_left3A_1390 = arith.shli %xor3A_1386, %shift_left3A_1389 : vector<32x256xi32>
        %broadcast_in_dim3A_1391 = arith.constant 6 : i32
        %broadcast_in_dim3A_1392 = vector.broadcast %broadcast_in_dim3A_1391 : i32 to vector<32x256xi32>
        %shift_right_logical3A_1393 = arith.shrui %xor3A_1386, %broadcast_in_dim3A_1392 : vector<32x256xi32>
        %or3A_1394 = arith.ori %shift_left3A_1390, %shift_right_logical3A_1393 : vector<32x256xi32>
        %xor3A_1395 = arith.xori %or3A_1394, %add3A_1387 : vector<32x256xi32>
        %add3A_1396 = arith.addi %add3A_1387, %xor3A_1395 : vector<32x256xi32>
        %shift_left3A_1397 = arith.constant 6 : i32
        %shift_left3A_1398 = vector.broadcast %shift_left3A_1397 : i32 to vector<32x256xi32>
        %shift_left3A_1399 = arith.shli %xor3A_1395, %shift_left3A_1398 : vector<32x256xi32>
        %broadcast_in_dim3A_1400 = arith.constant 26 : i32
        %broadcast_in_dim3A_1401 = vector.broadcast %broadcast_in_dim3A_1400 : i32 to vector<32x256xi32>
        %shift_right_logical3A_1402 = arith.shrui %xor3A_1395, %broadcast_in_dim3A_1401 : vector<32x256xi32>
        %or3A_1403 = arith.ori %shift_left3A_1399, %shift_right_logical3A_1402 : vector<32x256xi32>
        %xor3A_1404 = arith.xori %or3A_1403, %add3A_1396 : vector<32x256xi32>
        %add3A_1405 = arith.constant 0 : i32
        %add3A_1406 = vector.broadcast %add3A_1405 : i32 to vector<32x256xi32>
        %add3A_1407 = arith.addi %add3A_1396, %add3A_1406 : vector<32x256xi32>
        %add3A_1408 = arith.constant 12348 : i32
        %add3A_1409 = vector.broadcast %add3A_1408 : i32 to vector<32x256xi32>
        %add3A_1410 = arith.addi %xor3A_1404, %add3A_1409 : vector<32x256xi32>
        %add3A_1411 = arith.addi %add3A_1407, %add3A_1410 : vector<32x256xi32>
        %shift_left3A_1412 = arith.constant 17 : i32
        %shift_left3A_1413 = vector.broadcast %shift_left3A_1412 : i32 to vector<32x256xi32>
        %shift_left3A_1414 = arith.shli %add3A_1410, %shift_left3A_1413 : vector<32x256xi32>
        %broadcast_in_dim3A_1415 = arith.constant 15 : i32
        %broadcast_in_dim3A_1416 = vector.broadcast %broadcast_in_dim3A_1415 : i32 to vector<32x256xi32>
        %shift_right_logical3A_1417 = arith.shrui %add3A_1410, %broadcast_in_dim3A_1416 : vector<32x256xi32>
        %or3A_1418 = arith.ori %shift_left3A_1414, %shift_right_logical3A_1417 : vector<32x256xi32>
        %xor3A_1419 = arith.xori %or3A_1418, %add3A_1411 : vector<32x256xi32>
        %add3A_1420 = arith.addi %add3A_1411, %xor3A_1419 : vector<32x256xi32>
        %shift_left3A_1421 = arith.constant 29 : i32
        %shift_left3A_1422 = vector.broadcast %shift_left3A_1421 : i32 to vector<32x256xi32>
        %shift_left3A_1423 = arith.shli %xor3A_1419, %shift_left3A_1422 : vector<32x256xi32>
        %broadcast_in_dim3A_1424 = arith.constant 3 : i32
        %broadcast_in_dim3A_1425 = vector.broadcast %broadcast_in_dim3A_1424 : i32 to vector<32x256xi32>
        %shift_right_logical3A_1426 = arith.shrui %xor3A_1419, %broadcast_in_dim3A_1425 : vector<32x256xi32>
        %or3A_1427 = arith.ori %shift_left3A_1423, %shift_right_logical3A_1426 : vector<32x256xi32>
        %xor3A_1428 = arith.xori %or3A_1427, %add3A_1420 : vector<32x256xi32>
        %add3A_1429 = arith.addi %add3A_1420, %xor3A_1428 : vector<32x256xi32>
        %shift_left3A_1430 = arith.constant 16 : i32
        %shift_left3A_1431 = vector.broadcast %shift_left3A_1430 : i32 to vector<32x256xi32>
        %shift_left3A_1432 = arith.shli %xor3A_1428, %shift_left3A_1431 : vector<32x256xi32>
        %broadcast_in_dim3A_1433 = arith.constant 16 : i32
        %broadcast_in_dim3A_1434 = vector.broadcast %broadcast_in_dim3A_1433 : i32 to vector<32x256xi32>
        %shift_right_logical3A_1435 = arith.shrui %xor3A_1428, %broadcast_in_dim3A_1434 : vector<32x256xi32>
        %or3A_1436 = arith.ori %shift_left3A_1432, %shift_right_logical3A_1435 : vector<32x256xi32>
        %xor3A_1437 = arith.xori %or3A_1436, %add3A_1429 : vector<32x256xi32>
        %add3A_1438 = arith.addi %add3A_1429, %xor3A_1437 : vector<32x256xi32>
        %shift_left3A_1439 = arith.constant 24 : i32
        %shift_left3A_1440 = vector.broadcast %shift_left3A_1439 : i32 to vector<32x256xi32>
        %shift_left3A_1441 = arith.shli %xor3A_1437, %shift_left3A_1440 : vector<32x256xi32>
        %broadcast_in_dim3A_1442 = arith.constant 8 : i32
        %broadcast_in_dim3A_1443 = vector.broadcast %broadcast_in_dim3A_1442 : i32 to vector<32x256xi32>
        %shift_right_logical3A_1444 = arith.shrui %xor3A_1437, %broadcast_in_dim3A_1443 : vector<32x256xi32>
        %or3A_1445 = arith.ori %shift_left3A_1441, %shift_right_logical3A_1444 : vector<32x256xi32>
        %xor3A_1446 = arith.xori %or3A_1445, %add3A_1438 : vector<32x256xi32>
        %add3A_1447 = arith.constant 12345 : i32
        %add3A_1448 = vector.broadcast %add3A_1447 : i32 to vector<32x256xi32>
        %add3A_1449 = arith.addi %add3A_1438, %add3A_1448 : vector<32x256xi32>
        %add3A_1450 = arith.constant 466693095 : i32
        %add3A_1451 = vector.broadcast %add3A_1450 : i32 to vector<32x256xi32>
        %add3A_1452 = arith.addi %xor3A_1446, %add3A_1451 : vector<32x256xi32>
        %add3A_1453 = arith.addi %add3A_1449, %add3A_1452 : vector<32x256xi32>
        %shift_left3A_1454 = arith.constant 13 : i32
        %shift_left3A_1455 = vector.broadcast %shift_left3A_1454 : i32 to vector<32x256xi32>
        %shift_left3A_1456 = arith.shli %add3A_1452, %shift_left3A_1455 : vector<32x256xi32>
        %broadcast_in_dim3A_1457 = arith.constant 19 : i32
        %broadcast_in_dim3A_1458 = vector.broadcast %broadcast_in_dim3A_1457 : i32 to vector<32x256xi32>
        %shift_right_logical3A_1459 = arith.shrui %add3A_1452, %broadcast_in_dim3A_1458 : vector<32x256xi32>
        %or3A_1460 = arith.ori %shift_left3A_1456, %shift_right_logical3A_1459 : vector<32x256xi32>
        %xor3A_1461 = arith.xori %or3A_1460, %add3A_1453 : vector<32x256xi32>
        %add3A_1462 = arith.addi %add3A_1453, %xor3A_1461 : vector<32x256xi32>
        %shift_left3A_1463 = arith.constant 15 : i32
        %shift_left3A_1464 = vector.broadcast %shift_left3A_1463 : i32 to vector<32x256xi32>
        %shift_left3A_1465 = arith.shli %xor3A_1461, %shift_left3A_1464 : vector<32x256xi32>
        %broadcast_in_dim3A_1466 = arith.constant 17 : i32
        %broadcast_in_dim3A_1467 = vector.broadcast %broadcast_in_dim3A_1466 : i32 to vector<32x256xi32>
        %shift_right_logical3A_1468 = arith.shrui %xor3A_1461, %broadcast_in_dim3A_1467 : vector<32x256xi32>
        %or3A_1469 = arith.ori %shift_left3A_1465, %shift_right_logical3A_1468 : vector<32x256xi32>
        %xor3A_1470 = arith.xori %or3A_1469, %add3A_1462 : vector<32x256xi32>
        %add3A_1471 = arith.addi %add3A_1462, %xor3A_1470 : vector<32x256xi32>
        %shift_left3A_1472 = arith.constant 26 : i32
        %shift_left3A_1473 = vector.broadcast %shift_left3A_1472 : i32 to vector<32x256xi32>
        %shift_left3A_1474 = arith.shli %xor3A_1470, %shift_left3A_1473 : vector<32x256xi32>
        %broadcast_in_dim3A_1475 = arith.constant 6 : i32
        %broadcast_in_dim3A_1476 = vector.broadcast %broadcast_in_dim3A_1475 : i32 to vector<32x256xi32>
        %shift_right_logical3A_1477 = arith.shrui %xor3A_1470, %broadcast_in_dim3A_1476 : vector<32x256xi32>
        %or3A_1478 = arith.ori %shift_left3A_1474, %shift_right_logical3A_1477 : vector<32x256xi32>
        %xor3A_1479 = arith.xori %or3A_1478, %add3A_1471 : vector<32x256xi32>
        %add3A_1480 = arith.addi %add3A_1471, %xor3A_1479 : vector<32x256xi32>
        %shift_left3A_1481 = arith.constant 6 : i32
        %shift_left3A_1482 = vector.broadcast %shift_left3A_1481 : i32 to vector<32x256xi32>
        %shift_left3A_1483 = arith.shli %xor3A_1479, %shift_left3A_1482 : vector<32x256xi32>
        %broadcast_in_dim3A_1484 = arith.constant 26 : i32
        %broadcast_in_dim3A_1485 = vector.broadcast %broadcast_in_dim3A_1484 : i32 to vector<32x256xi32>
        %shift_right_logical3A_1486 = arith.shrui %xor3A_1479, %broadcast_in_dim3A_1485 : vector<32x256xi32>
        %or3A_1487 = arith.ori %shift_left3A_1483, %shift_right_logical3A_1486 : vector<32x256xi32>
        %xor3A_1488 = arith.xori %or3A_1487, %add3A_1480 : vector<32x256xi32>
        %add3A_1489 = arith.constant 466693091 : i32
        %add3A_1490 = vector.broadcast %add3A_1489 : i32 to vector<32x256xi32>
        %add3A_1491 = arith.addi %add3A_1480, %add3A_1490 : vector<32x256xi32>
        %add3A_1492 = arith.constant 5 : i32
        %add3A_1493 = vector.broadcast %add3A_1492 : i32 to vector<32x256xi32>
        %add3A_1494 = arith.addi %xor3A_1488, %add3A_1493 : vector<32x256xi32>
        %xor3A_1495 = arith.xori %add3A_1491, %add3A_1494 : vector<32x256xi32>
        %broadcast_in_dim3A_1496 = arith.constant 9 : i32
        %broadcast_in_dim3A_1497 = vector.broadcast %broadcast_in_dim3A_1496 : i32 to vector<32x256xi32>
        %shift_right_logical3A_1498 = arith.shrui %xor3A_1495, %broadcast_in_dim3A_1497 : vector<32x256xi32>
        %or3A_1499 = arith.constant 1065353216 : i32
        %or3A_1500 = vector.broadcast %or3A_1499 : i32 to vector<32x256xi32>
        %or3A_1501 = arith.ori %shift_right_logical3A_1498, %or3A_1500 : vector<32x256xi32>
        %bitcast_convert_type3A_1502 = tpu.bitcast %or3A_1501 : vector<32x256xi32> -> vector<32x256xf32>
        %sub3A_1503 = arith.constant 1.000000e+00 : f32
        %sub3A_1504 = vector.broadcast %sub3A_1503 : f32 to vector<32x256xf32>
        %sub3A_1505 = arith.subf %bitcast_convert_type3A_1502, %sub3A_1504 : vector<32x256xf32>
        %max3A_1506 = arith.constant 1.17549435E-38 : f32
        %max3A_1507 = vector.broadcast %max3A_1506 : f32 to vector<32x256xf32>
        %max3A_1508 = arith.maximumf %sub3A_1505, %max3A_1507 : vector<32x256xf32>
        %log3A_1509 = math.log %max3A_1508 : vector<32x256xf32>
        %neg3A_1510 = arith.constant 0.000000e+00 : f32
        %neg3A_1511 = vector.broadcast %neg3A_1510 : f32 to vector<32x256xf32>
        %neg3A_1512 = arith.subf %neg3A_1511, %log3A_1509 : vector<32x256xf32>
        %mul3A_1513 = arith.constant 256 : i32
        %mul3A_1514 = arith.muli %scan3A_1274, %mul3A_1513 : i32
        %get3A_1515 = arith.constant 0 : index
        %get3A_1516 = arith.index_cast %mul3A_1514 : i32 to index
        %get3A_1517 = vector.load %arg7[%get3A_1515, %get3A_1516] : memref<32x8192xf32, #tpu.memory_space<vmem>>, vector<32x256xf32>
        %mul3A_1518 = arith.mulf %neg3A_1512, %get3A_1517 : vector<32x256xf32>
        %lt3A_1519 = arith.cmpf olt, %mul3A_1518, %select_n3A_1270 : vector<32x256xf32>
        %select_n3A_1520 = arith.select %lt3A_1519, %mul3A_1518, %select_n3A_1270 : vector<32x256xi1>, vector<32x256xf32>
        %broadcast_in_dim3A_1521 = vector.broadcast %scan3A_1274 : i32 to vector<32x256xi32>
        %select_n3A_1522 = arith.select %lt3A_1519, %broadcast_in_dim3A_1521, %select_n3A_1272 : vector<32x256xi1>, vector<32x256xi32>
        scf.yield %select_n3A_1520, %select_n3A_1522 : vector<32x256xf32>, vector<32x256xi32>
      }
      %scan3A_481 = arith.constant 32 : i32
      %mul3A_482 = arith.constant 256 : i32
      %mul3A_483 = vector.broadcast %mul3A_482 : i32 to vector<32x256xi32>
      %mul3A_484 = arith.muli %scan3A_480#1, %mul3A_483 : vector<32x256xi32>
      %add3A_485 = arith.addi %mul3A_484, %iota3A : vector<32x256xi32>
      %reduce_min3A_486 = arith.constant dense<0x7F800000> : vector<32xf32>
      %reduce_min3A_487 = vector.multi_reduction <minimumf>, %scan3A_480#0, %reduce_min3A_486 [1] : vector<32x256xf32> to vector<32xf32>
      %broadcast_in_dim3A_488 = vector.shape_cast %reduce_min3A_487 : vector<32xf32> to vector<32x1xf32>
      %eq3A_489 = vector.broadcast %broadcast_in_dim3A_488 : vector<32x1xf32> to vector<32x256xf32>
      %eq3A_490 = arith.cmpf oeq, %scan3A_480#0, %eq3A_489 : vector<32x256xf32>
      %select_n3A_491 = arith.select %eq3A_490, %add3A_485, %broadcast_in_dim3A_326 : vector<32x256xi1>, vector<32x256xi32>
      %reduce_min3A_492 = arith.constant dense<2147483647> : vector<32xi32>
      %reduce_min3A_493 = vector.multi_reduction <minsi>, %select_n3A_491, %reduce_min3A_492 [1] : vector<32x256xi32> to vector<32xi32>
      %broadcast_in_dim3A_494 = vector.shape_cast %reduce_min3A_493 : vector<32xi32> to vector<32x1xi32>
      %add3A_495 = arith.constant 0 : i32
      %add3A_496 = arith.addi %scan3A_467, %add3A_495 : i32
      %eq3A_497 = vector.broadcast %add3A_496 : i32 to vector<8x128xi32>
      %eq3A_498 = arith.cmpi eq, %iota3A_322, %eq3A_497 : vector<8x128xi32>
      %slice3A_499 = vector.extract_strided_slice %broadcast_in_dim3A_494 {offsets = [0, 0], sizes = [8, 1], strides = [1, 1]} : vector<32x1xi32> to vector<8x1xi32>
      %broadcast_in_dim3A_500 = vector.shape_cast %slice3A_499 : vector<8x1xi32> to vector<8x1xi32>
      %broadcast_in_dim3A_501 = vector.broadcast %broadcast_in_dim3A_500 : vector<8x1xi32> to vector<8x128xi32>
      %select_n3A_502 = arith.select %eq3A_498, %broadcast_in_dim3A_501, %select_n3A_465 : vector<8x128xi1>, vector<8x128xi32>
      %add3A_503 = arith.constant 32 : i32
      %add3A_504 = arith.addi %scan3A_467, %add3A_503 : i32
      %eq3A_505 = vector.broadcast %add3A_504 : i32 to vector<8x128xi32>
      %eq3A_506 = arith.cmpi eq, %iota3A_322, %eq3A_505 : vector<8x128xi32>
      %slice3A_507 = vector.extract_strided_slice %broadcast_in_dim3A_494 {offsets = [8, 0], sizes = [8, 1], strides = [1, 1]} : vector<32x1xi32> to vector<8x1xi32>
      %broadcast_in_dim3A_508 = vector.shape_cast %slice3A_507 : vector<8x1xi32> to vector<8x1xi32>
      %broadcast_in_dim3A_509 = vector.broadcast %broadcast_in_dim3A_508 : vector<8x1xi32> to vector<8x128xi32>
      %select_n3A_510 = arith.select %eq3A_506, %broadcast_in_dim3A_509, %select_n3A_502 : vector<8x128xi1>, vector<8x128xi32>
      %add3A_511 = arith.constant 64 : i32
      %add3A_512 = arith.addi %scan3A_467, %add3A_511 : i32
      %eq3A_513 = vector.broadcast %add3A_512 : i32 to vector<8x128xi32>
      %eq3A_514 = arith.cmpi eq, %iota3A_322, %eq3A_513 : vector<8x128xi32>
      %slice3A_515 = vector.extract_strided_slice %broadcast_in_dim3A_494 {offsets = [16, 0], sizes = [8, 1], strides = [1, 1]} : vector<32x1xi32> to vector<8x1xi32>
      %broadcast_in_dim3A_516 = vector.shape_cast %slice3A_515 : vector<8x1xi32> to vector<8x1xi32>
      %broadcast_in_dim3A_517 = vector.broadcast %broadcast_in_dim3A_516 : vector<8x1xi32> to vector<8x128xi32>
      %select_n3A_518 = arith.select %eq3A_514, %broadcast_in_dim3A_517, %select_n3A_510 : vector<8x128xi1>, vector<8x128xi32>
      %add3A_519 = arith.constant 96 : i32
      %add3A_520 = arith.addi %scan3A_467, %add3A_519 : i32
      %eq3A_521 = vector.broadcast %add3A_520 : i32 to vector<8x128xi32>
      %eq3A_522 = arith.cmpi eq, %iota3A_322, %eq3A_521 : vector<8x128xi32>
      %slice3A_523 = vector.extract_strided_slice %broadcast_in_dim3A_494 {offsets = [24, 0], sizes = [8, 1], strides = [1, 1]} : vector<32x1xi32> to vector<8x1xi32>
      %broadcast_in_dim3A_524 = vector.shape_cast %slice3A_523 : vector<8x1xi32> to vector<8x1xi32>
      %broadcast_in_dim3A_525 = vector.broadcast %broadcast_in_dim3A_524 : vector<8x1xi32> to vector<8x128xi32>
      %select_n3A_526 = arith.select %eq3A_522, %broadcast_in_dim3A_525, %select_n3A_518 : vector<8x128xi1>, vector<8x128xi32>
      scf.yield %select_n3A_526 : vector<8x128xi32>
    }
    %scan3A_395 = arith.constant 32 : i32
    %mul3A_396 = arith.constant 8192 : i32
    %mul3A_397 = arith.muli %arg0, %mul3A_396 : i32
    %add3A_398 = vector.broadcast %mul3A_397 : i32 to vector<8x128xi32>
    %add3A_399 = arith.addi %scan3A_394, %add3A_398 : vector<8x128xi32>
    %swap3A_400 = arith.constant 0 : index
    %swap3A_401 = arith.constant 0 : index
    %swap3A_402 = arith.constant 0 : index
    %swap3A_403 = arith.constant 0 : index
    %swap3A_404 = vector.load %arg4[%swap3A_400, %swap3A_401, %swap3A_402, %swap3A_403] : memref<1x1x8x128xi32, #tpu.memory_space<vmem>>, vector<1x1x8x128xi32>
    %swap3A_405 = vector.shape_cast %swap3A_404 : vector<1x1x8x128xi32> to vector<8x128xi32>
    %swap3A_406 = vector.shape_cast %add3A_399 : vector<8x128xi32> to vector<1x1x8x128xi32>
    tpu.vector_store %arg4[%swap3A_400, %swap3A_401, %swap3A_402, %swap3A_403], %swap3A_406 {strides = array<i32>} : memref<1x1x8x128xi32, #tpu.memory_space<vmem>>, vector<1x1x8x128xi32>,
    return
  }
  func.func @transform_0(%arg0: i32, %arg1: i32) -> (i32, i32, i32) {
    %c0_i32 = arith.constant 0 : i32
    %c0_i32_0 = arith.constant 0 : i32
    %c0_i32_1 = arith.constant 0 : i32
    return %arg0, %c0_i32, %c0_i32_0 : i32, i32, i32
  }
  func.func @transform_1(%arg0: i32, %arg1: i32) -> i32 {
    %c0_i32 = arith.constant 0 : i32
    %c0_i32_0 = arith.constant 0 : i32
    return %c0_i32 : i32
  }
  func.func @transform_2(%arg0: i32, %arg1: i32) -> (i32, i32, i32, i32) {
    %c0_i32 = arith.constant 0 : i32
    %c0_i32_0 = arith.constant 0 : i32
    %c0_i32_1 = arith.constant 0 : i32
    return %arg0, %arg1, %c0_i32, %c0_i32_0 : i32, i32, i32, i32
  }
  func.func @transform_3(%arg0: i32, %arg1: i32) -> (i32, i32, i32) {
    %c0_i32 = arith.constant 0 : i32
    %c0_i32_0 = arith.constant 0 : i32
    %c0_i32_1 = arith.constant 0 : i32
    return %arg0, %c0_i32, %c0_i32_0 : i32, i32, i32
  }
}

</mosaic_0001>

<sc_bundles>
// kernel: kernel.4.cloned.1.call-start
scs
__scs_entry_jumppad:
0x0: {  	(pc) =	sbr.rel $0x88, $3  }
0x1: {  	(tag) =	ssettag $0x0;
	lr =	simm.s32 $0x1  }
0x2: {  	[smem:$0x3F9E] =	sst lr;
	_ =	strace $0xD0000000  }
0x3: {  	_ = 	snop  }
0x4: {  	_ = 	snop  }
0x5: {  	_ = 	snop  }
0x6: {  	_ = 	snop  }
0x7: {  	_ = 	snop  }
__scs_overlays_trampoline_lowered:
0x8: {  	[smem:$0x3FAD] =	sst s0  }
0x9: {  	[smem:$0x3FAE] =	sst s1  }
0xa: {  	[smem:$0x3FAF] =	sst s2  }
0xb: {  	[smem:$0x3FB0] =	sst s3  }
0xc: {  	[smem:$0x3FB1] =	sst s4  }
0xd: {  	[smem:$0x3FB2] =	sst s5  }
0xe: {  	[smem:$0x3FB3] =	sst s6  }
0xf: {  	[smem:$0x3FB4] =	sst s7  }
0x10: {  	[smem:$0x3FB5] =	sst s8  }
0x11: {  	[smem:$0x3FB6] =	sst s9;
	s0 =	simm.s32 @!p0 $0x0  }
0x12: {  	s1 =	sld [smem:$0x3F9C];
	s0 =	simm.s32 @p0 $0x1  }
0x13: {  	[smem:$0x3FB7] =	sst s0;
	s0 =	simm.s32 @!p1 $0x0  }
0x14: {  	s2 =	sld [smem:$0x3F9B];
	s0 =	simm.s32 @p1 $0x1  }
0x15: {  	[smem:$0x3FB8] =	sst s0;
	s0 =	simm.s32 @!p2 $0x0  }
0x16: {  	s3 =	sld [smem:$0x3FDB];
	s0 =	simm.s32 @p2 $0x1  }
0x17: {  	s4 =	simm.s32 $0x1BF5;
	[smem:$0x3FBA] =	sst s0  }
0x18: {  	s0 =	sld [smem:$0x3F9D];
	_ =	swait.ge [sflag:s4], $0x0  }
0x19: {  	s7 =	sld [smem:$0x3F9E]  }
0x1a: {  	s8 =	sadd.s32 $0xFFFFE003, lr  }
0x1b: {  	s9 =	sadd.s32 $0xFFFFFEF7, lr;
	s5 =	simm.s32 $0xFFFFFFFF;
	p2 =	slt.u32 s8, $0xFFFFF086  }
0x1c: {  	p1 =	slt.u32 s9, $0xF7A;
	s5 =	simm.s32 @!p2 $0x0  }
0x1d: {  	s5 =	simm.s32 @p1 $0x1;
	p0 =	seq.s32 s7, s2  }
0x1e: {  	s7 =	smul.u32 @!p0 $0xF7A, s2;
	p2 =	seq.s32 @!p0 s5, $0x0  }
0x1f: {  	s9 =	smul.u32 $0xF7A, s1;
	s8 =	simm.s32 @!p0 $0x1BF5;
	p2 =	por !p2, p0  }
0x20: {  	[sflag:s8] =	ssyncset.s32 @!p0 $0xFFFFF086;
	s6 =	sadd.s32 @!p0 s3, s7;
	s7 =	simm.s32 @!p0 $0x108  }
0x21: {  	s3 =	sadd.s32 s3, s9;
	s6 =	sadd.s32 @!p0 $0x88, s6;
	s7 =	simm.s32 @p2 $0x1082  }
0x22: {  	[simem:s7], [sflag:s8] =	dma.local @!p0 [hbm:s6], $0xF7A  }
0x23: {  	s9 =	sor.u32 $0xD0000000, s2;
	s6 =	simm.s32 $0x108;
	_ =	swait.ge @!p0 [sflag:s8], $0x0  }
0x24: {  	s3 =	sadd.s32 $0x88, s3;
	s6 =	simm.s32 @!p1 $0x1082;
	[sflag:s4] =	ssyncset.s32 $0xFFFFF086  }
0x25: {  	[simem:s6], [sflag:s4] =	dma.local [hbm:s3], $0xF7A  }
0x26: {  	[smem:$0x3F9E] =	sst s1;
	(tag) =	ssettag s2;
	_ =	strace s9  }
0x27: {  	s1 =	sld [smem:$0x3FAE]  }
0x28: {  	s2 =	sld [smem:$0x3FAF]  }
0x29: {  	s4 =	sld [smem:$0x3FB1]  }
0x2a: {  	p0 =	seq.s32 s5, $0x0;
	s5 =	sld [smem:$0x3FB2]  }
0x2b: {  	s6 =	sld [smem:$0x3FB3]  }
0x2c: {  	s7 =	sld [smem:$0x3FB4]  }
0x2d: {  	s3 =	simm.s32 $0x108;
	s8 =	sld [smem:$0x3FB5]  }
0x2e: {  	s3 =	simm.s32 @!p0 $0x1082;
	s9 =	sld [smem:$0x3FB6]  }
0x2f: {  	lr =	sadd.s32 s0, s3;
	s0 =	sld [smem:$0x3FAD]  }
0x30: {  	s3 =	sld [smem:$0x3FB0]  }
0x31: {  	[smem:$0x3FB9] =	sst s10  }
0x32: {  	s10 =	sld [smem:$0x3FB7];
	_ =	sdelay $0x3  }
0x33: {  	p0 =	seq.s32 s10, $0x1;
	s10 =	sld [smem:$0x3FB9];
	_ =	sdelay $0x3  }
0x34: {  	[smem:$0x3FB9] =	sst s10  }
0x35: {  	s10 =	sld [smem:$0x3FB8];
	_ =	sdelay $0x3  }
0x36: {  	p1 =	seq.s32 s10, $0x1;
	s10 =	sld [smem:$0x3FB9];
	_ =	sdelay $0x3  }
0x37: {  	[smem:$0x3FB9] =	sst s10  }
0x38: {  	s10 =	sld [smem:$0x3FBA]  }
0x39: {  	_ = 	snop;
	(pc) =	sbr.ind lr, $3  }
0x3a: {  	_ = 	snop  }
0x3b: {  	_ = 	snop  }
0x3c: {  	p2 =	seq.s32 s10, $0x1;
	s10 =	sld [smem:$0x3FB9]  }
0x3d: {  	_ =	shalt  }
0x3e: {  	_ =	shalt  }
0x3f: {  	_ =	shalt  }
0x40: {  	_ =	shalt  }
0x41: {  	_ =	shalt  }
0x42: {  	_ =	shalt  }
0x43: {  	_ =	shalt  }
0x44: {  	_ =	shalt  }
0x45: {  	_ =	shalt  }
0x46: {  	_ =	shalt  }
0x47: {  	_ =	shalt  }
0x48: {  	_ =	shalt  }
0x49: {  	_ =	shalt  }
0x4a: {  	_ =	shalt  }
0x4b: {  	_ =	shalt  }
0x4c: {  	_ =	shalt  }
0x4d: {  	_ =	shalt  }
0x4e: {  	_ =	shalt  }
0x4f: {  	_ =	shalt  }
0x50: {  	_ =	shalt  }
0x51: {  	_ =	shalt  }
0x52: {  	_ =	shalt  }
0x53: {  	_ =	shalt  }
0x54: {  	_ =	shalt  }
0x55: {  	_ =	shalt  }
0x56: {  	_ =	shalt  }
0x57: {  	_ =	shalt  }
0x58: {  	_ =	shalt  }
0x59: {  	_ =	shalt  }
0x5a: {  	_ =	shalt  }
0x5b: {  	_ =	shalt  }
0x5c: {  	_ =	shalt  }
0x5d: {  	_ =	shalt  }
0x5e: {  	_ =	shalt  }
0x5f: {  	_ =	shalt  }
0x60: {  	_ =	shalt  }
0x61: {  	_ =	shalt  }
0x62: {  	_ =	shalt  }
0x63: {  	_ =	shalt  }
0x64: {  	_ =	shalt  }
0x65: {  	_ =	shalt  }
0x66: {  	_ =	shalt  }
0x67: {  	_ =	shalt  }
0x68: {  	_ =	shalt  }
0x69: {  	_ =	shalt  }
0x6a: {  	_ =	shalt  }
0x6b: {  	_ =	shalt  }
0x6c: {  	_ =	shalt  }
0x6d: {  	_ =	shalt  }
0x6e: {  	_ =	shalt  }
0x6f: {  	_ =	shalt  }
0x70: {  	_ =	shalt  }
0x71: {  	_ =	shalt  }
0x72: {  	_ =	shalt  }
0x73: {  	_ =	shalt  }
0x74: {  	_ =	shalt  }
0x75: {  	_ =	shalt  }
0x76: {  	_ =	shalt  }
0x77: {  	_ =	shalt  }
0x78: {  	_ =	shalt  }
0x79: {  	_ =	shalt  }
0x7a: {  	_ =	shalt  }
0x7b: {  	_ =	shalt  }
0x7c: {  	_ =	shalt  }
0x7d: {  	_ =	shalt  }
0x7e: {  	_ =	shalt  }
0x7f: {  	_ =	shalt  }
0x80: {  	_ =	shalt  }
0x81: {  	_ =	shalt  }
0x82: {  	_ =	shalt  }
0x83: {  	_ =	shalt  }
0x84: {  	_ =	shalt  }
0x85: {  	_ =	shalt  }
0x86: {  	_ =	shalt  }
0x87: {  	_ =	shalt  }
.Lfunc_end0:
.L_simem_size_0:
called_computation_lowered:
.L_overlay_start_0:
0x88: {  	s2 =	sld [smem:$0x3FD9]  }
0x89: {  	s3 =	sld [smem:$0x3FFE];
	_ =	sdelay $0x1  }
0x8a: {  	s1 =	srdreg.scid  }
0x8b: {  	s0 =	sand.u32 $0x1, s1  }
0x8c: {  	s14 =	sshll.u32 s0, $0xA;
	s2 =	sadd.s32 s3, s2  }
0x8d: {  	s2 =	sadd.s32 s2, s14  }
0x8e: {  	[smem:$0x3FC5] =	sst s2  }
0x8f: {  	_ = 	snop  }
0x90: {  	s2 =	sld [smem:$0x3FD0];
	_ =	sdelay $0x2  }
0x91: {  	s15 =	simm.s32 $0xA;
	s4 =	simm.s32 $0x10  }
0x92: {  	[smem:s4], [sflag:s15] =	dma.local [hbm:s2], $0x1  }
0x93: {  	_ =	swait.eq [sflag:s15], $0x1  }
0x94: {  	[sflag:s15] =	ssyncset.done $0x0  }
0x95: {  	[sflag:s15] =	ssyncadd.s32 $0xFFFFFFFF  }
0x96: {  	s16 =	sld [smem:$0x11];
	(tm) =	ssettm $0x1  }
0x97: {  	s17 =	sld [smem:$0x3FFB];
	_ =	sdelay $0x3  }
0x98: {  	_ =	strace s17  }
0x99: {  	s3 =	sld [smem:$0x3FFC];
	_ =	sdelay $0x3  }
0x9a: {  	_ =	strace s3  }
0x9b: {  	s3 =	sld [smem:$0x3FFD];
	_ =	sdelay $0x3  }
0x9c: {  	_ =	strace s3  }
0x9d: {  	_ =	strace $0x8FFFFFFF  }
0x9e: {  	s18 =	sld [smem:$0x3FDB];
	_ =	sdelay $0x1  }
0x9f: {  	s19 =	simm.s32 $_scs_section_size  }
0xa0: {  	s5 =	simm.s32 $_size__tile_overlayer_lowered;
	s6 =	simm.s32 $_tile_overlayer_lowered  }
0xa1: {  	s22 =	simm.s32 $0x1BFF;
	s21 =	sshll.u32 s6, $0x1;
	s3 =	sadd.s32 s19, s18  }
0xa2: {  	s7 =	simm.s32 $0x0;
	s20 =	sshll.u32 s5, $0x1;
	s5 =	sadd.s32 s21, s3  }
0xa3: {  	[timem:s7], [sflag:s22] =	dma.local [hbm:s5], s20  }
0xa4: {  	_ =	swait.ge [sflag:s22], s20  }
0xa5: {  	s4 =	ssub.s32 $0x0, s20;
	[sflag:s22] =	ssyncset.done $0x0  }
0xa6: {  	[sflag:s22] =	ssyncadd.s32 s4;
	_ =	sdelay $0x1  }
0xa7: {  	s23 =	simm.s32 $0x1B8B  }
0xa8: {  	_ =	swait.ge [sflag:s23], $0x1  }
0xa9: {  	[sflag:s23] =	ssyncset.done $0x0  }
0xaa: {  	s25 =	simm.s32 $0x1B8E;
	s24 =	sld [smem:$0x3FFE];
	[sflag:s23] =	ssyncadd.s32 $0xFFFFFFFF  }
0xab: {  	s26 =	simm.s32 $execute0_lowered;
	[smem:$0x3FD2] =	sst s25  }
0xac: {  	s5 =	sshll.u32 s26, $0x1;
	_ =	strace $0x80000046;
	[dreg:$0x1] =	wrdreg $0xFFFFFFFF  }
0xad: {  	s28 =	simm.s32 $_size_execute0_lowered;
	s3 =	sadd.s32 s3, s5;
	[dreg:$0x0] =	wrdreg $0x0  }
0xae: {  	s5 =	sshll.u32 s28, $0x1;
	[dreg:$0x2] =	wrdreg s3  }
0xaf: {  	[dreg:$0x3] =	wrdreg s5  }
0xb0: {  	[dreg:$0x4] =	wrdreg $0xC0  }
0xb1: {  	_ =	task [dreg:s7], $0x5FFFF  }
0xb2: {  	[dreg:$0x1] =	wrdreg $0xFFFFFFFF  }
0xb3: {  	[dreg:$0x0] =	wrdreg $0x60  }
0xb4: {  	[dreg:$0x2] =	wrdreg s24  }
0xb5: {  	[dreg:$0x3] =	wrdreg s16  }
0xb6: {  	[dreg:$0x4] =	wrdreg $0x9  }
0xb7: {  	_ =	task.clear_ibuf [dreg:s7], $0x5FFFF;
	_ =	strace $0x90000046  }
0xb8: {  	s29 =	simm.s32 $0x9;
	_ =	strace $0x80000048  }
0xb9: {  	_ =	swait.ge [sflag:s29], $0x1  }
0xba: {  	[sflag:s29] =	ssyncadd.s32 $0xFFFFFFFF  }
0xbb: {  	_ =	strace $0x90000048  }
0xbc: {  	_ =	sfence  }
0xbd: {  	s30 =	sld [smem:$0x0];
	_ =	sdelay $0x2  }
0xbe: {  	s31 =	sshll.u32 s1, $0xD;
	s1 =	sshrl.u32 s1, $0x2  }
0xbf: {  	s3 =	sand.u32 $0x4000, s31;
	s1 =	sadd.s32 s1, s30  }
0xc0: {  	s0 =	sor.u32 s3, s0;
	s1 =	sshll.u32 s1, $0x11  }
0xc1: {  	s0 =	sor.u32 s1, s0  }
0xc2: {  	s0 =	sadd.s32 $0x8F2B, s0  }
0xc3: {  	[sflag:s0] =	ssyncadd.remote.s32 $0x1  }
0xc4: {  	_ =	sfence.sel $0xFFFF  }
0xc5: {  	[dreg:$0x0] =	wrdreg $0xFFFFFFFF;
	(pc) =	sbr.abs _section_cstart, $3  }
0xc6: {  	[dreg:$0x1] =	wrdreg $0xFFFFFFFF  }
0xc7: {  	_ =	task.clear_ibuf [dreg:s7], $0x2FFFF;
	_ =	strace $0x9FFFFFFF  }
0xc8: {  	(tm) =	ssettm $0x7FFFFFFF  }
0xc9: {  	_ =	shalt  }
tec
execute0_lowered:
.L_overlay_start_1:
0x0: {  	(tag) =	ssettag $0x1  }
0x1: {  	s4 =	rddreg [dreg:$0x0]  }
0x2: {  	s5 =	rddreg [dreg:$0x1]  }
0x3: {  	s0 =	rddreg [dreg:$0x2];
	s1 =	simm.s32 $0x0  }
0x4: {  	s6 =	srdreg.scid;
	s2 =	stileid.u32;
	s12 =	simm.s32 $0x1  }
0x5: {  	s13 =	simm.s32 $0x2;
	s14 =	simm.s32 $0x0;
	[smem:$0x7FF] =	sst s1  }
0x6: {  	s3 =	sadd.s32 $0x800600, s4;
	s6 =	sand.u32 $0x1, s6;
	s7 =	sadd.s32 $0x600, s4  }
0x7: {  	s8 =	sshll.u32 s2, $0xC;
	s10 =	sshll.u32 s2, $0x12;
	_ =	strace $0x80000047  }
0x8: {  	s29 =	ssub.s32 $0x2, s6;
	s9 =	sshll.u32 s6, $0xB;
	s6 =	sshll.u32 s6, $0x11  }
0x9: {  	s11 =	sshrl.u32 s29, $0x1;
	s8 =	sor.u32 s9, s8;
	s6 =	sor.u32 s6, s10  }
0xa: {  	s9 =	simm.s32 $0x80;
	s10 =	simm.s32 $0x4000;
	s30 =	ssub.s32 s29, s11  }
0xb: {  	s4 =	sadd.s32 s5, s8;
	s31 =	sor.u32 $0x400, s6;
	s6 =	sshrl.u32 s6, $0x3  }
0xc: {  	s11 =	simm.s32 $0x4400;
	s5 =	smax.u32 s30, $0x1;
	s8 =	sshrl.u32 s31, $0x3  }
0xd: {  	s6 =	sadd.s32 s6, s7;
	s7 =	sadd.s32 s8, s7;
	s8 =	simm.s32 $0x3  }
.LBB2_1:
0xe: {  	[tilespmem:s1], [sflag:$0x3] =	stream.linear.gather [hbm4b:s4+s1], $0x4000, $0x38;
	[tilespmem:$0x4800] =	vst v63  }
0xf: {  	_ =	swait.ge [sflag:s8], $0x4000  }
0x10: {  	[sflag:s8] =	ssyncset.done $0x0  }
0x11: {  	[sflag:s8] =	ssyncadd.s32 $0xFFFFC000  }
0x12: {  	[tilespmem:s10], [sflag:$0x1] =	stream.indirect.gather [hbm4b:s3+s9], $0x8, s1, s9, $0xb8;
	[tilespmem:$0x4800] =	vst v63  }
0x13: {  	s15 =	simm.s32 $0x80  }
0x14: {  	[tilespmem:s11], [sflag:$0x2] =	stream.indirect.gather [hbm4b:s3+s9], $0x8, s15, s9, $0xb8;
	[tilespmem:$0x4800] =	vst v63  }
0x15: {  	_ =	swait.ge [sflag:s12], $0x400  }
0x16: {  	[sflag:s12] =	ssyncset.done $0x0  }
0x17: {  	s30 =	sadd.s32 $0x0, s6;
	[sflag:s12] =	ssyncadd.s32 $0xFFFFFC00  }
0x18: {  	[hbm4b:s30+s1] =	stream.linear.scatter [tilespmem:s10], [sflag:$0x3], $0x400, $0x38;
	[tilespmem:$0x4800] =	vst v63  }
0x19: {  	_ =	swait.ge [sflag:s8], $0x400  }
0x1a: {  	[sflag:s8] =	ssyncset.done $0x0  }
0x1b: {  	[sflag:s8] =	ssyncadd.s32 $0xFFFFFC00  }
0x1c: {  	_ =	swait.ge [sflag:s13], $0x400  }
0x1d: {  	[sflag:s13] =	ssyncset.done $0x0  }
0x1e: {  	s31 =	sadd.s32 $0x0, s7;
	[sflag:s13] =	ssyncadd.s32 $0xFFFFFC00  }
0x1f: {  	[hbm4b:s31+s1] =	stream.linear.scatter [tilespmem:s11], [sflag:$0x3], $0x400, $0x38;
	[tilespmem:$0x4800] =	vst v63  }
0x20: {  	_ =	swait.ge [sflag:s8], $0x400  }
0x21: {  	s16 =	simm.s32 $0x0;
	s15 =	simm.s32 $0x100;
	[sflag:s8] =	ssyncset.done $0x0  }
.LBB2_2:
0x22: {  	p0 =	sne.s32 s15, $0x3F00;
	[sflag:s8] =	ssyncadd.s32 $0xFFFFFC00;
	s16 =	sadd.s32 $0x100, s16  }
0x23: {  	[tilespmem:s10], [sflag:$0x1] =	stream.indirect.gather [hbm4b:s3+s9], $0x8, s16, s9, $0xb8;
	[tilespmem:$0x4800] =	vst v63  }
0x24: {  	s18 =	smov.u32 s15;
	s15 =	sadd.s32 $0x100, s15;
	s17 =	sadd.s32 $0x80, s16  }
0x25: {  	[tilespmem:s11], [sflag:$0x2] =	stream.indirect.gather [hbm4b:s3+s9], $0x8, s17, s9, $0xb8;
	[tilespmem:$0x4800] =	vst v63  }
0x26: {  	_ =	swait.ge [sflag:s12], $0x400  }
0x27: {  	[sflag:s12] =	ssyncset.done $0x0  }
0x28: {  	s17 =	sadd.s32 s18, s6;
	[sflag:s12] =	ssyncadd.s32 $0xFFFFFC00  }
0x29: {  	[hbm4b:s17+s1] =	stream.linear.scatter [tilespmem:s10], [sflag:$0x3], $0x400, $0x38;
	[tilespmem:$0x4800] =	vst v63  }
0x2a: {  	_ =	swait.ge [sflag:s8], $0x400  }
0x2b: {  	[sflag:s8] =	ssyncset.done $0x0  }
0x2c: {  	[sflag:s8] =	ssyncadd.s32 $0xFFFFFC00  }
0x2d: {  	_ =	swait.ge [sflag:s13], $0x400  }
.Ltmp0:
0x2e: {  	[sflag:s13] =	ssyncset.done $0x0;
	(pc) =	sbr.rel @p0 .LBB2_2-.Ltmp0, $4  }
0x2f: {  	s17 =	sadd.s32 s18, s7;
	[sflag:s13] =	ssyncadd.s32 $0xFFFFFC00  }
0x30: {  	[hbm4b:s17+s1] =	stream.linear.scatter [tilespmem:s11], [sflag:$0x3], $0x400, $0x38;
	[tilespmem:$0x4800] =	vst v63  }
0x31: {  	_ =	swait.ge [sflag:s8], $0x400  }
0x32: {  	[sflag:s8] =	ssyncset.done $0x0  }
0x33: {  	s14 =	sadd.s32 $0x1, s14  }
0x34: {  	p0 =	sne.s32 s14, s5  }
.Ltmp1:
0x35: {  	_ = 	snop;
	(pc) =	sbr.rel @p0 .LBB2_1-.Ltmp1, $2  }
0x36: {  	_ =	sdelay $0x2  }
0x37: {  	[sflag:s8] =	ssyncadd.s32 $0xFFFFFC00  }
0x38: {  	_ =	sfence.sel $0x180000  }
0x39: {  	[bflag:$0x0] =	sbarrier.arrive $0xFFFF  }
0x3a: {  	p0 =	sne.s32 s2, $0x0;
	_ =	strace $0x90000047  }
0x3b: {  	s0 =	sadd.s32 @!p0 $0x100000, s0;
	[bflag:$0x2] =	sbarrier.arrive $0xFFFF  }
0x3c: {  	[sflag:s0] =	ssyncadd.tile.s32 @!p0 $0x1;
	_ =	shalt  }
.Lfunc_end2:
_tile_overlayer_lowered:
.L_overlay_start_2:
0x3d: {  	(tag) =	ssettag $0x2  }
0x3e: {  	s0 =	rddreg [dreg:$0x0];
	s2 =	stileid.u32  }
0x3f: {  	s1 =	rddreg [dreg:$0x1];
	p0 =	sne.s32 s2, $0x0  }
0x40: {  	s3 =	rddreg [dreg:$0x2];
	[bflag:$0x3] =	sbarrier.arrive $0xFFFF;
	s2 =	simm.s32 @!p0 $0x1C03  }
0x41: {  	[timem:s3], [sflag:s2] =	dma.local @!p0 [hbm:s0], s1  }
0x42: {  	s0 =	simm.s32 @!p0 $0x3  }
0x43: {  	_ =	swait.ge @!p0 [sflag:s0], s1  }
0x44: {  	s1 =	ssub.s32 @!p0 $0x0, s1;
	[sflag:s0] =	ssyncset.done @!p0 $0x0  }
0x45: {  	[sflag:s0] =	ssyncadd.s32 @!p0 s1  }
0x46: {  	[bflag:$0x3] =	sbarrier.arrive $0xFFFF  }
0x47: {  	_ =	shalt  }

</sc_bundles>
